<compile_context>
chip_gen: v7x
topology: tpu7x:2x2x1
jax: 0.10.2.dev20260603
libtpu: 0.0.44.dev20260713+nightly
codegen_flags: <defaults>
</compile_context>

<pallas_src>
import functools

import jax
import jax.numpy as jnp
from jax import lax
from jax.experimental import pallas as pl
from jax.experimental.pallas import tpu as pltpu
from jax.experimental.pallas import tpu_sc as plsc

_LANES = 16


@functools.cache
def _make_sc_kernel(N, D, V):
    info = plsc.get_sparse_core_info()
    NC, NS = info.num_cores, info.num_subcores
    NW = NC * NS
    RPW = N // NW
    C = 16
    NCH = RPW // C
    NBUF = 2

    mesh = plsc.VectorSubcoreMesh(core_axis_name="c", subcore_axis_name="s")

    scratch = [pltpu.VMEM((RPW,), jnp.int32)]
    for _ in range(NBUF):
        scratch += [
            pltpu.VMEM((C, D), jnp.float32),
            pltpu.VMEM((C, D), jnp.float32),
            pltpu.VMEM((C, D), jnp.float32),
            pltpu.SemaphoreType.DMA,
            pltpu.SemaphoreType.DMA,
            pltpu.SemaphoreType.DMA,
        ]

    @functools.partial(
        pl.kernel,
        out_type=jax.ShapeDtypeStruct((N, D), jnp.float32),
        mesh=mesh,
        scratch_types=scratch,
    )
    def k(state_hbm, ts_hbm, table_hbm, out_hbm, idx_all, *bufs):
        wid = lax.axis_index("s") * NC + lax.axis_index("c")
        base = wid * RPW

        rows = [bufs[6 * b + 0] for b in range(NBUF)]
        st = [bufs[6 * b + 1] for b in range(NBUF)]
        outv = [bufs[6 * b + 2] for b in range(NBUF)]
        gsem = [bufs[6 * b + 3] for b in range(NBUF)]
        ssem = [bufs[6 * b + 4] for b in range(NBUF)]
        osem = [bufs[6 * b + 5] for b in range(NBUF)]

        def issue_gather(g, b):
            idx_vec = idx_all[pl.ds(g * C, C)]
            pltpu.async_copy(table_hbm.at[idx_vec], rows[b], gsem[b])

        def issue_state(g, b):
            pltpu.async_copy(state_hbm.at[pl.ds(base + g * C, C)], st[b], ssem[b])

        def issue_in(g, b):
            issue_gather(g, b)
            issue_state(g, b)

        def wait_in(b):
            idx_vec = idx_all[pl.ds(0, C)]
            pltpu.make_async_copy(table_hbm.at[idx_vec], rows[b], gsem[b]).wait()
            pltpu.make_async_copy(state_hbm.at[pl.ds(base, C)], st[b], ssem[b]).wait()

        for b in range(NBUF):
            issue_state(jnp.int32(b), b)
        pltpu.sync_copy(ts_hbm.at[pl.ds(base, RPW)], idx_all)
        for b in range(NBUF):
            issue_gather(jnp.int32(b), b)

        def body(i, carry):
            for b in range(NBUF):
                g = i * NBUF + b
                wait_in(b)

                @pl.when(i > 0)
                def _(b=b):
                    pltpu.make_async_copy(
                        outv[b], out_hbm.at[pl.ds(base, C)], osem[b]
                    ).wait()

                for r in range(C):
                    def _add(j, b=b, r=r):
                        sl = pl.ds(j, _LANES)
                        outv[b][r, sl] = rows[b][r, sl] + st[b][r, sl]
                    plsc.parallel_loop(0, D, _LANES, unroll=8)(_add)

                pltpu.async_copy(outv[b], out_hbm.at[pl.ds(base + g * C, C)], osem[b])

                @pl.when(g + NBUF < NCH)
                def _(b=b, g=g):
                    issue_in(g + NBUF, b)
            return carry

        lax.fori_loop(0, NCH // NBUF, body, 0)

        for b in range(NBUF):
            pltpu.make_async_copy(outv[b], out_hbm.at[pl.ds(base, C)], osem[b]).wait()

    return k


def kernel(state, timestep, embed_table):
    B, L, D = state.shape
    N = B * L
    k = _make_sc_kernel(N, D, embed_table.shape[0])
    out = k(state.reshape(N, D), timestep.reshape(N), embed_table)
    return out.reshape(B, L, D)

# --- scband reference (transcript-rebuilt; emitter-appended) ---
"""Pipeline reference for scband-positional-encoder-24386824307214 (READ-ONLY COPY).

The authoritative reference and input builder live on the scoring server;
editing this copy changes nothing except your own understanding.
"""

import jax, jax.numpy as jnp
import numpy as np


def setup_inputs(seed: int = 0) -> dict:
    key = jax.random.key(seed)
    k1, k2, k3 = jax.random.split(key, 3)
    state = jax.random.normal(k1, (4, 4096, 1024), dtype=jnp.float32)
    timestep = jax.random.randint(k2, (4, 4096), 0, 4096, dtype=jnp.int64 if jax.config.read('jax_enable_x64') else jnp.int32).astype(jnp.int32)
    embed_table = jax.random.normal(k3, (4096, 1024), dtype=jnp.float32)
    return {"state": state, "timestep": timestep, "embed_table": embed_table}


def reference(state, timestep, embed_table):
    # PositionalEncoder.forward: x = state + embedding(timestep); dropout in eval mode = identity
    pos = jnp.take(embed_table, timestep, axis=0)  # [B, L, d_model]
    x = state + pos
    return x

if __name__ == "__main__":
    import jax
    _d = setup_inputs()
    print(jax.jit(kernel)(*tuple(_d.values())))

</pallas_src>

<mosaic_0001>
#map = affine_map<(d0, d1) -> (0, 0)>
#map1 = affine_map<(d0, d1) -> (0)>
module attributes {stable_mosaic.version = 14 : i64} {
  func.func @k(%arg0: i32, %arg1: i32, %arg2: memref<16384x1024xf32, #tpu.memory_space<hbm>>, %arg3: memref<16384xi32, #tpu.memory_space<hbm>>, %arg4: memref<4096x1024xf32, #tpu.memory_space<hbm>>, %arg5: memref<16384x1024xf32, #tpu.memory_space<hbm>>, %arg6: memref<512xi32, #tpu.memory_space<vmem>>, %arg7: memref<16x1024xf32, #tpu.memory_space<vmem>>, %arg8: memref<16x1024xf32, #tpu.memory_space<vmem>>, %arg9: memref<16x1024xf32, #tpu.memory_space<vmem>>, %arg10: memref<!tpu.dma_semaphore, #tpu.memory_space<semaphore_mem>>, %arg11: memref<!tpu.dma_semaphore, #tpu.memory_space<semaphore_mem>>, %arg12: memref<!tpu.dma_semaphore, #tpu.memory_space<semaphore_mem>>, %arg13: memref<16x1024xf32, #tpu.memory_space<vmem>>, %arg14: memref<16x1024xf32, #tpu.memory_space<vmem>>, %arg15: memref<16x1024xf32, #tpu.memory_space<vmem>>, %arg16: memref<!tpu.dma_semaphore, #tpu.memory_space<semaphore_mem>>, %arg17: memref<!tpu.dma_semaphore, #tpu.memory_space<semaphore_mem>>, %arg18: memref<!tpu.dma_semaphore, #tpu.memory_space<semaphore_mem>>) attributes {dimension_semantics = [#tpu.dimension_semantics<core_parallel>, #tpu.dimension_semantics<subcore_parallel>], iteration_bounds = array<i64: 2, 16>, scalar_prefetch = 0 : i64, scratch_operands = 13 : i64, tpu.core_type = #tpu.core_type<sc_vector_subcore>, window_params = [{transform_indices = #map}, {transform_indices = #map1}, {transform_indices = #map}, {transform_indices = #map}]} {
    %mul3A = arith.constant 2 : i32
    %mul3A_0 = arith.muli %arg1, %mul3A : i32
    %add3A = arith.addi %mul3A_0, %arg0 : i32
    %mul3A_1 = arith.constant 512 : i32
    %mul3A_2 = arith.muli %add3A, %mul3A_1 : i32
    %mul3A_3 = arith.constant 0 : i32
    %mul3A_4 = arith.constant 16 : i32
    %mul3A_5 = arith.muli %mul3A_3, %mul3A_4 : i32
    %add3A_6 = arith.addi %mul3A_2, %mul3A_5 : i32
    %dma_start3A = arith.constant 0 : i32
    %dma_start3A_7 = tpu.memref_slice %arg2[%add3A_6, %dma_start3A] : memref<16384x1024xf32, #tpu.memory_space<hbm>> -> memref<16x1024xf32, #tpu.memory_space<hbm>>
    %dma_start3A_8 = arith.constant 0 : i32
    %dma_start3A_9 = tpu.memref_slice %arg2[%add3A_6, %dma_start3A_8] : memref<16384x1024xf32, #tpu.memory_space<hbm>> -> memref<16x1024xf32, #tpu.memory_space<hbm>>
    tpu.enqueue_dma source(%dma_start3A_9 : memref<16x1024xf32, #tpu.memory_space<hbm>>) target(%arg8 : memref<16x1024xf32, #tpu.memory_space<vmem>>) target_semaphore(%arg11 : memref<!tpu.dma_semaphore, #tpu.memory_space<semaphore_mem>>)
    %mul3A_10 = arith.constant 1 : i32
    %mul3A_11 = arith.constant 16 : i32
    %mul3A_12 = arith.muli %mul3A_10, %mul3A_11 : i32
    %add3A_13 = arith.addi %mul3A_2, %mul3A_12 : i32
    %dma_start3A_14 = arith.constant 0 : i32
    %dma_start3A_15 = tpu.memref_slice %arg2[%add3A_13, %dma_start3A_14] : memref<16384x1024xf32, #tpu.memory_space<hbm>> -> memref<16x1024xf32, #tpu.memory_space<hbm>>
    %dma_start3A_16 = arith.constant 0 : i32
    %dma_start3A_17 = tpu.memref_slice %arg2[%add3A_13, %dma_start3A_16] : memref<16384x1024xf32, #tpu.memory_space<hbm>> -> memref<16x1024xf32, #tpu.memory_space<hbm>>
    tpu.enqueue_dma source(%dma_start3A_17 : memref<16x1024xf32, #tpu.memory_space<hbm>>) target(%arg14 : memref<16x1024xf32, #tpu.memory_space<vmem>>) target_semaphore(%arg17 : memref<!tpu.dma_semaphore, #tpu.memory_space<semaphore_mem>>)
    "tpu.region"() ({
      %run_scoped3A = tpu.sem_alloc : memref<!tpu.dma_semaphore, #tpu.memory_space<semaphore_mem>>
      %dma_start3A_47 = tpu.memref_slice %arg3[%mul3A_2] : memref<16384xi32, #tpu.memory_space<hbm>> -> memref<512xi32, #tpu.memory_space<hbm>>
      %dma_start3A_48 = tpu.memref_slice %arg3[%mul3A_2] : memref<16384xi32, #tpu.memory_space<hbm>> -> memref<512xi32, #tpu.memory_space<hbm>>
      tpu.enqueue_dma source(%dma_start3A_48 : memref<512xi32, #tpu.memory_space<hbm>>) target(%arg6 : memref<512xi32, #tpu.memory_space<vmem>>) target_semaphore(%run_scoped3A : memref<!tpu.dma_semaphore, #tpu.memory_space<semaphore_mem>>)
      %dma_wait3A_49 = tpu.memref_slice %arg3[%mul3A_2] : memref<16384xi32, #tpu.memory_space<hbm>> -> memref<512xi32, #tpu.memory_space<hbm>>
      %dma_wait3A_50 = tpu.memref_slice %arg3[%mul3A_2] : memref<16384xi32, #tpu.memory_space<hbm>> -> memref<512xi32, #tpu.memory_space<hbm>>
      tpu.wait_dma2 semaphore(%run_scoped3A : memref<!tpu.dma_semaphore, #tpu.memory_space<semaphore_mem>>) src(%dma_wait3A_50 : memref<512xi32, #tpu.memory_space<hbm>>) dst(%arg6 : memref<512xi32, #tpu.memory_space<vmem>>)
      tpu.yield
    }) : () -> ()
    %mul3A_18 = arith.constant 0 : i32
    %mul3A_19 = arith.constant 16 : i32
    %mul3A_20 = arith.muli %mul3A_18, %mul3A_19 : i32
    %get3A = arith.index_cast %mul3A_20 : i32 to index
    %get3A_21 = tpu.vector_load %arg6[%get3A] {strides = array<i32>} : memref<512xi32, #tpu.memory_space<vmem>>, vector<16xi32>,
    %get3A_22 = vector.shape_cast %get3A_21 : vector<16xi32> to vector<16xi32>
    %dma_start3A_23 = arith.constant 0 : i32
    %dma_start3A_24 = arith.constant 0 : i32
    %dma_start3A_25 = tpu.memref_slice %arg4[%dma_start3A_23, %dma_start3A_24] : memref<4096x1024xf32, #tpu.memory_space<hbm>> -> memref<4096x1024xf32, #tpu.memory_space<hbm>>
    tpu.enqueue_indirect_dma source(%dma_start3A_25 : memref<4096x1024xf32, #tpu.memory_space<hbm>>) target(%arg7 : memref<16x1024xf32, #tpu.memory_space<vmem>>) offsets(%get3A_22 : vector<16xi32>) semaphore(%arg10 : memref<!tpu.dma_semaphore, #tpu.memory_space<semaphore_mem>>)
    %mul3A_26 = arith.constant 1 : i32
    %mul3A_27 = arith.constant 16 : i32
    %mul3A_28 = arith.muli %mul3A_26, %mul3A_27 : i32
    %get3A_29 = arith.index_cast %mul3A_28 : i32 to index
    %get3A_30 = tpu.vector_load %arg6[%get3A_29] {strides = array<i32>} : memref<512xi32, #tpu.memory_space<vmem>>, vector<16xi32>,
    %get3A_31 = vector.shape_cast %get3A_30 : vector<16xi32> to vector<16xi32>
    %dma_start3A_32 = arith.constant 0 : i32
    %dma_start3A_33 = arith.constant 0 : i32
    %dma_start3A_34 = tpu.memref_slice %arg4[%dma_start3A_32, %dma_start3A_33] : memref<4096x1024xf32, #tpu.memory_space<hbm>> -> memref<4096x1024xf32, #tpu.memory_space<hbm>>
    tpu.enqueue_indirect_dma source(%dma_start3A_34 : memref<4096x1024xf32, #tpu.memory_space<hbm>>) target(%arg13 : memref<16x1024xf32, #tpu.memory_space<vmem>>) offsets(%get3A_31 : vector<16xi32>) semaphore(%arg16 : memref<!tpu.dma_semaphore, #tpu.memory_space<semaphore_mem>>)
    %scan3A = arith.constant 0 : i32
    %scan3A_35 = arith.constant 0 : i32
    %scan3A_36 = arith.constant 16 : i32
    %scan3A_37 = arith.addi %scan3A_35, %scan3A_36 : i32
    %scan3A_38 = arith.constant 1 : i32
    scf.for %scan3A_47 = %scan3A_35 to %scan3A_37 step %scan3A_38  : i32 {
      %mul3A_48 = arith.constant 2 : i32
      %mul3A_49 = arith.muli %scan3A_47, %mul3A_48 : i32
      %add3A_50 = arith.constant 0 : i32
      %add3A_51 = arith.addi %mul3A_49, %add3A_50 : i32
      %get3A_52 = arith.constant 0 : index
      %get3A_53 = tpu.vector_load %arg6[%get3A_52] {strides = array<i32>} : memref<512xi32, #tpu.memory_space<vmem>>, vector<16xi32>,
      %get3A_54 = vector.shape_cast %get3A_53 : vector<16xi32> to vector<16xi32>
      %dma_wait3A_55 = arith.constant 0 : i32
      %dma_wait3A_56 = arith.constant 0 : i32
      %dma_wait3A_57 = tpu.memref_slice %arg4[%dma_wait3A_55, %dma_wait3A_56] : memref<4096x1024xf32, #tpu.memory_space<hbm>> -> memref<4096x1024xf32, #tpu.memory_space<hbm>>
      tpu.wait_indirect_dma semaphore(%arg10 : memref<!tpu.dma_semaphore, #tpu.memory_space<semaphore_mem>>) src(%dma_wait3A_57 : memref<4096x1024xf32, #tpu.memory_space<hbm>>) dst(%arg7 : memref<16x1024xf32, #tpu.memory_space<vmem>>)
      %dma_wait3A_58 = arith.constant 0 : i32
      %dma_wait3A_59 = tpu.memref_slice %arg2[%mul3A_2, %dma_wait3A_58] : memref<16384x1024xf32, #tpu.memory_space<hbm>> -> memref<16x1024xf32, #tpu.memory_space<hbm>>
      %dma_wait3A_60 = arith.constant 0 : i32
      %dma_wait3A_61 = tpu.memref_slice %arg2[%mul3A_2, %dma_wait3A_60] : memref<16384x1024xf32, #tpu.memory_space<hbm>> -> memref<16x1024xf32, #tpu.memory_space<hbm>>
      tpu.wait_dma2 semaphore(%arg11 : memref<!tpu.dma_semaphore, #tpu.memory_space<semaphore_mem>>) src(%dma_wait3A_61 : memref<16x1024xf32, #tpu.memory_space<hbm>>) dst(%arg8 : memref<16x1024xf32, #tpu.memory_space<vmem>>)
      %gt3A = arith.constant 0 : i32
      %gt3A_62 = arith.cmpi sgt, %scan3A_47, %gt3A : i32
      %convert_element_type3A = arith.extui %gt3A_62 : i1 to i32
      %cond3A = arith.constant 0 : i32
      %cond3A_63 = arith.cmpi ne, %convert_element_type3A, %cond3A : i32
      scf.if %cond3A_63 {
        %dma_wait3A_205 = arith.constant 0 : i32
        %dma_wait3A_206 = tpu.memref_slice %arg5[%mul3A_2, %dma_wait3A_205] : memref<16384x1024xf32, #tpu.memory_space<hbm>> -> memref<16x1024xf32, #tpu.memory_space<hbm>>
        %dma_wait3A_207 = arith.constant 0 : i32
        %dma_wait3A_208 = tpu.memref_slice %arg5[%mul3A_2, %dma_wait3A_207] : memref<16384x1024xf32, #tpu.memory_space<hbm>> -> memref<16x1024xf32, #tpu.memory_space<hbm>>
        tpu.wait_dma2 semaphore(%arg12 : memref<!tpu.dma_semaphore, #tpu.memory_space<semaphore_mem>>) src(%arg9 : memref<16x1024xf32, #tpu.memory_space<vmem>>) dst(%dma_wait3A_208 : memref<16x1024xf32, #tpu.memory_space<hbm>>)
      } else {
      }
      %parallel_loop3A = arith.constant 0 : i32
      %parallel_loop3A_64 = arith.constant 1024 : i32
      %parallel_loop3A_65 = arith.constant 16 : i32
      scf.for %parallel_loop3A_205 = %parallel_loop3A to %parallel_loop3A_64 step %parallel_loop3A_65  : i32 {
        %parallel_loop3A_206 = arith.constant 0 : i32
        %parallel_loop3A_207 = arith.index_cast %parallel_loop3A_206 : i32 to index
        %parallel_loop3A_208 = arith.index_cast %parallel_loop3A_205 : i32 to index
        %parallel_loop3A_209 = tpu.vector_load %arg7[%parallel_loop3A_207, %parallel_loop3A_208] {strides = array<i32>} : memref<16x1024xf32, #tpu.memory_space<vmem>>, vector<1x16xf32>,
        %parallel_loop3A_210 = vector.shape_cast %parallel_loop3A_209 : vector<1x16xf32> to vector<16xf32>
        %parallel_loop3A_211 = arith.constant 0 : i32
        %parallel_loop3A_212 = arith.index_cast %parallel_loop3A_211 : i32 to index
        %parallel_loop3A_213 = arith.index_cast %parallel_loop3A_205 : i32 to index
        %parallel_loop3A_214 = tpu.vector_load %arg8[%parallel_loop3A_212, %parallel_loop3A_213] {strides = array<i32>} : memref<16x1024xf32, #tpu.memory_space<vmem>>, vector<1x16xf32>,
        %parallel_loop3A_215 = vector.shape_cast %parallel_loop3A_214 : vector<1x16xf32> to vector<16xf32>
        %parallel_loop3A_216 = arith.addf %parallel_loop3A_210, %parallel_loop3A_215 : vector<16xf32>
        %parallel_loop3A_217 = arith.constant 0 : i32
        %parallel_loop3A_218 = arith.index_cast %parallel_loop3A_217 : i32 to index
        %parallel_loop3A_219 = arith.index_cast %parallel_loop3A_205 : i32 to index
        %parallel_loop3A_220 = tpu.vector_load %arg9[%parallel_loop3A_218, %parallel_loop3A_219] {strides = array<i32>} : memref<16x1024xf32, #tpu.memory_space<vmem>>, vector<1x16xf32>,
        %parallel_loop3A_221 = vector.shape_cast %parallel_loop3A_220 : vector<1x16xf32> to vector<16xf32>
        %parallel_loop3A_222 = vector.shape_cast %parallel_loop3A_216 : vector<16xf32> to vector<1x16xf32>
        tpu.vector_store %arg9[%parallel_loop3A_218, %parallel_loop3A_219], %parallel_loop3A_222 {strides = array<i32>} : memref<16x1024xf32, #tpu.memory_space<vmem>>, vector<1x16xf32>,
      } {sc.loop_unroll_factor = 8 : i64, sc.parallel_access}
      %parallel_loop3A_66 = arith.constant 0 : i32
      %parallel_loop3A_67 = arith.constant 1024 : i32
      %parallel_loop3A_68 = arith.constant 16 : i32
      scf.for %parallel_loop3A_205 = %parallel_loop3A_66 to %parallel_loop3A_67 step %parallel_loop3A_68  : i32 {
        %parallel_loop3A_206 = arith.constant 1 : i32
        %parallel_loop3A_207 = arith.index_cast %parallel_loop3A_206 : i32 to index
        %parallel_loop3A_208 = arith.index_cast %parallel_loop3A_205 : i32 to index
        %parallel_loop3A_209 = tpu.vector_load %arg7[%parallel_loop3A_207, %parallel_loop3A_208] {strides = array<i32>} : memref<16x1024xf32, #tpu.memory_space<vmem>>, vector<1x16xf32>,
        %parallel_loop3A_210 = vector.shape_cast %parallel_loop3A_209 : vector<1x16xf32> to vector<16xf32>
        %parallel_loop3A_211 = arith.constant 1 : i32
        %parallel_loop3A_212 = arith.index_cast %parallel_loop3A_211 : i32 to index
        %parallel_loop3A_213 = arith.index_cast %parallel_loop3A_205 : i32 to index
        %parallel_loop3A_214 = tpu.vector_load %arg8[%parallel_loop3A_212, %parallel_loop3A_213] {strides = array<i32>} : memref<16x1024xf32, #tpu.memory_space<vmem>>, vector<1x16xf32>,
        %parallel_loop3A_215 = vector.shape_cast %parallel_loop3A_214 : vector<1x16xf32> to vector<16xf32>
        %parallel_loop3A_216 = arith.addf %parallel_loop3A_210, %parallel_loop3A_215 : vector<16xf32>
        %parallel_loop3A_217 = arith.constant 1 : i32
        %parallel_loop3A_218 = arith.index_cast %parallel_loop3A_217 : i32 to index
        %parallel_loop3A_219 = arith.index_cast %parallel_loop3A_205 : i32 to index
        %parallel_loop3A_220 = tpu.vector_load %arg9[%parallel_loop3A_218, %parallel_loop3A_219] {strides = array<i32>} : memref<16x1024xf32, #tpu.memory_space<vmem>>, vector<1x16xf32>,
        %parallel_loop3A_221 = vector.shape_cast %parallel_loop3A_220 : vector<1x16xf32> to vector<16xf32>
        %parallel_loop3A_222 = vector.shape_cast %parallel_loop3A_216 : vector<16xf32> to vector<1x16xf32>
        tpu.vector_store %arg9[%parallel_loop3A_218, %parallel_loop3A_219], %parallel_loop3A_222 {strides = array<i32>} : memref<16x1024xf32, #tpu.memory_space<vmem>>, vector<1x16xf32>,
      } {sc.loop_unroll_factor = 8 : i64, sc.parallel_access}
      %parallel_loop3A_69 = arith.constant 0 : i32
      %parallel_loop3A_70 = arith.constant 1024 : i32
      %parallel_loop3A_71 = arith.constant 16 : i32
      scf.for %parallel_loop3A_205 = %parallel_loop3A_69 to %parallel_loop3A_70 step %parallel_loop3A_71  : i32 {
        %parallel_loop3A_206 = arith.constant 2 : i32
        %parallel_loop3A_207 = arith.index_cast %parallel_loop3A_206 : i32 to index
        %parallel_loop3A_208 = arith.index_cast %parallel_loop3A_205 : i32 to index
        %parallel_loop3A_209 = tpu.vector_load %arg7[%parallel_loop3A_207, %parallel_loop3A_208] {strides = array<i32>} : memref<16x1024xf32, #tpu.memory_space<vmem>>, vector<1x16xf32>,
        %parallel_loop3A_210 = vector.shape_cast %parallel_loop3A_209 : vector<1x16xf32> to vector<16xf32>
        %parallel_loop3A_211 = arith.constant 2 : i32
        %parallel_loop3A_212 = arith.index_cast %parallel_loop3A_211 : i32 to index
        %parallel_loop3A_213 = arith.index_cast %parallel_loop3A_205 : i32 to index
        %parallel_loop3A_214 = tpu.vector_load %arg8[%parallel_loop3A_212, %parallel_loop3A_213] {strides = array<i32>} : memref<16x1024xf32, #tpu.memory_space<vmem>>, vector<1x16xf32>,
        %parallel_loop3A_215 = vector.shape_cast %parallel_loop3A_214 : vector<1x16xf32> to vector<16xf32>
        %parallel_loop3A_216 = arith.addf %parallel_loop3A_210, %parallel_loop3A_215 : vector<16xf32>
        %parallel_loop3A_217 = arith.constant 2 : i32
        %parallel_loop3A_218 = arith.index_cast %parallel_loop3A_217 : i32 to index
        %parallel_loop3A_219 = arith.index_cast %parallel_loop3A_205 : i32 to index
        %parallel_loop3A_220 = tpu.vector_load %arg9[%parallel_loop3A_218, %parallel_loop3A_219] {strides = array<i32>} : memref<16x1024xf32, #tpu.memory_space<vmem>>, vector<1x16xf32>,
        %parallel_loop3A_221 = vector.shape_cast %parallel_loop3A_220 : vector<1x16xf32> to vector<16xf32>
        %parallel_loop3A_222 = vector.shape_cast %parallel_loop3A_216 : vector<16xf32> to vector<1x16xf32>
        tpu.vector_store %arg9[%parallel_loop3A_218, %parallel_loop3A_219], %parallel_loop3A_222 {strides = array<i32>} : memref<16x1024xf32, #tpu.memory_space<vmem>>, vector<1x16xf32>,
      } {sc.loop_unroll_factor = 8 : i64, sc.parallel_access}
      %parallel_loop3A_72 = arith.constant 0 : i32
      %parallel_loop3A_73 = arith.constant 1024 : i32
      %parallel_loop3A_74 = arith.constant 16 : i32
      scf.for %parallel_loop3A_205 = %parallel_loop3A_72 to %parallel_loop3A_73 step %parallel_loop3A_74  : i32 {
        %parallel_loop3A_206 = arith.constant 3 : i32
        %parallel_loop3A_207 = arith.index_cast %parallel_loop3A_206 : i32 to index
        %parallel_loop3A_208 = arith.index_cast %parallel_loop3A_205 : i32 to index
        %parallel_loop3A_209 = tpu.vector_load %arg7[%parallel_loop3A_207, %parallel_loop3A_208] {strides = array<i32>} : memref<16x1024xf32, #tpu.memory_space<vmem>>, vector<1x16xf32>,
        %parallel_loop3A_210 = vector.shape_cast %parallel_loop3A_209 : vector<1x16xf32> to vector<16xf32>
        %parallel_loop3A_211 = arith.constant 3 : i32
        %parallel_loop3A_212 = arith.index_cast %parallel_loop3A_211 : i32 to index
        %parallel_loop3A_213 = arith.index_cast %parallel_loop3A_205 : i32 to index
        %parallel_loop3A_214 = tpu.vector_load %arg8[%parallel_loop3A_212, %parallel_loop3A_213] {strides = array<i32>} : memref<16x1024xf32, #tpu.memory_space<vmem>>, vector<1x16xf32>,
        %parallel_loop3A_215 = vector.shape_cast %parallel_loop3A_214 : vector<1x16xf32> to vector<16xf32>
        %parallel_loop3A_216 = arith.addf %parallel_loop3A_210, %parallel_loop3A_215 : vector<16xf32>
        %parallel_loop3A_217 = arith.constant 3 : i32
        %parallel_loop3A_218 = arith.index_cast %parallel_loop3A_217 : i32 to index
        %parallel_loop3A_219 = arith.index_cast %parallel_loop3A_205 : i32 to index
        %parallel_loop3A_220 = tpu.vector_load %arg9[%parallel_loop3A_218, %parallel_loop3A_219] {strides = array<i32>} : memref<16x1024xf32, #tpu.memory_space<vmem>>, vector<1x16xf32>,
        %parallel_loop3A_221 = vector.shape_cast %parallel_loop3A_220 : vector<1x16xf32> to vector<16xf32>
        %parallel_loop3A_222 = vector.shape_cast %parallel_loop3A_216 : vector<16xf32> to vector<1x16xf32>
        tpu.vector_store %arg9[%parallel_loop3A_218, %parallel_loop3A_219], %parallel_loop3A_222 {strides = array<i32>} : memref<16x1024xf32, #tpu.memory_space<vmem>>, vector<1x16xf32>,
      } {sc.loop_unroll_factor = 8 : i64, sc.parallel_access}
      %parallel_loop3A_75 = arith.constant 0 : i32
      %parallel_loop3A_76 = arith.constant 1024 : i32
      %parallel_loop3A_77 = arith.constant 16 : i32
      scf.for %parallel_loop3A_205 = %parallel_loop3A_75 to %parallel_loop3A_76 step %parallel_loop3A_77  : i32 {
        %parallel_loop3A_206 = arith.constant 4 : i32
        %parallel_loop3A_207 = arith.index_cast %parallel_loop3A_206 : i32 to index
        %parallel_loop3A_208 = arith.index_cast %parallel_loop3A_205 : i32 to index
        %parallel_loop3A_209 = tpu.vector_load %arg7[%parallel_loop3A_207, %parallel_loop3A_208] {strides = array<i32>} : memref<16x1024xf32, #tpu.memory_space<vmem>>, vector<1x16xf32>,
        %parallel_loop3A_210 = vector.shape_cast %parallel_loop3A_209 : vector<1x16xf32> to vector<16xf32>
        %parallel_loop3A_211 = arith.constant 4 : i32
        %parallel_loop3A_212 = arith.index_cast %parallel_loop3A_211 : i32 to index
        %parallel_loop3A_213 = arith.index_cast %parallel_loop3A_205 : i32 to index
        %parallel_loop3A_214 = tpu.vector_load %arg8[%parallel_loop3A_212, %parallel_loop3A_213] {strides = array<i32>} : memref<16x1024xf32, #tpu.memory_space<vmem>>, vector<1x16xf32>,
        %parallel_loop3A_215 = vector.shape_cast %parallel_loop3A_214 : vector<1x16xf32> to vector<16xf32>
        %parallel_loop3A_216 = arith.addf %parallel_loop3A_210, %parallel_loop3A_215 : vector<16xf32>
        %parallel_loop3A_217 = arith.constant 4 : i32
        %parallel_loop3A_218 = arith.index_cast %parallel_loop3A_217 : i32 to index
        %parallel_loop3A_219 = arith.index_cast %parallel_loop3A_205 : i32 to index
        %parallel_loop3A_220 = tpu.vector_load %arg9[%parallel_loop3A_218, %parallel_loop3A_219] {strides = array<i32>} : memref<16x1024xf32, #tpu.memory_space<vmem>>, vector<1x16xf32>,
        %parallel_loop3A_221 = vector.shape_cast %parallel_loop3A_220 : vector<1x16xf32> to vector<16xf32>
        %parallel_loop3A_222 = vector.shape_cast %parallel_loop3A_216 : vector<16xf32> to vector<1x16xf32>
        tpu.vector_store %arg9[%parallel_loop3A_218, %parallel_loop3A_219], %parallel_loop3A_222 {strides = array<i32>} : memref<16x1024xf32, #tpu.memory_space<vmem>>, vector<1x16xf32>,
      } {sc.loop_unroll_factor = 8 : i64, sc.parallel_access}
      %parallel_loop3A_78 = arith.constant 0 : i32
      %parallel_loop3A_79 = arith.constant 1024 : i32
      %parallel_loop3A_80 = arith.constant 16 : i32
      scf.for %parallel_loop3A_205 = %parallel_loop3A_78 to %parallel_loop3A_79 step %parallel_loop3A_80  : i32 {
        %parallel_loop3A_206 = arith.constant 5 : i32
        %parallel_loop3A_207 = arith.index_cast %parallel_loop3A_206 : i32 to index
        %parallel_loop3A_208 = arith.index_cast %parallel_loop3A_205 : i32 to index
        %parallel_loop3A_209 = tpu.vector_load %arg7[%parallel_loop3A_207, %parallel_loop3A_208] {strides = array<i32>} : memref<16x1024xf32, #tpu.memory_space<vmem>>, vector<1x16xf32>,
        %parallel_loop3A_210 = vector.shape_cast %parallel_loop3A_209 : vector<1x16xf32> to vector<16xf32>
        %parallel_loop3A_211 = arith.constant 5 : i32
        %parallel_loop3A_212 = arith.index_cast %parallel_loop3A_211 : i32 to index
        %parallel_loop3A_213 = arith.index_cast %parallel_loop3A_205 : i32 to index
        %parallel_loop3A_214 = tpu.vector_load %arg8[%parallel_loop3A_212, %parallel_loop3A_213] {strides = array<i32>} : memref<16x1024xf32, #tpu.memory_space<vmem>>, vector<1x16xf32>,
        %parallel_loop3A_215 = vector.shape_cast %parallel_loop3A_214 : vector<1x16xf32> to vector<16xf32>
        %parallel_loop3A_216 = arith.addf %parallel_loop3A_210, %parallel_loop3A_215 : vector<16xf32>
        %parallel_loop3A_217 = arith.constant 5 : i32
        %parallel_loop3A_218 = arith.index_cast %parallel_loop3A_217 : i32 to index
        %parallel_loop3A_219 = arith.index_cast %parallel_loop3A_205 : i32 to index
        %parallel_loop3A_220 = tpu.vector_load %arg9[%parallel_loop3A_218, %parallel_loop3A_219] {strides = array<i32>} : memref<16x1024xf32, #tpu.memory_space<vmem>>, vector<1x16xf32>,
        %parallel_loop3A_221 = vector.shape_cast %parallel_loop3A_220 : vector<1x16xf32> to vector<16xf32>
        %parallel_loop3A_222 = vector.shape_cast %parallel_loop3A_216 : vector<16xf32> to vector<1x16xf32>
        tpu.vector_store %arg9[%parallel_loop3A_218, %parallel_loop3A_219], %parallel_loop3A_222 {strides = array<i32>} : memref<16x1024xf32, #tpu.memory_space<vmem>>, vector<1x16xf32>,
      } {sc.loop_unroll_factor = 8 : i64, sc.parallel_access}
      %parallel_loop3A_81 = arith.constant 0 : i32
      %parallel_loop3A_82 = arith.constant 1024 : i32
      %parallel_loop3A_83 = arith.constant 16 : i32
      scf.for %parallel_loop3A_205 = %parallel_loop3A_81 to %parallel_loop3A_82 step %parallel_loop3A_83  : i32 {
        %parallel_loop3A_206 = arith.constant 6 : i32
        %parallel_loop3A_207 = arith.index_cast %parallel_loop3A_206 : i32 to index
        %parallel_loop3A_208 = arith.index_cast %parallel_loop3A_205 : i32 to index
        %parallel_loop3A_209 = tpu.vector_load %arg7[%parallel_loop3A_207, %parallel_loop3A_208] {strides = array<i32>} : memref<16x1024xf32, #tpu.memory_space<vmem>>, vector<1x16xf32>,
        %parallel_loop3A_210 = vector.shape_cast %parallel_loop3A_209 : vector<1x16xf32> to vector<16xf32>
        %parallel_loop3A_211 = arith.constant 6 : i32
        %parallel_loop3A_212 = arith.index_cast %parallel_loop3A_211 : i32 to index
        %parallel_loop3A_213 = arith.index_cast %parallel_loop3A_205 : i32 to index
        %parallel_loop3A_214 = tpu.vector_load %arg8[%parallel_loop3A_212, %parallel_loop3A_213] {strides = array<i32>} : memref<16x1024xf32, #tpu.memory_space<vmem>>, vector<1x16xf32>,
        %parallel_loop3A_215 = vector.shape_cast %parallel_loop3A_214 : vector<1x16xf32> to vector<16xf32>
        %parallel_loop3A_216 = arith.addf %parallel_loop3A_210, %parallel_loop3A_215 : vector<16xf32>
        %parallel_loop3A_217 = arith.constant 6 : i32
        %parallel_loop3A_218 = arith.index_cast %parallel_loop3A_217 : i32 to index
        %parallel_loop3A_219 = arith.index_cast %parallel_loop3A_205 : i32 to index
        %parallel_loop3A_220 = tpu.vector_load %arg9[%parallel_loop3A_218, %parallel_loop3A_219] {strides = array<i32>} : memref<16x1024xf32, #tpu.memory_space<vmem>>, vector<1x16xf32>,
        %parallel_loop3A_221 = vector.shape_cast %parallel_loop3A_220 : vector<1x16xf32> to vector<16xf32>
        %parallel_loop3A_222 = vector.shape_cast %parallel_loop3A_216 : vector<16xf32> to vector<1x16xf32>
        tpu.vector_store %arg9[%parallel_loop3A_218, %parallel_loop3A_219], %parallel_loop3A_222 {strides = array<i32>} : memref<16x1024xf32, #tpu.memory_space<vmem>>, vector<1x16xf32>,
      } {sc.loop_unroll_factor = 8 : i64, sc.parallel_access}
      %parallel_loop3A_84 = arith.constant 0 : i32
      %parallel_loop3A_85 = arith.constant 1024 : i32
      %parallel_loop3A_86 = arith.constant 16 : i32
      scf.for %parallel_loop3A_205 = %parallel_loop3A_84 to %parallel_loop3A_85 step %parallel_loop3A_86  : i32 {
        %parallel_loop3A_206 = arith.constant 7 : i32
        %parallel_loop3A_207 = arith.index_cast %parallel_loop3A_206 : i32 to index
        %parallel_loop3A_208 = arith.index_cast %parallel_loop3A_205 : i32 to index
        %parallel_loop3A_209 = tpu.vector_load %arg7[%parallel_loop3A_207, %parallel_loop3A_208] {strides = array<i32>} : memref<16x1024xf32, #tpu.memory_space<vmem>>, vector<1x16xf32>,
        %parallel_loop3A_210 = vector.shape_cast %parallel_loop3A_209 : vector<1x16xf32> to vector<16xf32>
        %parallel_loop3A_211 = arith.constant 7 : i32
        %parallel_loop3A_212 = arith.index_cast %parallel_loop3A_211 : i32 to index
        %parallel_loop3A_213 = arith.index_cast %parallel_loop3A_205 : i32 to index
        %parallel_loop3A_214 = tpu.vector_load %arg8[%parallel_loop3A_212, %parallel_loop3A_213] {strides = array<i32>} : memref<16x1024xf32, #tpu.memory_space<vmem>>, vector<1x16xf32>,
        %parallel_loop3A_215 = vector.shape_cast %parallel_loop3A_214 : vector<1x16xf32> to vector<16xf32>
        %parallel_loop3A_216 = arith.addf %parallel_loop3A_210, %parallel_loop3A_215 : vector<16xf32>
        %parallel_loop3A_217 = arith.constant 7 : i32
        %parallel_loop3A_218 = arith.index_cast %parallel_loop3A_217 : i32 to index
        %parallel_loop3A_219 = arith.index_cast %parallel_loop3A_205 : i32 to index
        %parallel_loop3A_220 = tpu.vector_load %arg9[%parallel_loop3A_218, %parallel_loop3A_219] {strides = array<i32>} : memref<16x1024xf32, #tpu.memory_space<vmem>>, vector<1x16xf32>,
        %parallel_loop3A_221 = vector.shape_cast %parallel_loop3A_220 : vector<1x16xf32> to vector<16xf32>
        %parallel_loop3A_222 = vector.shape_cast %parallel_loop3A_216 : vector<16xf32> to vector<1x16xf32>
        tpu.vector_store %arg9[%parallel_loop3A_218, %parallel_loop3A_219], %parallel_loop3A_222 {strides = array<i32>} : memref<16x1024xf32, #tpu.memory_space<vmem>>, vector<1x16xf32>,
      } {sc.loop_unroll_factor = 8 : i64, sc.parallel_access}
      %parallel_loop3A_87 = arith.constant 0 : i32
      %parallel_loop3A_88 = arith.constant 1024 : i32
      %parallel_loop3A_89 = arith.constant 16 : i32
      scf.for %parallel_loop3A_205 = %parallel_loop3A_87 to %parallel_loop3A_88 step %parallel_loop3A_89  : i32 {
        %parallel_loop3A_206 = arith.constant 8 : i32
        %parallel_loop3A_207 = arith.index_cast %parallel_loop3A_206 : i32 to index
        %parallel_loop3A_208 = arith.index_cast %parallel_loop3A_205 : i32 to index
        %parallel_loop3A_209 = tpu.vector_load %arg7[%parallel_loop3A_207, %parallel_loop3A_208] {strides = array<i32>} : memref<16x1024xf32, #tpu.memory_space<vmem>>, vector<1x16xf32>,
        %parallel_loop3A_210 = vector.shape_cast %parallel_loop3A_209 : vector<1x16xf32> to vector<16xf32>
        %parallel_loop3A_211 = arith.constant 8 : i32
        %parallel_loop3A_212 = arith.index_cast %parallel_loop3A_211 : i32 to index
        %parallel_loop3A_213 = arith.index_cast %parallel_loop3A_205 : i32 to index
        %parallel_loop3A_214 = tpu.vector_load %arg8[%parallel_loop3A_212, %parallel_loop3A_213] {strides = array<i32>} : memref<16x1024xf32, #tpu.memory_space<vmem>>, vector<1x16xf32>,
        %parallel_loop3A_215 = vector.shape_cast %parallel_loop3A_214 : vector<1x16xf32> to vector<16xf32>
        %parallel_loop3A_216 = arith.addf %parallel_loop3A_210, %parallel_loop3A_215 : vector<16xf32>
        %parallel_loop3A_217 = arith.constant 8 : i32
        %parallel_loop3A_218 = arith.index_cast %parallel_loop3A_217 : i32 to index
        %parallel_loop3A_219 = arith.index_cast %parallel_loop3A_205 : i32 to index
        %parallel_loop3A_220 = tpu.vector_load %arg9[%parallel_loop3A_218, %parallel_loop3A_219] {strides = array<i32>} : memref<16x1024xf32, #tpu.memory_space<vmem>>, vector<1x16xf32>,
        %parallel_loop3A_221 = vector.shape_cast %parallel_loop3A_220 : vector<1x16xf32> to vector<16xf32>
        %parallel_loop3A_222 = vector.shape_cast %parallel_loop3A_216 : vector<16xf32> to vector<1x16xf32>
        tpu.vector_store %arg9[%parallel_loop3A_218, %parallel_loop3A_219], %parallel_loop3A_222 {strides = array<i32>} : memref<16x1024xf32, #tpu.memory_space<vmem>>, vector<1x16xf32>,
      } {sc.loop_unroll_factor = 8 : i64, sc.parallel_access}
      %parallel_loop3A_90 = arith.constant 0 : i32
      %parallel_loop3A_91 = arith.constant 1024 : i32
      %parallel_loop3A_92 = arith.constant 16 : i32
      scf.for %parallel_loop3A_205 = %parallel_loop3A_90 to %parallel_loop3A_91 step %parallel_loop3A_92  : i32 {
        %parallel_loop3A_206 = arith.constant 9 : i32
        %parallel_loop3A_207 = arith.index_cast %parallel_loop3A_206 : i32 to index
        %parallel_loop3A_208 = arith.index_cast %parallel_loop3A_205 : i32 to index
        %parallel_loop3A_209 = tpu.vector_load %arg7[%parallel_loop3A_207, %parallel_loop3A_208] {strides = array<i32>} : memref<16x1024xf32, #tpu.memory_space<vmem>>, vector<1x16xf32>,
        %parallel_loop3A_210 = vector.shape_cast %parallel_loop3A_209 : vector<1x16xf32> to vector<16xf32>
        %parallel_loop3A_211 = arith.constant 9 : i32
        %parallel_loop3A_212 = arith.index_cast %parallel_loop3A_211 : i32 to index
        %parallel_loop3A_213 = arith.index_cast %parallel_loop3A_205 : i32 to index
        %parallel_loop3A_214 = tpu.vector_load %arg8[%parallel_loop3A_212, %parallel_loop3A_213] {strides = array<i32>} : memref<16x1024xf32, #tpu.memory_space<vmem>>, vector<1x16xf32>,
        %parallel_loop3A_215 = vector.shape_cast %parallel_loop3A_214 : vector<1x16xf32> to vector<16xf32>
        %parallel_loop3A_216 = arith.addf %parallel_loop3A_210, %parallel_loop3A_215 : vector<16xf32>
        %parallel_loop3A_217 = arith.constant 9 : i32
        %parallel_loop3A_218 = arith.index_cast %parallel_loop3A_217 : i32 to index
        %parallel_loop3A_219 = arith.index_cast %parallel_loop3A_205 : i32 to index
        %parallel_loop3A_220 = tpu.vector_load %arg9[%parallel_loop3A_218, %parallel_loop3A_219] {strides = array<i32>} : memref<16x1024xf32, #tpu.memory_space<vmem>>, vector<1x16xf32>,
        %parallel_loop3A_221 = vector.shape_cast %parallel_loop3A_220 : vector<1x16xf32> to vector<16xf32>
        %parallel_loop3A_222 = vector.shape_cast %parallel_loop3A_216 : vector<16xf32> to vector<1x16xf32>
        tpu.vector_store %arg9[%parallel_loop3A_218, %parallel_loop3A_219], %parallel_loop3A_222 {strides = array<i32>} : memref<16x1024xf32, #tpu.memory_space<vmem>>, vector<1x16xf32>,
      } {sc.loop_unroll_factor = 8 : i64, sc.parallel_access}
      %parallel_loop3A_93 = arith.constant 0 : i32
      %parallel_loop3A_94 = arith.constant 1024 : i32
      %parallel_loop3A_95 = arith.constant 16 : i32
      scf.for %parallel_loop3A_205 = %parallel_loop3A_93 to %parallel_loop3A_94 step %parallel_loop3A_95  : i32 {
        %parallel_loop3A_206 = arith.constant 10 : i32
        %parallel_loop3A_207 = arith.index_cast %parallel_loop3A_206 : i32 to index
        %parallel_loop3A_208 = arith.index_cast %parallel_loop3A_205 : i32 to index
        %parallel_loop3A_209 = tpu.vector_load %arg7[%parallel_loop3A_207, %parallel_loop3A_208] {strides = array<i32>} : memref<16x1024xf32, #tpu.memory_space<vmem>>, vector<1x16xf32>,
        %parallel_loop3A_210 = vector.shape_cast %parallel_loop3A_209 : vector<1x16xf32> to vector<16xf32>
        %parallel_loop3A_211 = arith.constant 10 : i32
        %parallel_loop3A_212 = arith.index_cast %parallel_loop3A_211 : i32 to index
        %parallel_loop3A_213 = arith.index_cast %parallel_loop3A_205 : i32 to index
        %parallel_loop3A_214 = tpu.vector_load %arg8[%parallel_loop3A_212, %parallel_loop3A_213] {strides = array<i32>} : memref<16x1024xf32, #tpu.memory_space<vmem>>, vector<1x16xf32>,
        %parallel_loop3A_215 = vector.shape_cast %parallel_loop3A_214 : vector<1x16xf32> to vector<16xf32>
        %parallel_loop3A_216 = arith.addf %parallel_loop3A_210, %parallel_loop3A_215 : vector<16xf32>
        %parallel_loop3A_217 = arith.constant 10 : i32
        %parallel_loop3A_218 = arith.index_cast %parallel_loop3A_217 : i32 to index
        %parallel_loop3A_219 = arith.index_cast %parallel_loop3A_205 : i32 to index
        %parallel_loop3A_220 = tpu.vector_load %arg9[%parallel_loop3A_218, %parallel_loop3A_219] {strides = array<i32>} : memref<16x1024xf32, #tpu.memory_space<vmem>>, vector<1x16xf32>,
        %parallel_loop3A_221 = vector.shape_cast %parallel_loop3A_220 : vector<1x16xf32> to vector<16xf32>
        %parallel_loop3A_222 = vector.shape_cast %parallel_loop3A_216 : vector<16xf32> to vector<1x16xf32>
        tpu.vector_store %arg9[%parallel_loop3A_218, %parallel_loop3A_219], %parallel_loop3A_222 {strides = array<i32>} : memref<16x1024xf32, #tpu.memory_space<vmem>>, vector<1x16xf32>,
      } {sc.loop_unroll_factor = 8 : i64, sc.parallel_access}
      %parallel_loop3A_96 = arith.constant 0 : i32
      %parallel_loop3A_97 = arith.constant 1024 : i32
      %parallel_loop3A_98 = arith.constant 16 : i32
      scf.for %parallel_loop3A_205 = %parallel_loop3A_96 to %parallel_loop3A_97 step %parallel_loop3A_98  : i32 {
        %parallel_loop3A_206 = arith.constant 11 : i32
        %parallel_loop3A_207 = arith.index_cast %parallel_loop3A_206 : i32 to index
        %parallel_loop3A_208 = arith.index_cast %parallel_loop3A_205 : i32 to index
        %parallel_loop3A_209 = tpu.vector_load %arg7[%parallel_loop3A_207, %parallel_loop3A_208] {strides = array<i32>} : memref<16x1024xf32, #tpu.memory_space<vmem>>, vector<1x16xf32>,
        %parallel_loop3A_210 = vector.shape_cast %parallel_loop3A_209 : vector<1x16xf32> to vector<16xf32>
        %parallel_loop3A_211 = arith.constant 11 : i32
        %parallel_loop3A_212 = arith.index_cast %parallel_loop3A_211 : i32 to index
        %parallel_loop3A_213 = arith.index_cast %parallel_loop3A_205 : i32 to index
        %parallel_loop3A_214 = tpu.vector_load %arg8[%parallel_loop3A_212, %parallel_loop3A_213] {strides = array<i32>} : memref<16x1024xf32, #tpu.memory_space<vmem>>, vector<1x16xf32>,
        %parallel_loop3A_215 = vector.shape_cast %parallel_loop3A_214 : vector<1x16xf32> to vector<16xf32>
        %parallel_loop3A_216 = arith.addf %parallel_loop3A_210, %parallel_loop3A_215 : vector<16xf32>
        %parallel_loop3A_217 = arith.constant 11 : i32
        %parallel_loop3A_218 = arith.index_cast %parallel_loop3A_217 : i32 to index
        %parallel_loop3A_219 = arith.index_cast %parallel_loop3A_205 : i32 to index
        %parallel_loop3A_220 = tpu.vector_load %arg9[%parallel_loop3A_218, %parallel_loop3A_219] {strides = array<i32>} : memref<16x1024xf32, #tpu.memory_space<vmem>>, vector<1x16xf32>,
        %parallel_loop3A_221 = vector.shape_cast %parallel_loop3A_220 : vector<1x16xf32> to vector<16xf32>
        %parallel_loop3A_222 = vector.shape_cast %parallel_loop3A_216 : vector<16xf32> to vector<1x16xf32>
        tpu.vector_store %arg9[%parallel_loop3A_218, %parallel_loop3A_219], %parallel_loop3A_222 {strides = array<i32>} : memref<16x1024xf32, #tpu.memory_space<vmem>>, vector<1x16xf32>,
      } {sc.loop_unroll_factor = 8 : i64, sc.parallel_access}
      %parallel_loop3A_99 = arith.constant 0 : i32
      %parallel_loop3A_100 = arith.constant 1024 : i32
      %parallel_loop3A_101 = arith.constant 16 : i32
      scf.for %parallel_loop3A_205 = %parallel_loop3A_99 to %parallel_loop3A_100 step %parallel_loop3A_101  : i32 {
        %parallel_loop3A_206 = arith.constant 12 : i32
        %parallel_loop3A_207 = arith.index_cast %parallel_loop3A_206 : i32 to index
        %parallel_loop3A_208 = arith.index_cast %parallel_loop3A_205 : i32 to index
        %parallel_loop3A_209 = tpu.vector_load %arg7[%parallel_loop3A_207, %parallel_loop3A_208] {strides = array<i32>} : memref<16x1024xf32, #tpu.memory_space<vmem>>, vector<1x16xf32>,
        %parallel_loop3A_210 = vector.shape_cast %parallel_loop3A_209 : vector<1x16xf32> to vector<16xf32>
        %parallel_loop3A_211 = arith.constant 12 : i32
        %parallel_loop3A_212 = arith.index_cast %parallel_loop3A_211 : i32 to index
        %parallel_loop3A_213 = arith.index_cast %parallel_loop3A_205 : i32 to index
        %parallel_loop3A_214 = tpu.vector_load %arg8[%parallel_loop3A_212, %parallel_loop3A_213] {strides = array<i32>} : memref<16x1024xf32, #tpu.memory_space<vmem>>, vector<1x16xf32>,
        %parallel_loop3A_215 = vector.shape_cast %parallel_loop3A_214 : vector<1x16xf32> to vector<16xf32>
        %parallel_loop3A_216 = arith.addf %parallel_loop3A_210, %parallel_loop3A_215 : vector<16xf32>
        %parallel_loop3A_217 = arith.constant 12 : i32
        %parallel_loop3A_218 = arith.index_cast %parallel_loop3A_217 : i32 to index
        %parallel_loop3A_219 = arith.index_cast %parallel_loop3A_205 : i32 to index
        %parallel_loop3A_220 = tpu.vector_load %arg9[%parallel_loop3A_218, %parallel_loop3A_219] {strides = array<i32>} : memref<16x1024xf32, #tpu.memory_space<vmem>>, vector<1x16xf32>,
        %parallel_loop3A_221 = vector.shape_cast %parallel_loop3A_220 : vector<1x16xf32> to vector<16xf32>
        %parallel_loop3A_222 = vector.shape_cast %parallel_loop3A_216 : vector<16xf32> to vector<1x16xf32>
        tpu.vector_store %arg9[%parallel_loop3A_218, %parallel_loop3A_219], %parallel_loop3A_222 {strides = array<i32>} : memref<16x1024xf32, #tpu.memory_space<vmem>>, vector<1x16xf32>,
      } {sc.loop_unroll_factor = 8 : i64, sc.parallel_access}
      %parallel_loop3A_102 = arith.constant 0 : i32
      %parallel_loop3A_103 = arith.constant 1024 : i32
      %parallel_loop3A_104 = arith.constant 16 : i32
      scf.for %parallel_loop3A_205 = %parallel_loop3A_102 to %parallel_loop3A_103 step %parallel_loop3A_104  : i32 {
        %parallel_loop3A_206 = arith.constant 13 : i32
        %parallel_loop3A_207 = arith.index_cast %parallel_loop3A_206 : i32 to index
        %parallel_loop3A_208 = arith.index_cast %parallel_loop3A_205 : i32 to index
        %parallel_loop3A_209 = tpu.vector_load %arg7[%parallel_loop3A_207, %parallel_loop3A_208] {strides = array<i32>} : memref<16x1024xf32, #tpu.memory_space<vmem>>, vector<1x16xf32>,
        %parallel_loop3A_210 = vector.shape_cast %parallel_loop3A_209 : vector<1x16xf32> to vector<16xf32>
        %parallel_loop3A_211 = arith.constant 13 : i32
        %parallel_loop3A_212 = arith.index_cast %parallel_loop3A_211 : i32 to index
        %parallel_loop3A_213 = arith.index_cast %parallel_loop3A_205 : i32 to index
        %parallel_loop3A_214 = tpu.vector_load %arg8[%parallel_loop3A_212, %parallel_loop3A_213] {strides = array<i32>} : memref<16x1024xf32, #tpu.memory_space<vmem>>, vector<1x16xf32>,
        %parallel_loop3A_215 = vector.shape_cast %parallel_loop3A_214 : vector<1x16xf32> to vector<16xf32>
        %parallel_loop3A_216 = arith.addf %parallel_loop3A_210, %parallel_loop3A_215 : vector<16xf32>
        %parallel_loop3A_217 = arith.constant 13 : i32
        %parallel_loop3A_218 = arith.index_cast %parallel_loop3A_217 : i32 to index
        %parallel_loop3A_219 = arith.index_cast %parallel_loop3A_205 : i32 to index
        %parallel_loop3A_220 = tpu.vector_load %arg9[%parallel_loop3A_218, %parallel_loop3A_219] {strides = array<i32>} : memref<16x1024xf32, #tpu.memory_space<vmem>>, vector<1x16xf32>,
        %parallel_loop3A_221 = vector.shape_cast %parallel_loop3A_220 : vector<1x16xf32> to vector<16xf32>
        %parallel_loop3A_222 = vector.shape_cast %parallel_loop3A_216 : vector<16xf32> to vector<1x16xf32>
        tpu.vector_store %arg9[%parallel_loop3A_218, %parallel_loop3A_219], %parallel_loop3A_222 {strides = array<i32>} : memref<16x1024xf32, #tpu.memory_space<vmem>>, vector<1x16xf32>,
      } {sc.loop_unroll_factor = 8 : i64, sc.parallel_access}
      %parallel_loop3A_105 = arith.constant 0 : i32
      %parallel_loop3A_106 = arith.constant 1024 : i32
      %parallel_loop3A_107 = arith.constant 16 : i32
      scf.for %parallel_loop3A_205 = %parallel_loop3A_105 to %parallel_loop3A_106 step %parallel_loop3A_107  : i32 {
        %parallel_loop3A_206 = arith.constant 14 : i32
        %parallel_loop3A_207 = arith.index_cast %parallel_loop3A_206 : i32 to index
        %parallel_loop3A_208 = arith.index_cast %parallel_loop3A_205 : i32 to index
        %parallel_loop3A_209 = tpu.vector_load %arg7[%parallel_loop3A_207, %parallel_loop3A_208] {strides = array<i32>} : memref<16x1024xf32, #tpu.memory_space<vmem>>, vector<1x16xf32>,
        %parallel_loop3A_210 = vector.shape_cast %parallel_loop3A_209 : vector<1x16xf32> to vector<16xf32>
        %parallel_loop3A_211 = arith.constant 14 : i32
        %parallel_loop3A_212 = arith.index_cast %parallel_loop3A_211 : i32 to index
        %parallel_loop3A_213 = arith.index_cast %parallel_loop3A_205 : i32 to index
        %parallel_loop3A_214 = tpu.vector_load %arg8[%parallel_loop3A_212, %parallel_loop3A_213] {strides = array<i32>} : memref<16x1024xf32, #tpu.memory_space<vmem>>, vector<1x16xf32>,
        %parallel_loop3A_215 = vector.shape_cast %parallel_loop3A_214 : vector<1x16xf32> to vector<16xf32>
        %parallel_loop3A_216 = arith.addf %parallel_loop3A_210, %parallel_loop3A_215 : vector<16xf32>
        %parallel_loop3A_217 = arith.constant 14 : i32
        %parallel_loop3A_218 = arith.index_cast %parallel_loop3A_217 : i32 to index
        %parallel_loop3A_219 = arith.index_cast %parallel_loop3A_205 : i32 to index
        %parallel_loop3A_220 = tpu.vector_load %arg9[%parallel_loop3A_218, %parallel_loop3A_219] {strides = array<i32>} : memref<16x1024xf32, #tpu.memory_space<vmem>>, vector<1x16xf32>,
        %parallel_loop3A_221 = vector.shape_cast %parallel_loop3A_220 : vector<1x16xf32> to vector<16xf32>
        %parallel_loop3A_222 = vector.shape_cast %parallel_loop3A_216 : vector<16xf32> to vector<1x16xf32>
        tpu.vector_store %arg9[%parallel_loop3A_218, %parallel_loop3A_219], %parallel_loop3A_222 {strides = array<i32>} : memref<16x1024xf32, #tpu.memory_space<vmem>>, vector<1x16xf32>,
      } {sc.loop_unroll_factor = 8 : i64, sc.parallel_access}
      %parallel_loop3A_108 = arith.constant 0 : i32
      %parallel_loop3A_109 = arith.constant 1024 : i32
      %parallel_loop3A_110 = arith.constant 16 : i32
      scf.for %parallel_loop3A_205 = %parallel_loop3A_108 to %parallel_loop3A_109 step %parallel_loop3A_110  : i32 {
        %parallel_loop3A_206 = arith.constant 15 : i32
        %parallel_loop3A_207 = arith.index_cast %parallel_loop3A_206 : i32 to index
        %parallel_loop3A_208 = arith.index_cast %parallel_loop3A_205 : i32 to index
        %parallel_loop3A_209 = tpu.vector_load %arg7[%parallel_loop3A_207, %parallel_loop3A_208] {strides = array<i32>} : memref<16x1024xf32, #tpu.memory_space<vmem>>, vector<1x16xf32>,
        %parallel_loop3A_210 = vector.shape_cast %parallel_loop3A_209 : vector<1x16xf32> to vector<16xf32>
        %parallel_loop3A_211 = arith.constant 15 : i32
        %parallel_loop3A_212 = arith.index_cast %parallel_loop3A_211 : i32 to index
        %parallel_loop3A_213 = arith.index_cast %parallel_loop3A_205 : i32 to index
        %parallel_loop3A_214 = tpu.vector_load %arg8[%parallel_loop3A_212, %parallel_loop3A_213] {strides = array<i32>} : memref<16x1024xf32, #tpu.memory_space<vmem>>, vector<1x16xf32>,
        %parallel_loop3A_215 = vector.shape_cast %parallel_loop3A_214 : vector<1x16xf32> to vector<16xf32>
        %parallel_loop3A_216 = arith.addf %parallel_loop3A_210, %parallel_loop3A_215 : vector<16xf32>
        %parallel_loop3A_217 = arith.constant 15 : i32
        %parallel_loop3A_218 = arith.index_cast %parallel_loop3A_217 : i32 to index
        %parallel_loop3A_219 = arith.index_cast %parallel_loop3A_205 : i32 to index
        %parallel_loop3A_220 = tpu.vector_load %arg9[%parallel_loop3A_218, %parallel_loop3A_219] {strides = array<i32>} : memref<16x1024xf32, #tpu.memory_space<vmem>>, vector<1x16xf32>,
        %parallel_loop3A_221 = vector.shape_cast %parallel_loop3A_220 : vector<1x16xf32> to vector<16xf32>
        %parallel_loop3A_222 = vector.shape_cast %parallel_loop3A_216 : vector<16xf32> to vector<1x16xf32>
        tpu.vector_store %arg9[%parallel_loop3A_218, %parallel_loop3A_219], %parallel_loop3A_222 {strides = array<i32>} : memref<16x1024xf32, #tpu.memory_space<vmem>>, vector<1x16xf32>,
      } {sc.loop_unroll_factor = 8 : i64, sc.parallel_access}
      %mul3A_111 = arith.constant 16 : i32
      %mul3A_112 = arith.muli %add3A_51, %mul3A_111 : i32
      %add3A_113 = arith.addi %mul3A_2, %mul3A_112 : i32
      %dma_start3A_114 = arith.constant 0 : i32
      %dma_start3A_115 = tpu.memref_slice %arg5[%add3A_113, %dma_start3A_114] : memref<16384x1024xf32, #tpu.memory_space<hbm>> -> memref<16x1024xf32, #tpu.memory_space<hbm>>
      %dma_start3A_116 = arith.constant 0 : i32
      %dma_start3A_117 = tpu.memref_slice %arg5[%add3A_113, %dma_start3A_116] : memref<16384x1024xf32, #tpu.memory_space<hbm>> -> memref<16x1024xf32, #tpu.memory_space<hbm>>
      tpu.enqueue_dma source(%arg9 : memref<16x1024xf32, #tpu.memory_space<vmem>>) target(%dma_start3A_117 : memref<16x1024xf32, #tpu.memory_space<hbm>>) target_semaphore(%arg12 : memref<!tpu.dma_semaphore, #tpu.memory_space<semaphore_mem>>)
      %add3A_118 = arith.constant 2 : i32
      %add3A_119 = arith.addi %add3A_51, %add3A_118 : i32
      %lt3A = arith.constant 32 : i32
      %lt3A_120 = arith.cmpi slt, %add3A_119, %lt3A : i32
      %convert_element_type3A_121 = arith.extui %lt3A_120 : i1 to i32
      %cond3A_122 = arith.constant 0 : i32
      %cond3A_123 = arith.cmpi ne, %convert_element_type3A_121, %cond3A_122 : i32
      scf.if %cond3A_123 {
        %add3A_205 = arith.constant 2 : i32
        %add3A_206 = arith.addi %add3A_51, %add3A_205 : i32
        %mul3A_207 = arith.constant 16 : i32
        %mul3A_208 = arith.muli %add3A_206, %mul3A_207 : i32
        %get3A_209 = arith.index_cast %mul3A_208 : i32 to index
        %get3A_210 = tpu.vector_load %arg6[%get3A_209] {strides = array<i32>} : memref<512xi32, #tpu.memory_space<vmem>>, vector<16xi32>,
        %get3A_211 = vector.shape_cast %get3A_210 : vector<16xi32> to vector<16xi32>
        %dma_start3A_212 = arith.constant 0 : i32
        %dma_start3A_213 = arith.constant 0 : i32
        %dma_start3A_214 = tpu.memref_slice %arg4[%dma_start3A_212, %dma_start3A_213] : memref<4096x1024xf32, #tpu.memory_space<hbm>> -> memref<4096x1024xf32, #tpu.memory_space<hbm>>
        tpu.enqueue_indirect_dma source(%dma_start3A_214 : memref<4096x1024xf32, #tpu.memory_space<hbm>>) target(%arg7 : memref<16x1024xf32, #tpu.memory_space<vmem>>) offsets(%get3A_211 : vector<16xi32>) semaphore(%arg10 : memref<!tpu.dma_semaphore, #tpu.memory_space<semaphore_mem>>)
        %mul3A_215 = arith.constant 16 : i32
        %mul3A_216 = arith.muli %add3A_206, %mul3A_215 : i32
        %add3A_217 = arith.addi %mul3A_2, %mul3A_216 : i32
        %dma_start3A_218 = arith.constant 0 : i32
        %dma_start3A_219 = tpu.memref_slice %arg2[%add3A_217, %dma_start3A_218] : memref<16384x1024xf32, #tpu.memory_space<hbm>> -> memref<16x1024xf32, #tpu.memory_space<hbm>>
        %dma_start3A_220 = arith.constant 0 : i32
        %dma_start3A_221 = tpu.memref_slice %arg2[%add3A_217, %dma_start3A_220] : memref<16384x1024xf32, #tpu.memory_space<hbm>> -> memref<16x1024xf32, #tpu.memory_space<hbm>>
        tpu.enqueue_dma source(%dma_start3A_221 : memref<16x1024xf32, #tpu.memory_space<hbm>>) target(%arg8 : memref<16x1024xf32, #tpu.memory_space<vmem>>) target_semaphore(%arg11 : memref<!tpu.dma_semaphore, #tpu.memory_space<semaphore_mem>>)
      } else {
      }
      %mul3A_124 = arith.constant 2 : i32
      %mul3A_125 = arith.muli %scan3A_47, %mul3A_124 : i32
      %add3A_126 = arith.constant 1 : i32
      %add3A_127 = arith.addi %mul3A_125, %add3A_126 : i32
      %get3A_128 = arith.constant 0 : index
      %get3A_129 = tpu.vector_load %arg6[%get3A_128] {strides = array<i32>} : memref<512xi32, #tpu.memory_space<vmem>>, vector<16xi32>,
      %get3A_130 = vector.shape_cast %get3A_129 : vector<16xi32> to vector<16xi32>
      %dma_wait3A_131 = arith.constant 0 : i32
      %dma_wait3A_132 = arith.constant 0 : i32
      %dma_wait3A_133 = tpu.memref_slice %arg4[%dma_wait3A_131, %dma_wait3A_132] : memref<4096x1024xf32, #tpu.memory_space<hbm>> -> memref<4096x1024xf32, #tpu.memory_space<hbm>>
      tpu.wait_indirect_dma semaphore(%arg16 : memref<!tpu.dma_semaphore, #tpu.memory_space<semaphore_mem>>) src(%dma_wait3A_133 : memref<4096x1024xf32, #tpu.memory_space<hbm>>) dst(%arg13 : memref<16x1024xf32, #tpu.memory_space<vmem>>)
      %dma_wait3A_134 = arith.constant 0 : i32
      %dma_wait3A_135 = tpu.memref_slice %arg2[%mul3A_2, %dma_wait3A_134] : memref<16384x1024xf32, #tpu.memory_space<hbm>> -> memref<16x1024xf32, #tpu.memory_space<hbm>>
      %dma_wait3A_136 = arith.constant 0 : i32
      %dma_wait3A_137 = tpu.memref_slice %arg2[%mul3A_2, %dma_wait3A_136] : memref<16384x1024xf32, #tpu.memory_space<hbm>> -> memref<16x1024xf32, #tpu.memory_space<hbm>>
      tpu.wait_dma2 semaphore(%arg17 : memref<!tpu.dma_semaphore, #tpu.memory_space<semaphore_mem>>) src(%dma_wait3A_137 : memref<16x1024xf32, #tpu.memory_space<hbm>>) dst(%arg14 : memref<16x1024xf32, #tpu.memory_space<vmem>>)
      %gt3A_138 = arith.constant 0 : i32
      %gt3A_139 = arith.cmpi sgt, %scan3A_47, %gt3A_138 : i32
      %convert_element_type3A_140 = arith.extui %gt3A_139 : i1 to i32
      %cond3A_141 = arith.constant 0 : i32
      %cond3A_142 = arith.cmpi ne, %convert_element_type3A_140, %cond3A_141 : i32
      scf.if %cond3A_142 {
        %dma_wait3A_205 = arith.constant 0 : i32
        %dma_wait3A_206 = tpu.memref_slice %arg5[%mul3A_2, %dma_wait3A_205] : memref<16384x1024xf32, #tpu.memory_space<hbm>> -> memref<16x1024xf32, #tpu.memory_space<hbm>>
        %dma_wait3A_207 = arith.constant 0 : i32
        %dma_wait3A_208 = tpu.memref_slice %arg5[%mul3A_2, %dma_wait3A_207] : memref<16384x1024xf32, #tpu.memory_space<hbm>> -> memref<16x1024xf32, #tpu.memory_space<hbm>>
        tpu.wait_dma2 semaphore(%arg18 : memref<!tpu.dma_semaphore, #tpu.memory_space<semaphore_mem>>) src(%arg15 : memref<16x1024xf32, #tpu.memory_space<vmem>>) dst(%dma_wait3A_208 : memref<16x1024xf32, #tpu.memory_space<hbm>>)
      } else {
      }
      %parallel_loop3A_143 = arith.constant 0 : i32
      %parallel_loop3A_144 = arith.constant 1024 : i32
      %parallel_loop3A_145 = arith.constant 16 : i32
      scf.for %parallel_loop3A_205 = %parallel_loop3A_143 to %parallel_loop3A_144 step %parallel_loop3A_145  : i32 {
        %parallel_loop3A_206 = arith.constant 0 : i32
        %parallel_loop3A_207 = arith.index_cast %parallel_loop3A_206 : i32 to index
        %parallel_loop3A_208 = arith.index_cast %parallel_loop3A_205 : i32 to index
        %parallel_loop3A_209 = tpu.vector_load %arg13[%parallel_loop3A_207, %parallel_loop3A_208] {strides = array<i32>} : memref<16x1024xf32, #tpu.memory_space<vmem>>, vector<1x16xf32>,
        %parallel_loop3A_210 = vector.shape_cast %parallel_loop3A_209 : vector<1x16xf32> to vector<16xf32>
        %parallel_loop3A_211 = arith.constant 0 : i32
        %parallel_loop3A_212 = arith.index_cast %parallel_loop3A_211 : i32 to index
        %parallel_loop3A_213 = arith.index_cast %parallel_loop3A_205 : i32 to index
        %parallel_loop3A_214 = tpu.vector_load %arg14[%parallel_loop3A_212, %parallel_loop3A_213] {strides = array<i32>} : memref<16x1024xf32, #tpu.memory_space<vmem>>, vector<1x16xf32>,
        %parallel_loop3A_215 = vector.shape_cast %parallel_loop3A_214 : vector<1x16xf32> to vector<16xf32>
        %parallel_loop3A_216 = arith.addf %parallel_loop3A_210, %parallel_loop3A_215 : vector<16xf32>
        %parallel_loop3A_217 = arith.constant 0 : i32
        %parallel_loop3A_218 = arith.index_cast %parallel_loop3A_217 : i32 to index
        %parallel_loop3A_219 = arith.index_cast %parallel_loop3A_205 : i32 to index
        %parallel_loop3A_220 = tpu.vector_load %arg15[%parallel_loop3A_218, %parallel_loop3A_219] {strides = array<i32>} : memref<16x1024xf32, #tpu.memory_space<vmem>>, vector<1x16xf32>,
        %parallel_loop3A_221 = vector.shape_cast %parallel_loop3A_220 : vector<1x16xf32> to vector<16xf32>
        %parallel_loop3A_222 = vector.shape_cast %parallel_loop3A_216 : vector<16xf32> to vector<1x16xf32>
        tpu.vector_store %arg15[%parallel_loop3A_218, %parallel_loop3A_219], %parallel_loop3A_222 {strides = array<i32>} : memref<16x1024xf32, #tpu.memory_space<vmem>>, vector<1x16xf32>,
      } {sc.loop_unroll_factor = 8 : i64, sc.parallel_access}
      %parallel_loop3A_146 = arith.constant 0 : i32
      %parallel_loop3A_147 = arith.constant 1024 : i32
      %parallel_loop3A_148 = arith.constant 16 : i32
      scf.for %parallel_loop3A_205 = %parallel_loop3A_146 to %parallel_loop3A_147 step %parallel_loop3A_148  : i32 {
        %parallel_loop3A_206 = arith.constant 1 : i32
        %parallel_loop3A_207 = arith.index_cast %parallel_loop3A_206 : i32 to index
        %parallel_loop3A_208 = arith.index_cast %parallel_loop3A_205 : i32 to index
        %parallel_loop3A_209 = tpu.vector_load %arg13[%parallel_loop3A_207, %parallel_loop3A_208] {strides = array<i32>} : memref<16x1024xf32, #tpu.memory_space<vmem>>, vector<1x16xf32>,
        %parallel_loop3A_210 = vector.shape_cast %parallel_loop3A_209 : vector<1x16xf32> to vector<16xf32>
        %parallel_loop3A_211 = arith.constant 1 : i32
        %parallel_loop3A_212 = arith.index_cast %parallel_loop3A_211 : i32 to index
        %parallel_loop3A_213 = arith.index_cast %parallel_loop3A_205 : i32 to index
        %parallel_loop3A_214 = tpu.vector_load %arg14[%parallel_loop3A_212, %parallel_loop3A_213] {strides = array<i32>} : memref<16x1024xf32, #tpu.memory_space<vmem>>, vector<1x16xf32>,
        %parallel_loop3A_215 = vector.shape_cast %parallel_loop3A_214 : vector<1x16xf32> to vector<16xf32>
        %parallel_loop3A_216 = arith.addf %parallel_loop3A_210, %parallel_loop3A_215 : vector<16xf32>
        %parallel_loop3A_217 = arith.constant 1 : i32
        %parallel_loop3A_218 = arith.index_cast %parallel_loop3A_217 : i32 to index
        %parallel_loop3A_219 = arith.index_cast %parallel_loop3A_205 : i32 to index
        %parallel_loop3A_220 = tpu.vector_load %arg15[%parallel_loop3A_218, %parallel_loop3A_219] {strides = array<i32>} : memref<16x1024xf32, #tpu.memory_space<vmem>>, vector<1x16xf32>,
        %parallel_loop3A_221 = vector.shape_cast %parallel_loop3A_220 : vector<1x16xf32> to vector<16xf32>
        %parallel_loop3A_222 = vector.shape_cast %parallel_loop3A_216 : vector<16xf32> to vector<1x16xf32>
        tpu.vector_store %arg15[%parallel_loop3A_218, %parallel_loop3A_219], %parallel_loop3A_222 {strides = array<i32>} : memref<16x1024xf32, #tpu.memory_space<vmem>>, vector<1x16xf32>,
      } {sc.loop_unroll_factor = 8 : i64, sc.parallel_access}
      %parallel_loop3A_149 = arith.constant 0 : i32
      %parallel_loop3A_150 = arith.constant 1024 : i32
      %parallel_loop3A_151 = arith.constant 16 : i32
      scf.for %parallel_loop3A_205 = %parallel_loop3A_149 to %parallel_loop3A_150 step %parallel_loop3A_151  : i32 {
        %parallel_loop3A_206 = arith.constant 2 : i32
        %parallel_loop3A_207 = arith.index_cast %parallel_loop3A_206 : i32 to index
        %parallel_loop3A_208 = arith.index_cast %parallel_loop3A_205 : i32 to index
        %parallel_loop3A_209 = tpu.vector_load %arg13[%parallel_loop3A_207, %parallel_loop3A_208] {strides = array<i32>} : memref<16x1024xf32, #tpu.memory_space<vmem>>, vector<1x16xf32>,
        %parallel_loop3A_210 = vector.shape_cast %parallel_loop3A_209 : vector<1x16xf32> to vector<16xf32>
        %parallel_loop3A_211 = arith.constant 2 : i32
        %parallel_loop3A_212 = arith.index_cast %parallel_loop3A_211 : i32 to index
        %parallel_loop3A_213 = arith.index_cast %parallel_loop3A_205 : i32 to index
        %parallel_loop3A_214 = tpu.vector_load %arg14[%parallel_loop3A_212, %parallel_loop3A_213] {strides = array<i32>} : memref<16x1024xf32, #tpu.memory_space<vmem>>, vector<1x16xf32>,
        %parallel_loop3A_215 = vector.shape_cast %parallel_loop3A_214 : vector<1x16xf32> to vector<16xf32>
        %parallel_loop3A_216 = arith.addf %parallel_loop3A_210, %parallel_loop3A_215 : vector<16xf32>
        %parallel_loop3A_217 = arith.constant 2 : i32
        %parallel_loop3A_218 = arith.index_cast %parallel_loop3A_217 : i32 to index
        %parallel_loop3A_219 = arith.index_cast %parallel_loop3A_205 : i32 to index
        %parallel_loop3A_220 = tpu.vector_load %arg15[%parallel_loop3A_218, %parallel_loop3A_219] {strides = array<i32>} : memref<16x1024xf32, #tpu.memory_space<vmem>>, vector<1x16xf32>,
        %parallel_loop3A_221 = vector.shape_cast %parallel_loop3A_220 : vector<1x16xf32> to vector<16xf32>
        %parallel_loop3A_222 = vector.shape_cast %parallel_loop3A_216 : vector<16xf32> to vector<1x16xf32>
        tpu.vector_store %arg15[%parallel_loop3A_218, %parallel_loop3A_219], %parallel_loop3A_222 {strides = array<i32>} : memref<16x1024xf32, #tpu.memory_space<vmem>>, vector<1x16xf32>,
      } {sc.loop_unroll_factor = 8 : i64, sc.parallel_access}
      %parallel_loop3A_152 = arith.constant 0 : i32
      %parallel_loop3A_153 = arith.constant 1024 : i32
      %parallel_loop3A_154 = arith.constant 16 : i32
      scf.for %parallel_loop3A_205 = %parallel_loop3A_152 to %parallel_loop3A_153 step %parallel_loop3A_154  : i32 {
        %parallel_loop3A_206 = arith.constant 3 : i32
        %parallel_loop3A_207 = arith.index_cast %parallel_loop3A_206 : i32 to index
        %parallel_loop3A_208 = arith.index_cast %parallel_loop3A_205 : i32 to index
        %parallel_loop3A_209 = tpu.vector_load %arg13[%parallel_loop3A_207, %parallel_loop3A_208] {strides = array<i32>} : memref<16x1024xf32, #tpu.memory_space<vmem>>, vector<1x16xf32>,
        %parallel_loop3A_210 = vector.shape_cast %parallel_loop3A_209 : vector<1x16xf32> to vector<16xf32>
        %parallel_loop3A_211 = arith.constant 3 : i32
        %parallel_loop3A_212 = arith.index_cast %parallel_loop3A_211 : i32 to index
        %parallel_loop3A_213 = arith.index_cast %parallel_loop3A_205 : i32 to index
        %parallel_loop3A_214 = tpu.vector_load %arg14[%parallel_loop3A_212, %parallel_loop3A_213] {strides = array<i32>} : memref<16x1024xf32, #tpu.memory_space<vmem>>, vector<1x16xf32>,
        %parallel_loop3A_215 = vector.shape_cast %parallel_loop3A_214 : vector<1x16xf32> to vector<16xf32>
        %parallel_loop3A_216 = arith.addf %parallel_loop3A_210, %parallel_loop3A_215 : vector<16xf32>
        %parallel_loop3A_217 = arith.constant 3 : i32
        %parallel_loop3A_218 = arith.index_cast %parallel_loop3A_217 : i32 to index
        %parallel_loop3A_219 = arith.index_cast %parallel_loop3A_205 : i32 to index
        %parallel_loop3A_220 = tpu.vector_load %arg15[%parallel_loop3A_218, %parallel_loop3A_219] {strides = array<i32>} : memref<16x1024xf32, #tpu.memory_space<vmem>>, vector<1x16xf32>,
        %parallel_loop3A_221 = vector.shape_cast %parallel_loop3A_220 : vector<1x16xf32> to vector<16xf32>
        %parallel_loop3A_222 = vector.shape_cast %parallel_loop3A_216 : vector<16xf32> to vector<1x16xf32>
        tpu.vector_store %arg15[%parallel_loop3A_218, %parallel_loop3A_219], %parallel_loop3A_222 {strides = array<i32>} : memref<16x1024xf32, #tpu.memory_space<vmem>>, vector<1x16xf32>,
      } {sc.loop_unroll_factor = 8 : i64, sc.parallel_access}
      %parallel_loop3A_155 = arith.constant 0 : i32
      %parallel_loop3A_156 = arith.constant 1024 : i32
      %parallel_loop3A_157 = arith.constant 16 : i32
      scf.for %parallel_loop3A_205 = %parallel_loop3A_155 to %parallel_loop3A_156 step %parallel_loop3A_157  : i32 {
        %parallel_loop3A_206 = arith.constant 4 : i32
        %parallel_loop3A_207 = arith.index_cast %parallel_loop3A_206 : i32 to index
        %parallel_loop3A_208 = arith.index_cast %parallel_loop3A_205 : i32 to index
        %parallel_loop3A_209 = tpu.vector_load %arg13[%parallel_loop3A_207, %parallel_loop3A_208] {strides = array<i32>} : memref<16x1024xf32, #tpu.memory_space<vmem>>, vector<1x16xf32>,
        %parallel_loop3A_210 = vector.shape_cast %parallel_loop3A_209 : vector<1x16xf32> to vector<16xf32>
        %parallel_loop3A_211 = arith.constant 4 : i32
        %parallel_loop3A_212 = arith.index_cast %parallel_loop3A_211 : i32 to index
        %parallel_loop3A_213 = arith.index_cast %parallel_loop3A_205 : i32 to index
        %parallel_loop3A_214 = tpu.vector_load %arg14[%parallel_loop3A_212, %parallel_loop3A_213] {strides = array<i32>} : memref<16x1024xf32, #tpu.memory_space<vmem>>, vector<1x16xf32>,
        %parallel_loop3A_215 = vector.shape_cast %parallel_loop3A_214 : vector<1x16xf32> to vector<16xf32>
        %parallel_loop3A_216 = arith.addf %parallel_loop3A_210, %parallel_loop3A_215 : vector<16xf32>
        %parallel_loop3A_217 = arith.constant 4 : i32
        %parallel_loop3A_218 = arith.index_cast %parallel_loop3A_217 : i32 to index
        %parallel_loop3A_219 = arith.index_cast %parallel_loop3A_205 : i32 to index
        %parallel_loop3A_220 = tpu.vector_load %arg15[%parallel_loop3A_218, %parallel_loop3A_219] {strides = array<i32>} : memref<16x1024xf32, #tpu.memory_space<vmem>>, vector<1x16xf32>,
        %parallel_loop3A_221 = vector.shape_cast %parallel_loop3A_220 : vector<1x16xf32> to vector<16xf32>
        %parallel_loop3A_222 = vector.shape_cast %parallel_loop3A_216 : vector<16xf32> to vector<1x16xf32>
        tpu.vector_store %arg15[%parallel_loop3A_218, %parallel_loop3A_219], %parallel_loop3A_222 {strides = array<i32>} : memref<16x1024xf32, #tpu.memory_space<vmem>>, vector<1x16xf32>,
      } {sc.loop_unroll_factor = 8 : i64, sc.parallel_access}
      %parallel_loop3A_158 = arith.constant 0 : i32
      %parallel_loop3A_159 = arith.constant 1024 : i32
      %parallel_loop3A_160 = arith.constant 16 : i32
      scf.for %parallel_loop3A_205 = %parallel_loop3A_158 to %parallel_loop3A_159 step %parallel_loop3A_160  : i32 {
        %parallel_loop3A_206 = arith.constant 5 : i32
        %parallel_loop3A_207 = arith.index_cast %parallel_loop3A_206 : i32 to index
        %parallel_loop3A_208 = arith.index_cast %parallel_loop3A_205 : i32 to index
        %parallel_loop3A_209 = tpu.vector_load %arg13[%parallel_loop3A_207, %parallel_loop3A_208] {strides = array<i32>} : memref<16x1024xf32, #tpu.memory_space<vmem>>, vector<1x16xf32>,
        %parallel_loop3A_210 = vector.shape_cast %parallel_loop3A_209 : vector<1x16xf32> to vector<16xf32>
        %parallel_loop3A_211 = arith.constant 5 : i32
        %parallel_loop3A_212 = arith.index_cast %parallel_loop3A_211 : i32 to index
        %parallel_loop3A_213 = arith.index_cast %parallel_loop3A_205 : i32 to index
        %parallel_loop3A_214 = tpu.vector_load %arg14[%parallel_loop3A_212, %parallel_loop3A_213] {strides = array<i32>} : memref<16x1024xf32, #tpu.memory_space<vmem>>, vector<1x16xf32>,
        %parallel_loop3A_215 = vector.shape_cast %parallel_loop3A_214 : vector<1x16xf32> to vector<16xf32>
        %parallel_loop3A_216 = arith.addf %parallel_loop3A_210, %parallel_loop3A_215 : vector<16xf32>
        %parallel_loop3A_217 = arith.constant 5 : i32
        %parallel_loop3A_218 = arith.index_cast %parallel_loop3A_217 : i32 to index
        %parallel_loop3A_219 = arith.index_cast %parallel_loop3A_205 : i32 to index
        %parallel_loop3A_220 = tpu.vector_load %arg15[%parallel_loop3A_218, %parallel_loop3A_219] {strides = array<i32>} : memref<16x1024xf32, #tpu.memory_space<vmem>>, vector<1x16xf32>,
        %parallel_loop3A_221 = vector.shape_cast %parallel_loop3A_220 : vector<1x16xf32> to vector<16xf32>
        %parallel_loop3A_222 = vector.shape_cast %parallel_loop3A_216 : vector<16xf32> to vector<1x16xf32>
        tpu.vector_store %arg15[%parallel_loop3A_218, %parallel_loop3A_219], %parallel_loop3A_222 {strides = array<i32>} : memref<16x1024xf32, #tpu.memory_space<vmem>>, vector<1x16xf32>,
      } {sc.loop_unroll_factor = 8 : i64, sc.parallel_access}
      %parallel_loop3A_161 = arith.constant 0 : i32
      %parallel_loop3A_162 = arith.constant 1024 : i32
      %parallel_loop3A_163 = arith.constant 16 : i32
      scf.for %parallel_loop3A_205 = %parallel_loop3A_161 to %parallel_loop3A_162 step %parallel_loop3A_163  : i32 {
        %parallel_loop3A_206 = arith.constant 6 : i32
        %parallel_loop3A_207 = arith.index_cast %parallel_loop3A_206 : i32 to index
        %parallel_loop3A_208 = arith.index_cast %parallel_loop3A_205 : i32 to index
        %parallel_loop3A_209 = tpu.vector_load %arg13[%parallel_loop3A_207, %parallel_loop3A_208] {strides = array<i32>} : memref<16x1024xf32, #tpu.memory_space<vmem>>, vector<1x16xf32>,
        %parallel_loop3A_210 = vector.shape_cast %parallel_loop3A_209 : vector<1x16xf32> to vector<16xf32>
        %parallel_loop3A_211 = arith.constant 6 : i32
        %parallel_loop3A_212 = arith.index_cast %parallel_loop3A_211 : i32 to index
        %parallel_loop3A_213 = arith.index_cast %parallel_loop3A_205 : i32 to index
        %parallel_loop3A_214 = tpu.vector_load %arg14[%parallel_loop3A_212, %parallel_loop3A_213] {strides = array<i32>} : memref<16x1024xf32, #tpu.memory_space<vmem>>, vector<1x16xf32>,
        %parallel_loop3A_215 = vector.shape_cast %parallel_loop3A_214 : vector<1x16xf32> to vector<16xf32>
        %parallel_loop3A_216 = arith.addf %parallel_loop3A_210, %parallel_loop3A_215 : vector<16xf32>
        %parallel_loop3A_217 = arith.constant 6 : i32
        %parallel_loop3A_218 = arith.index_cast %parallel_loop3A_217 : i32 to index
        %parallel_loop3A_219 = arith.index_cast %parallel_loop3A_205 : i32 to index
        %parallel_loop3A_220 = tpu.vector_load %arg15[%parallel_loop3A_218, %parallel_loop3A_219] {strides = array<i32>} : memref<16x1024xf32, #tpu.memory_space<vmem>>, vector<1x16xf32>,
        %parallel_loop3A_221 = vector.shape_cast %parallel_loop3A_220 : vector<1x16xf32> to vector<16xf32>
        %parallel_loop3A_222 = vector.shape_cast %parallel_loop3A_216 : vector<16xf32> to vector<1x16xf32>
        tpu.vector_store %arg15[%parallel_loop3A_218, %parallel_loop3A_219], %parallel_loop3A_222 {strides = array<i32>} : memref<16x1024xf32, #tpu.memory_space<vmem>>, vector<1x16xf32>,
      } {sc.loop_unroll_factor = 8 : i64, sc.parallel_access}
      %parallel_loop3A_164 = arith.constant 0 : i32
      %parallel_loop3A_165 = arith.constant 1024 : i32
      %parallel_loop3A_166 = arith.constant 16 : i32
      scf.for %parallel_loop3A_205 = %parallel_loop3A_164 to %parallel_loop3A_165 step %parallel_loop3A_166  : i32 {
        %parallel_loop3A_206 = arith.constant 7 : i32
        %parallel_loop3A_207 = arith.index_cast %parallel_loop3A_206 : i32 to index
        %parallel_loop3A_208 = arith.index_cast %parallel_loop3A_205 : i32 to index
        %parallel_loop3A_209 = tpu.vector_load %arg13[%parallel_loop3A_207, %parallel_loop3A_208] {strides = array<i32>} : memref<16x1024xf32, #tpu.memory_space<vmem>>, vector<1x16xf32>,
        %parallel_loop3A_210 = vector.shape_cast %parallel_loop3A_209 : vector<1x16xf32> to vector<16xf32>
        %parallel_loop3A_211 = arith.constant 7 : i32
        %parallel_loop3A_212 = arith.index_cast %parallel_loop3A_211 : i32 to index
        %parallel_loop3A_213 = arith.index_cast %parallel_loop3A_205 : i32 to index
        %parallel_loop3A_214 = tpu.vector_load %arg14[%parallel_loop3A_212, %parallel_loop3A_213] {strides = array<i32>} : memref<16x1024xf32, #tpu.memory_space<vmem>>, vector<1x16xf32>,
        %parallel_loop3A_215 = vector.shape_cast %parallel_loop3A_214 : vector<1x16xf32> to vector<16xf32>
        %parallel_loop3A_216 = arith.addf %parallel_loop3A_210, %parallel_loop3A_215 : vector<16xf32>
        %parallel_loop3A_217 = arith.constant 7 : i32
        %parallel_loop3A_218 = arith.index_cast %parallel_loop3A_217 : i32 to index
        %parallel_loop3A_219 = arith.index_cast %parallel_loop3A_205 : i32 to index
        %parallel_loop3A_220 = tpu.vector_load %arg15[%parallel_loop3A_218, %parallel_loop3A_219] {strides = array<i32>} : memref<16x1024xf32, #tpu.memory_space<vmem>>, vector<1x16xf32>,
        %parallel_loop3A_221 = vector.shape_cast %parallel_loop3A_220 : vector<1x16xf32> to vector<16xf32>
        %parallel_loop3A_222 = vector.shape_cast %parallel_loop3A_216 : vector<16xf32> to vector<1x16xf32>
        tpu.vector_store %arg15[%parallel_loop3A_218, %parallel_loop3A_219], %parallel_loop3A_222 {strides = array<i32>} : memref<16x1024xf32, #tpu.memory_space<vmem>>, vector<1x16xf32>,
      } {sc.loop_unroll_factor = 8 : i64, sc.parallel_access}
      %parallel_loop3A_167 = arith.constant 0 : i32
      %parallel_loop3A_168 = arith.constant 1024 : i32
      %parallel_loop3A_169 = arith.constant 16 : i32
      scf.for %parallel_loop3A_205 = %parallel_loop3A_167 to %parallel_loop3A_168 step %parallel_loop3A_169  : i32 {
        %parallel_loop3A_206 = arith.constant 8 : i32
        %parallel_loop3A_207 = arith.index_cast %parallel_loop3A_206 : i32 to index
        %parallel_loop3A_208 = arith.index_cast %parallel_loop3A_205 : i32 to index
        %parallel_loop3A_209 = tpu.vector_load %arg13[%parallel_loop3A_207, %parallel_loop3A_208] {strides = array<i32>} : memref<16x1024xf32, #tpu.memory_space<vmem>>, vector<1x16xf32>,
        %parallel_loop3A_210 = vector.shape_cast %parallel_loop3A_209 : vector<1x16xf32> to vector<16xf32>
        %parallel_loop3A_211 = arith.constant 8 : i32
        %parallel_loop3A_212 = arith.index_cast %parallel_loop3A_211 : i32 to index
        %parallel_loop3A_213 = arith.index_cast %parallel_loop3A_205 : i32 to index
        %parallel_loop3A_214 = tpu.vector_load %arg14[%parallel_loop3A_212, %parallel_loop3A_213] {strides = array<i32>} : memref<16x1024xf32, #tpu.memory_space<vmem>>, vector<1x16xf32>,
        %parallel_loop3A_215 = vector.shape_cast %parallel_loop3A_214 : vector<1x16xf32> to vector<16xf32>
        %parallel_loop3A_216 = arith.addf %parallel_loop3A_210, %parallel_loop3A_215 : vector<16xf32>
        %parallel_loop3A_217 = arith.constant 8 : i32
        %parallel_loop3A_218 = arith.index_cast %parallel_loop3A_217 : i32 to index
        %parallel_loop3A_219 = arith.index_cast %parallel_loop3A_205 : i32 to index
        %parallel_loop3A_220 = tpu.vector_load %arg15[%parallel_loop3A_218, %parallel_loop3A_219] {strides = array<i32>} : memref<16x1024xf32, #tpu.memory_space<vmem>>, vector<1x16xf32>,
        %parallel_loop3A_221 = vector.shape_cast %parallel_loop3A_220 : vector<1x16xf32> to vector<16xf32>
        %parallel_loop3A_222 = vector.shape_cast %parallel_loop3A_216 : vector<16xf32> to vector<1x16xf32>
        tpu.vector_store %arg15[%parallel_loop3A_218, %parallel_loop3A_219], %parallel_loop3A_222 {strides = array<i32>} : memref<16x1024xf32, #tpu.memory_space<vmem>>, vector<1x16xf32>,
      } {sc.loop_unroll_factor = 8 : i64, sc.parallel_access}
      %parallel_loop3A_170 = arith.constant 0 : i32
      %parallel_loop3A_171 = arith.constant 1024 : i32
      %parallel_loop3A_172 = arith.constant 16 : i32
      scf.for %parallel_loop3A_205 = %parallel_loop3A_170 to %parallel_loop3A_171 step %parallel_loop3A_172  : i32 {
        %parallel_loop3A_206 = arith.constant 9 : i32
        %parallel_loop3A_207 = arith.index_cast %parallel_loop3A_206 : i32 to index
        %parallel_loop3A_208 = arith.index_cast %parallel_loop3A_205 : i32 to index
        %parallel_loop3A_209 = tpu.vector_load %arg13[%parallel_loop3A_207, %parallel_loop3A_208] {strides = array<i32>} : memref<16x1024xf32, #tpu.memory_space<vmem>>, vector<1x16xf32>,
        %parallel_loop3A_210 = vector.shape_cast %parallel_loop3A_209 : vector<1x16xf32> to vector<16xf32>
        %parallel_loop3A_211 = arith.constant 9 : i32
        %parallel_loop3A_212 = arith.index_cast %parallel_loop3A_211 : i32 to index
        %parallel_loop3A_213 = arith.index_cast %parallel_loop3A_205 : i32 to index
        %parallel_loop3A_214 = tpu.vector_load %arg14[%parallel_loop3A_212, %parallel_loop3A_213] {strides = array<i32>} : memref<16x1024xf32, #tpu.memory_space<vmem>>, vector<1x16xf32>,
        %parallel_loop3A_215 = vector.shape_cast %parallel_loop3A_214 : vector<1x16xf32> to vector<16xf32>
        %parallel_loop3A_216 = arith.addf %parallel_loop3A_210, %parallel_loop3A_215 : vector<16xf32>
        %parallel_loop3A_217 = arith.constant 9 : i32
        %parallel_loop3A_218 = arith.index_cast %parallel_loop3A_217 : i32 to index
        %parallel_loop3A_219 = arith.index_cast %parallel_loop3A_205 : i32 to index
        %parallel_loop3A_220 = tpu.vector_load %arg15[%parallel_loop3A_218, %parallel_loop3A_219] {strides = array<i32>} : memref<16x1024xf32, #tpu.memory_space<vmem>>, vector<1x16xf32>,
        %parallel_loop3A_221 = vector.shape_cast %parallel_loop3A_220 : vector<1x16xf32> to vector<16xf32>
        %parallel_loop3A_222 = vector.shape_cast %parallel_loop3A_216 : vector<16xf32> to vector<1x16xf32>
        tpu.vector_store %arg15[%parallel_loop3A_218, %parallel_loop3A_219], %parallel_loop3A_222 {strides = array<i32>} : memref<16x1024xf32, #tpu.memory_space<vmem>>, vector<1x16xf32>,
      } {sc.loop_unroll_factor = 8 : i64, sc.parallel_access}
      %parallel_loop3A_173 = arith.constant 0 : i32
      %parallel_loop3A_174 = arith.constant 1024 : i32
      %parallel_loop3A_175 = arith.constant 16 : i32
      scf.for %parallel_loop3A_205 = %parallel_loop3A_173 to %parallel_loop3A_174 step %parallel_loop3A_175  : i32 {
        %parallel_loop3A_206 = arith.constant 10 : i32
        %parallel_loop3A_207 = arith.index_cast %parallel_loop3A_206 : i32 to index
        %parallel_loop3A_208 = arith.index_cast %parallel_loop3A_205 : i32 to index
        %parallel_loop3A_209 = tpu.vector_load %arg13[%parallel_loop3A_207, %parallel_loop3A_208] {strides = array<i32>} : memref<16x1024xf32, #tpu.memory_space<vmem>>, vector<1x16xf32>,
        %parallel_loop3A_210 = vector.shape_cast %parallel_loop3A_209 : vector<1x16xf32> to vector<16xf32>
        %parallel_loop3A_211 = arith.constant 10 : i32
        %parallel_loop3A_212 = arith.index_cast %parallel_loop3A_211 : i32 to index
        %parallel_loop3A_213 = arith.index_cast %parallel_loop3A_205 : i32 to index
        %parallel_loop3A_214 = tpu.vector_load %arg14[%parallel_loop3A_212, %parallel_loop3A_213] {strides = array<i32>} : memref<16x1024xf32, #tpu.memory_space<vmem>>, vector<1x16xf32>,
        %parallel_loop3A_215 = vector.shape_cast %parallel_loop3A_214 : vector<1x16xf32> to vector<16xf32>
        %parallel_loop3A_216 = arith.addf %parallel_loop3A_210, %parallel_loop3A_215 : vector<16xf32>
        %parallel_loop3A_217 = arith.constant 10 : i32
        %parallel_loop3A_218 = arith.index_cast %parallel_loop3A_217 : i32 to index
        %parallel_loop3A_219 = arith.index_cast %parallel_loop3A_205 : i32 to index
        %parallel_loop3A_220 = tpu.vector_load %arg15[%parallel_loop3A_218, %parallel_loop3A_219] {strides = array<i32>} : memref<16x1024xf32, #tpu.memory_space<vmem>>, vector<1x16xf32>,
        %parallel_loop3A_221 = vector.shape_cast %parallel_loop3A_220 : vector<1x16xf32> to vector<16xf32>
        %parallel_loop3A_222 = vector.shape_cast %parallel_loop3A_216 : vector<16xf32> to vector<1x16xf32>
        tpu.vector_store %arg15[%parallel_loop3A_218, %parallel_loop3A_219], %parallel_loop3A_222 {strides = array<i32>} : memref<16x1024xf32, #tpu.memory_space<vmem>>, vector<1x16xf32>,
      } {sc.loop_unroll_factor = 8 : i64, sc.parallel_access}
      %parallel_loop3A_176 = arith.constant 0 : i32
      %parallel_loop3A_177 = arith.constant 1024 : i32
      %parallel_loop3A_178 = arith.constant 16 : i32
      scf.for %parallel_loop3A_205 = %parallel_loop3A_176 to %parallel_loop3A_177 step %parallel_loop3A_178  : i32 {
        %parallel_loop3A_206 = arith.constant 11 : i32
        %parallel_loop3A_207 = arith.index_cast %parallel_loop3A_206 : i32 to index
        %parallel_loop3A_208 = arith.index_cast %parallel_loop3A_205 : i32 to index
        %parallel_loop3A_209 = tpu.vector_load %arg13[%parallel_loop3A_207, %parallel_loop3A_208] {strides = array<i32>} : memref<16x1024xf32, #tpu.memory_space<vmem>>, vector<1x16xf32>,
        %parallel_loop3A_210 = vector.shape_cast %parallel_loop3A_209 : vector<1x16xf32> to vector<16xf32>
        %parallel_loop3A_211 = arith.constant 11 : i32
        %parallel_loop3A_212 = arith.index_cast %parallel_loop3A_211 : i32 to index
        %parallel_loop3A_213 = arith.index_cast %parallel_loop3A_205 : i32 to index
        %parallel_loop3A_214 = tpu.vector_load %arg14[%parallel_loop3A_212, %parallel_loop3A_213] {strides = array<i32>} : memref<16x1024xf32, #tpu.memory_space<vmem>>, vector<1x16xf32>,
        %parallel_loop3A_215 = vector.shape_cast %parallel_loop3A_214 : vector<1x16xf32> to vector<16xf32>
        %parallel_loop3A_216 = arith.addf %parallel_loop3A_210, %parallel_loop3A_215 : vector<16xf32>
        %parallel_loop3A_217 = arith.constant 11 : i32
        %parallel_loop3A_218 = arith.index_cast %parallel_loop3A_217 : i32 to index
        %parallel_loop3A_219 = arith.index_cast %parallel_loop3A_205 : i32 to index
        %parallel_loop3A_220 = tpu.vector_load %arg15[%parallel_loop3A_218, %parallel_loop3A_219] {strides = array<i32>} : memref<16x1024xf32, #tpu.memory_space<vmem>>, vector<1x16xf32>,
        %parallel_loop3A_221 = vector.shape_cast %parallel_loop3A_220 : vector<1x16xf32> to vector<16xf32>
        %parallel_loop3A_222 = vector.shape_cast %parallel_loop3A_216 : vector<16xf32> to vector<1x16xf32>
        tpu.vector_store %arg15[%parallel_loop3A_218, %parallel_loop3A_219], %parallel_loop3A_222 {strides = array<i32>} : memref<16x1024xf32, #tpu.memory_space<vmem>>, vector<1x16xf32>,
      } {sc.loop_unroll_factor = 8 : i64, sc.parallel_access}
      %parallel_loop3A_179 = arith.constant 0 : i32
      %parallel_loop3A_180 = arith.constant 1024 : i32
      %parallel_loop3A_181 = arith.constant 16 : i32
      scf.for %parallel_loop3A_205 = %parallel_loop3A_179 to %parallel_loop3A_180 step %parallel_loop3A_181  : i32 {
        %parallel_loop3A_206 = arith.constant 12 : i32
        %parallel_loop3A_207 = arith.index_cast %parallel_loop3A_206 : i32 to index
        %parallel_loop3A_208 = arith.index_cast %parallel_loop3A_205 : i32 to index
        %parallel_loop3A_209 = tpu.vector_load %arg13[%parallel_loop3A_207, %parallel_loop3A_208] {strides = array<i32>} : memref<16x1024xf32, #tpu.memory_space<vmem>>, vector<1x16xf32>,
        %parallel_loop3A_210 = vector.shape_cast %parallel_loop3A_209 : vector<1x16xf32> to vector<16xf32>
        %parallel_loop3A_211 = arith.constant 12 : i32
        %parallel_loop3A_212 = arith.index_cast %parallel_loop3A_211 : i32 to index
        %parallel_loop3A_213 = arith.index_cast %parallel_loop3A_205 : i32 to index
        %parallel_loop3A_214 = tpu.vector_load %arg14[%parallel_loop3A_212, %parallel_loop3A_213] {strides = array<i32>} : memref<16x1024xf32, #tpu.memory_space<vmem>>, vector<1x16xf32>,
        %parallel_loop3A_215 = vector.shape_cast %parallel_loop3A_214 : vector<1x16xf32> to vector<16xf32>
        %parallel_loop3A_216 = arith.addf %parallel_loop3A_210, %parallel_loop3A_215 : vector<16xf32>
        %parallel_loop3A_217 = arith.constant 12 : i32
        %parallel_loop3A_218 = arith.index_cast %parallel_loop3A_217 : i32 to index
        %parallel_loop3A_219 = arith.index_cast %parallel_loop3A_205 : i32 to index
        %parallel_loop3A_220 = tpu.vector_load %arg15[%parallel_loop3A_218, %parallel_loop3A_219] {strides = array<i32>} : memref<16x1024xf32, #tpu.memory_space<vmem>>, vector<1x16xf32>,
        %parallel_loop3A_221 = vector.shape_cast %parallel_loop3A_220 : vector<1x16xf32> to vector<16xf32>
        %parallel_loop3A_222 = vector.shape_cast %parallel_loop3A_216 : vector<16xf32> to vector<1x16xf32>
        tpu.vector_store %arg15[%parallel_loop3A_218, %parallel_loop3A_219], %parallel_loop3A_222 {strides = array<i32>} : memref<16x1024xf32, #tpu.memory_space<vmem>>, vector<1x16xf32>,
      } {sc.loop_unroll_factor = 8 : i64, sc.parallel_access}
      %parallel_loop3A_182 = arith.constant 0 : i32
      %parallel_loop3A_183 = arith.constant 1024 : i32
      %parallel_loop3A_184 = arith.constant 16 : i32
      scf.for %parallel_loop3A_205 = %parallel_loop3A_182 to %parallel_loop3A_183 step %parallel_loop3A_184  : i32 {
        %parallel_loop3A_206 = arith.constant 13 : i32
        %parallel_loop3A_207 = arith.index_cast %parallel_loop3A_206 : i32 to index
        %parallel_loop3A_208 = arith.index_cast %parallel_loop3A_205 : i32 to index
        %parallel_loop3A_209 = tpu.vector_load %arg13[%parallel_loop3A_207, %parallel_loop3A_208] {strides = array<i32>} : memref<16x1024xf32, #tpu.memory_space<vmem>>, vector<1x16xf32>,
        %parallel_loop3A_210 = vector.shape_cast %parallel_loop3A_209 : vector<1x16xf32> to vector<16xf32>
        %parallel_loop3A_211 = arith.constant 13 : i32
        %parallel_loop3A_212 = arith.index_cast %parallel_loop3A_211 : i32 to index
        %parallel_loop3A_213 = arith.index_cast %parallel_loop3A_205 : i32 to index
        %parallel_loop3A_214 = tpu.vector_load %arg14[%parallel_loop3A_212, %parallel_loop3A_213] {strides = array<i32>} : memref<16x1024xf32, #tpu.memory_space<vmem>>, vector<1x16xf32>,
        %parallel_loop3A_215 = vector.shape_cast %parallel_loop3A_214 : vector<1x16xf32> to vector<16xf32>
        %parallel_loop3A_216 = arith.addf %parallel_loop3A_210, %parallel_loop3A_215 : vector<16xf32>
        %parallel_loop3A_217 = arith.constant 13 : i32
        %parallel_loop3A_218 = arith.index_cast %parallel_loop3A_217 : i32 to index
        %parallel_loop3A_219 = arith.index_cast %parallel_loop3A_205 : i32 to index
        %parallel_loop3A_220 = tpu.vector_load %arg15[%parallel_loop3A_218, %parallel_loop3A_219] {strides = array<i32>} : memref<16x1024xf32, #tpu.memory_space<vmem>>, vector<1x16xf32>,
        %parallel_loop3A_221 = vector.shape_cast %parallel_loop3A_220 : vector<1x16xf32> to vector<16xf32>
        %parallel_loop3A_222 = vector.shape_cast %parallel_loop3A_216 : vector<16xf32> to vector<1x16xf32>
        tpu.vector_store %arg15[%parallel_loop3A_218, %parallel_loop3A_219], %parallel_loop3A_222 {strides = array<i32>} : memref<16x1024xf32, #tpu.memory_space<vmem>>, vector<1x16xf32>,
      } {sc.loop_unroll_factor = 8 : i64, sc.parallel_access}
      %parallel_loop3A_185 = arith.constant 0 : i32
      %parallel_loop3A_186 = arith.constant 1024 : i32
      %parallel_loop3A_187 = arith.constant 16 : i32
      scf.for %parallel_loop3A_205 = %parallel_loop3A_185 to %parallel_loop3A_186 step %parallel_loop3A_187  : i32 {
        %parallel_loop3A_206 = arith.constant 14 : i32
        %parallel_loop3A_207 = arith.index_cast %parallel_loop3A_206 : i32 to index
        %parallel_loop3A_208 = arith.index_cast %parallel_loop3A_205 : i32 to index
        %parallel_loop3A_209 = tpu.vector_load %arg13[%parallel_loop3A_207, %parallel_loop3A_208] {strides = array<i32>} : memref<16x1024xf32, #tpu.memory_space<vmem>>, vector<1x16xf32>,
        %parallel_loop3A_210 = vector.shape_cast %parallel_loop3A_209 : vector<1x16xf32> to vector<16xf32>
        %parallel_loop3A_211 = arith.constant 14 : i32
        %parallel_loop3A_212 = arith.index_cast %parallel_loop3A_211 : i32 to index
        %parallel_loop3A_213 = arith.index_cast %parallel_loop3A_205 : i32 to index
        %parallel_loop3A_214 = tpu.vector_load %arg14[%parallel_loop3A_212, %parallel_loop3A_213] {strides = array<i32>} : memref<16x1024xf32, #tpu.memory_space<vmem>>, vector<1x16xf32>,
        %parallel_loop3A_215 = vector.shape_cast %parallel_loop3A_214 : vector<1x16xf32> to vector<16xf32>
        %parallel_loop3A_216 = arith.addf %parallel_loop3A_210, %parallel_loop3A_215 : vector<16xf32>
        %parallel_loop3A_217 = arith.constant 14 : i32
        %parallel_loop3A_218 = arith.index_cast %parallel_loop3A_217 : i32 to index
        %parallel_loop3A_219 = arith.index_cast %parallel_loop3A_205 : i32 to index
        %parallel_loop3A_220 = tpu.vector_load %arg15[%parallel_loop3A_218, %parallel_loop3A_219] {strides = array<i32>} : memref<16x1024xf32, #tpu.memory_space<vmem>>, vector<1x16xf32>,
        %parallel_loop3A_221 = vector.shape_cast %parallel_loop3A_220 : vector<1x16xf32> to vector<16xf32>
        %parallel_loop3A_222 = vector.shape_cast %parallel_loop3A_216 : vector<16xf32> to vector<1x16xf32>
        tpu.vector_store %arg15[%parallel_loop3A_218, %parallel_loop3A_219], %parallel_loop3A_222 {strides = array<i32>} : memref<16x1024xf32, #tpu.memory_space<vmem>>, vector<1x16xf32>,
      } {sc.loop_unroll_factor = 8 : i64, sc.parallel_access}
      %parallel_loop3A_188 = arith.constant 0 : i32
      %parallel_loop3A_189 = arith.constant 1024 : i32
      %parallel_loop3A_190 = arith.constant 16 : i32
      scf.for %parallel_loop3A_205 = %parallel_loop3A_188 to %parallel_loop3A_189 step %parallel_loop3A_190  : i32 {
        %parallel_loop3A_206 = arith.constant 15 : i32
        %parallel_loop3A_207 = arith.index_cast %parallel_loop3A_206 : i32 to index
        %parallel_loop3A_208 = arith.index_cast %parallel_loop3A_205 : i32 to index
        %parallel_loop3A_209 = tpu.vector_load %arg13[%parallel_loop3A_207, %parallel_loop3A_208] {strides = array<i32>} : memref<16x1024xf32, #tpu.memory_space<vmem>>, vector<1x16xf32>,
        %parallel_loop3A_210 = vector.shape_cast %parallel_loop3A_209 : vector<1x16xf32> to vector<16xf32>
        %parallel_loop3A_211 = arith.constant 15 : i32
        %parallel_loop3A_212 = arith.index_cast %parallel_loop3A_211 : i32 to index
        %parallel_loop3A_213 = arith.index_cast %parallel_loop3A_205 : i32 to index
        %parallel_loop3A_214 = tpu.vector_load %arg14[%parallel_loop3A_212, %parallel_loop3A_213] {strides = array<i32>} : memref<16x1024xf32, #tpu.memory_space<vmem>>, vector<1x16xf32>,
        %parallel_loop3A_215 = vector.shape_cast %parallel_loop3A_214 : vector<1x16xf32> to vector<16xf32>
        %parallel_loop3A_216 = arith.addf %parallel_loop3A_210, %parallel_loop3A_215 : vector<16xf32>
        %parallel_loop3A_217 = arith.constant 15 : i32
        %parallel_loop3A_218 = arith.index_cast %parallel_loop3A_217 : i32 to index
        %parallel_loop3A_219 = arith.index_cast %parallel_loop3A_205 : i32 to index
        %parallel_loop3A_220 = tpu.vector_load %arg15[%parallel_loop3A_218, %parallel_loop3A_219] {strides = array<i32>} : memref<16x1024xf32, #tpu.memory_space<vmem>>, vector<1x16xf32>,
        %parallel_loop3A_221 = vector.shape_cast %parallel_loop3A_220 : vector<1x16xf32> to vector<16xf32>
        %parallel_loop3A_222 = vector.shape_cast %parallel_loop3A_216 : vector<16xf32> to vector<1x16xf32>
        tpu.vector_store %arg15[%parallel_loop3A_218, %parallel_loop3A_219], %parallel_loop3A_222 {strides = array<i32>} : memref<16x1024xf32, #tpu.memory_space<vmem>>, vector<1x16xf32>,
      } {sc.loop_unroll_factor = 8 : i64, sc.parallel_access}
      %mul3A_191 = arith.constant 16 : i32
      %mul3A_192 = arith.muli %add3A_127, %mul3A_191 : i32
      %add3A_193 = arith.addi %mul3A_2, %mul3A_192 : i32
      %dma_start3A_194 = arith.constant 0 : i32
      %dma_start3A_195 = tpu.memref_slice %arg5[%add3A_193, %dma_start3A_194] : memref<16384x1024xf32, #tpu.memory_space<hbm>> -> memref<16x1024xf32, #tpu.memory_space<hbm>>
      %dma_start3A_196 = arith.constant 0 : i32
      %dma_start3A_197 = tpu.memref_slice %arg5[%add3A_193, %dma_start3A_196] : memref<16384x1024xf32, #tpu.memory_space<hbm>> -> memref<16x1024xf32, #tpu.memory_space<hbm>>
      tpu.enqueue_dma source(%arg15 : memref<16x1024xf32, #tpu.memory_space<vmem>>) target(%dma_start3A_197 : memref<16x1024xf32, #tpu.memory_space<hbm>>) target_semaphore(%arg18 : memref<!tpu.dma_semaphore, #tpu.memory_space<semaphore_mem>>)
      %add3A_198 = arith.constant 2 : i32
      %add3A_199 = arith.addi %add3A_127, %add3A_198 : i32
      %lt3A_200 = arith.constant 32 : i32
      %lt3A_201 = arith.cmpi slt, %add3A_199, %lt3A_200 : i32
      %convert_element_type3A_202 = arith.extui %lt3A_201 : i1 to i32
      %cond3A_203 = arith.constant 0 : i32
      %cond3A_204 = arith.cmpi ne, %convert_element_type3A_202, %cond3A_203 : i32
      scf.if %cond3A_204 {
        %add3A_205 = arith.constant 2 : i32
        %add3A_206 = arith.addi %add3A_127, %add3A_205 : i32
        %mul3A_207 = arith.constant 16 : i32
        %mul3A_208 = arith.muli %add3A_206, %mul3A_207 : i32
        %get3A_209 = arith.index_cast %mul3A_208 : i32 to index
        %get3A_210 = tpu.vector_load %arg6[%get3A_209] {strides = array<i32>} : memref<512xi32, #tpu.memory_space<vmem>>, vector<16xi32>,
        %get3A_211 = vector.shape_cast %get3A_210 : vector<16xi32> to vector<16xi32>
        %dma_start3A_212 = arith.constant 0 : i32
        %dma_start3A_213 = arith.constant 0 : i32
        %dma_start3A_214 = tpu.memref_slice %arg4[%dma_start3A_212, %dma_start3A_213] : memref<4096x1024xf32, #tpu.memory_space<hbm>> -> memref<4096x1024xf32, #tpu.memory_space<hbm>>
        tpu.enqueue_indirect_dma source(%dma_start3A_214 : memref<4096x1024xf32, #tpu.memory_space<hbm>>) target(%arg13 : memref<16x1024xf32, #tpu.memory_space<vmem>>) offsets(%get3A_211 : vector<16xi32>) semaphore(%arg16 : memref<!tpu.dma_semaphore, #tpu.memory_space<semaphore_mem>>)
        %mul3A_215 = arith.constant 16 : i32
        %mul3A_216 = arith.muli %add3A_206, %mul3A_215 : i32
        %add3A_217 = arith.addi %mul3A_2, %mul3A_216 : i32
        %dma_start3A_218 = arith.constant 0 : i32
        %dma_start3A_219 = tpu.memref_slice %arg2[%add3A_217, %dma_start3A_218] : memref<16384x1024xf32, #tpu.memory_space<hbm>> -> memref<16x1024xf32, #tpu.memory_space<hbm>>
        %dma_start3A_220 = arith.constant 0 : i32
        %dma_start3A_221 = tpu.memref_slice %arg2[%add3A_217, %dma_start3A_220] : memref<16384x1024xf32, #tpu.memory_space<hbm>> -> memref<16x1024xf32, #tpu.memory_space<hbm>>
        tpu.enqueue_dma source(%dma_start3A_221 : memref<16x1024xf32, #tpu.memory_space<hbm>>) target(%arg14 : memref<16x1024xf32, #tpu.memory_space<vmem>>) target_semaphore(%arg17 : memref<!tpu.dma_semaphore, #tpu.memory_space<semaphore_mem>>)
      } else {
      }
    }
    %scan3A_39 = arith.constant 16 : i32
    %dma_wait3A = arith.constant 0 : i32
    %dma_wait3A_40 = tpu.memref_slice %arg5[%mul3A_2, %dma_wait3A] : memref<16384x1024xf32, #tpu.memory_space<hbm>> -> memref<16x1024xf32, #tpu.memory_space<hbm>>
    %dma_wait3A_41 = arith.constant 0 : i32
    %dma_wait3A_42 = tpu.memref_slice %arg5[%mul3A_2, %dma_wait3A_41] : memref<16384x1024xf32, #tpu.memory_space<hbm>> -> memref<16x1024xf32, #tpu.memory_space<hbm>>
    tpu.wait_dma2 semaphore(%arg12 : memref<!tpu.dma_semaphore, #tpu.memory_space<semaphore_mem>>) src(%arg9 : memref<16x1024xf32, #tpu.memory_space<vmem>>) dst(%dma_wait3A_42 : memref<16x1024xf32, #tpu.memory_space<hbm>>)
    %dma_wait3A_43 = arith.constant 0 : i32
    %dma_wait3A_44 = tpu.memref_slice %arg5[%mul3A_2, %dma_wait3A_43] : memref<16384x1024xf32, #tpu.memory_space<hbm>> -> memref<16x1024xf32, #tpu.memory_space<hbm>>
    %dma_wait3A_45 = arith.constant 0 : i32
    %dma_wait3A_46 = tpu.memref_slice %arg5[%mul3A_2, %dma_wait3A_45] : memref<16384x1024xf32, #tpu.memory_space<hbm>> -> memref<16x1024xf32, #tpu.memory_space<hbm>>
    tpu.wait_dma2 semaphore(%arg18 : memref<!tpu.dma_semaphore, #tpu.memory_space<semaphore_mem>>) src(%arg15 : memref<16x1024xf32, #tpu.memory_space<vmem>>) dst(%dma_wait3A_46 : memref<16x1024xf32, #tpu.memory_space<hbm>>)
    return
  }
}

</mosaic_0001>

<sc_bundles>
// kernel: kernel.3.cloned.1.call-start
scs
__scs_entry_jumppad:
0x0: {  	(pc) =	sbr.rel $0x88, $3  }
0x1: {  	(tag) =	ssettag $0x0;
	lr =	simm.s32 $0x1  }
0x2: {  	[smem:$0x3F9E] =	sst lr;
	_ =	strace $0xD0000000  }
0x3: {  	_ = 	snop  }
0x4: {  	_ = 	snop  }
0x5: {  	_ = 	snop  }
0x6: {  	_ = 	snop  }
0x7: {  	_ = 	snop  }
__scs_overlays_trampoline_lowered:
0x8: {  	[smem:$0x3FAD] =	sst s0  }
0x9: {  	[smem:$0x3FAE] =	sst s1  }
0xa: {  	[smem:$0x3FAF] =	sst s2  }
0xb: {  	[smem:$0x3FB0] =	sst s3  }
0xc: {  	[smem:$0x3FB1] =	sst s4  }
0xd: {  	[smem:$0x3FB2] =	sst s5  }
0xe: {  	[smem:$0x3FB3] =	sst s6  }
0xf: {  	[smem:$0x3FB4] =	sst s7  }
0x10: {  	[smem:$0x3FB5] =	sst s8  }
0x11: {  	[smem:$0x3FB6] =	sst s9;
	s0 =	simm.s32 @!p0 $0x0  }
0x12: {  	s1 =	sld [smem:$0x3F9C];
	s0 =	simm.s32 @p0 $0x1  }
0x13: {  	[smem:$0x3FB7] =	sst s0;
	s0 =	simm.s32 @!p1 $0x0  }
0x14: {  	s2 =	sld [smem:$0x3F9B];
	s0 =	simm.s32 @p1 $0x1  }
0x15: {  	[smem:$0x3FB8] =	sst s0;
	s0 =	simm.s32 @!p2 $0x0  }
0x16: {  	s3 =	sld [smem:$0x3FDB];
	s0 =	simm.s32 @p2 $0x1  }
0x17: {  	s4 =	simm.s32 $0x1BF5;
	[smem:$0x3FBA] =	sst s0  }
0x18: {  	s0 =	sld [smem:$0x3F9D];
	_ =	swait.ge [sflag:s4], $0x0  }
0x19: {  	s7 =	sld [smem:$0x3F9E]  }
0x1a: {  	s8 =	sadd.s32 $0xFFFFE003, lr  }
0x1b: {  	s9 =	sadd.s32 $0xFFFFFEF7, lr;
	s5 =	simm.s32 $0xFFFFFFFF;
	p2 =	slt.u32 s8, $0xFFFFF086  }
0x1c: {  	p1 =	slt.u32 s9, $0xF7A;
	s5 =	simm.s32 @!p2 $0x0  }
0x1d: {  	s5 =	simm.s32 @p1 $0x1;
	p0 =	seq.s32 s7, s2  }
0x1e: {  	s7 =	smul.u32 @!p0 $0xF7A, s2;
	p2 =	seq.s32 @!p0 s5, $0x0  }
0x1f: {  	s9 =	smul.u32 $0xF7A, s1;
	s8 =	simm.s32 @!p0 $0x1BF5;
	p2 =	por !p2, p0  }
0x20: {  	[sflag:s8] =	ssyncset.s32 @!p0 $0xFFFFF086;
	s6 =	sadd.s32 @!p0 s3, s7;
	s7 =	simm.s32 @!p0 $0x108  }
0x21: {  	s3 =	sadd.s32 s3, s9;
	s6 =	sadd.s32 @!p0 $0x88, s6;
	s7 =	simm.s32 @p2 $0x1082  }
0x22: {  	[simem:s7], [sflag:s8] =	dma.local @!p0 [hbm:s6], $0xF7A  }
0x23: {  	s9 =	sor.u32 $0xD0000000, s2;
	s6 =	simm.s32 $0x108;
	_ =	swait.ge @!p0 [sflag:s8], $0x0  }
0x24: {  	s3 =	sadd.s32 $0x88, s3;
	s6 =	simm.s32 @!p1 $0x1082;
	[sflag:s4] =	ssyncset.s32 $0xFFFFF086  }
0x25: {  	[simem:s6], [sflag:s4] =	dma.local [hbm:s3], $0xF7A  }
0x26: {  	[smem:$0x3F9E] =	sst s1;
	(tag) =	ssettag s2;
	_ =	strace s9  }
0x27: {  	s1 =	sld [smem:$0x3FAE]  }
0x28: {  	s2 =	sld [smem:$0x3FAF]  }
0x29: {  	s4 =	sld [smem:$0x3FB1]  }
0x2a: {  	p0 =	seq.s32 s5, $0x0;
	s5 =	sld [smem:$0x3FB2]  }
0x2b: {  	s6 =	sld [smem:$0x3FB3]  }
0x2c: {  	s7 =	sld [smem:$0x3FB4]  }
0x2d: {  	s3 =	simm.s32 $0x108;
	s8 =	sld [smem:$0x3FB5]  }
0x2e: {  	s3 =	simm.s32 @!p0 $0x1082;
	s9 =	sld [smem:$0x3FB6]  }
0x2f: {  	lr =	sadd.s32 s0, s3;
	s0 =	sld [smem:$0x3FAD]  }
0x30: {  	s3 =	sld [smem:$0x3FB0]  }
0x31: {  	[smem:$0x3FB9] =	sst s10  }
0x32: {  	s10 =	sld [smem:$0x3FB7];
	_ =	sdelay $0x3  }
0x33: {  	p0 =	seq.s32 s10, $0x1;
	s10 =	sld [smem:$0x3FB9];
	_ =	sdelay $0x3  }
0x34: {  	[smem:$0x3FB9] =	sst s10  }
0x35: {  	s10 =	sld [smem:$0x3FB8];
	_ =	sdelay $0x3  }
0x36: {  	p1 =	seq.s32 s10, $0x1;
	s10 =	sld [smem:$0x3FB9];
	_ =	sdelay $0x3  }
0x37: {  	[smem:$0x3FB9] =	sst s10  }
0x38: {  	s10 =	sld [smem:$0x3FBA]  }
0x39: {  	_ = 	snop;
	(pc) =	sbr.ind lr, $3  }
0x3a: {  	_ = 	snop  }
0x3b: {  	_ = 	snop  }
0x3c: {  	p2 =	seq.s32 s10, $0x1;
	s10 =	sld [smem:$0x3FB9]  }
0x3d: {  	_ =	shalt  }
0x3e: {  	_ =	shalt  }
0x3f: {  	_ =	shalt  }
0x40: {  	_ =	shalt  }
0x41: {  	_ =	shalt  }
0x42: {  	_ =	shalt  }
0x43: {  	_ =	shalt  }
0x44: {  	_ =	shalt  }
0x45: {  	_ =	shalt  }
0x46: {  	_ =	shalt  }
0x47: {  	_ =	shalt  }
0x48: {  	_ =	shalt  }
0x49: {  	_ =	shalt  }
0x4a: {  	_ =	shalt  }
0x4b: {  	_ =	shalt  }
0x4c: {  	_ =	shalt  }
0x4d: {  	_ =	shalt  }
0x4e: {  	_ =	shalt  }
0x4f: {  	_ =	shalt  }
0x50: {  	_ =	shalt  }
0x51: {  	_ =	shalt  }
0x52: {  	_ =	shalt  }
0x53: {  	_ =	shalt  }
0x54: {  	_ =	shalt  }
0x55: {  	_ =	shalt  }
0x56: {  	_ =	shalt  }
0x57: {  	_ =	shalt  }
0x58: {  	_ =	shalt  }
0x59: {  	_ =	shalt  }
0x5a: {  	_ =	shalt  }
0x5b: {  	_ =	shalt  }
0x5c: {  	_ =	shalt  }
0x5d: {  	_ =	shalt  }
0x5e: {  	_ =	shalt  }
0x5f: {  	_ =	shalt  }
0x60: {  	_ =	shalt  }
0x61: {  	_ =	shalt  }
0x62: {  	_ =	shalt  }
0x63: {  	_ =	shalt  }
0x64: {  	_ =	shalt  }
0x65: {  	_ =	shalt  }
0x66: {  	_ =	shalt  }
0x67: {  	_ =	shalt  }
0x68: {  	_ =	shalt  }
0x69: {  	_ =	shalt  }
0x6a: {  	_ =	shalt  }
0x6b: {  	_ =	shalt  }
0x6c: {  	_ =	shalt  }
0x6d: {  	_ =	shalt  }
0x6e: {  	_ =	shalt  }
0x6f: {  	_ =	shalt  }
0x70: {  	_ =	shalt  }
0x71: {  	_ =	shalt  }
0x72: {  	_ =	shalt  }
0x73: {  	_ =	shalt  }
0x74: {  	_ =	shalt  }
0x75: {  	_ =	shalt  }
0x76: {  	_ =	shalt  }
0x77: {  	_ =	shalt  }
0x78: {  	_ =	shalt  }
0x79: {  	_ =	shalt  }
0x7a: {  	_ =	shalt  }
0x7b: {  	_ =	shalt  }
0x7c: {  	_ =	shalt  }
0x7d: {  	_ =	shalt  }
0x7e: {  	_ =	shalt  }
0x7f: {  	_ =	shalt  }
0x80: {  	_ =	shalt  }
0x81: {  	_ =	shalt  }
0x82: {  	_ =	shalt  }
0x83: {  	_ =	shalt  }
0x84: {  	_ =	shalt  }
0x85: {  	_ =	shalt  }
0x86: {  	_ =	shalt  }
0x87: {  	_ =	shalt  }
.Lfunc_end0:
.L_simem_size_0:
called_computation_lowered:
.L_overlay_start_0:
0x88: {  	s2 =	sld [smem:$0x3FD9]  }
0x89: {  	s3 =	sld [smem:$0x3FFE];
	_ =	sdelay $0x1  }
0x8a: {  	s1 =	srdreg.scid  }
0x8b: {  	s0 =	sand.u32 $0x1, s1  }
0x8c: {  	s17 =	sshll.u32 s0, $0xA;
	s2 =	sadd.s32 s3, s2  }
0x8d: {  	s2 =	sadd.s32 s2, s17  }
0x8e: {  	[smem:$0x3FC5] =	sst s2  }
0x8f: {  	_ = 	snop  }
0x90: {  	s2 =	sld [smem:$0x3FC9]  }
0x91: {  	s18 =	sld [smem:$0x3FC7]  }
0x92: {  	s4 =	sld [smem:$0x3FD0];
	(tm) =	ssettm $0x1  }
0x93: {  	s5 =	sld [smem:$0x3FFB];
	_ =	sdelay $0x3  }
0x94: {  	_ =	strace s5  }
0x95: {  	s5 =	sld [smem:$0x3FFC];
	_ =	sdelay $0x3  }
0x96: {  	_ =	strace s5  }
0x97: {  	s5 =	sld [smem:$0x3FFD];
	_ =	sdelay $0x3  }
0x98: {  	_ =	strace s5  }
0x99: {  	_ =	strace $0x8FFFFFFF  }
0x9a: {  	s19 =	sld [smem:$0x3FDB];
	_ =	sdelay $0x1  }
0x9b: {  	s6 =	simm.s32 $_scs_section_size  }
0x9c: {  	s7 =	simm.s32 $_size__tile_overlayer_lowered;
	s8 =	simm.s32 $_tile_overlayer_lowered  }
0x9d: {  	s22 =	simm.s32 $0x1BFF;
	s21 =	sshll.u32 s8, $0x1;
	s5 =	sadd.s32 s6, s19  }
0x9e: {  	s9 =	simm.s32 $0x0;
	s20 =	sshll.u32 s7, $0x1;
	s7 =	sadd.s32 s21, s5  }
0x9f: {  	[timem:s9], [sflag:s22] =	dma.local [hbm:s7], s20  }
0xa0: {  	_ =	swait.ge [sflag:s22], s20  }
0xa1: {  	s6 =	ssub.s32 $0x0, s20;
	[sflag:s22] =	ssyncset.done $0x0  }
0xa2: {  	[sflag:s22] =	ssyncadd.s32 s6;
	_ =	sdelay $0x1  }
0xa3: {  	s23 =	simm.s32 $0x1B8B  }
0xa4: {  	_ =	swait.ge [sflag:s23], $0x1  }
0xa5: {  	[sflag:s23] =	ssyncset.done $0x0  }
0xa6: {  	s25 =	simm.s32 $0x1B8E;
	s24 =	sld [smem:$0x3FFE];
	[sflag:s23] =	ssyncadd.s32 $0xFFFFFFFF  }
0xa7: {  	s26 =	simm.s32 $execute0_lowered;
	[smem:$0x3FD2] =	sst s25  }
0xa8: {  	s7 =	sshll.u32 s26, $0x1;
	_ =	strace $0x80000046;
	[dreg:$0x1] =	wrdreg $0xFFFFFFFF  }
0xa9: {  	s28 =	simm.s32 $_size_execute0_lowered;
	s5 =	sadd.s32 s5, s7;
	[dreg:$0x0] =	wrdreg $0x0  }
0xaa: {  	s7 =	sshll.u32 s28, $0x1;
	[dreg:$0x2] =	wrdreg s5  }
0xab: {  	[dreg:$0x3] =	wrdreg s7  }
0xac: {  	[dreg:$0x4] =	wrdreg $0xC0  }
0xad: {  	_ =	task [dreg:s9], $0x5FFFF  }
0xae: {  	[dreg:$0x1] =	wrdreg $0xFFFFFFFF  }
0xaf: {  	[dreg:$0x0] =	wrdreg $0x60  }
0xb0: {  	[dreg:$0x2] =	wrdreg s2  }
0xb1: {  	[dreg:$0x3] =	wrdreg s24  }
0xb2: {  	[dreg:$0x4] =	wrdreg s18  }
0xb3: {  	[dreg:$0x5] =	wrdreg s4  }
0xb4: {  	[dreg:$0x6] =	wrdreg $0x9  }
0xb5: {  	_ =	task.clear_ibuf [dreg:s9], $0x7FFFF;
	_ =	strace $0x90000046  }
0xb6: {  	s29 =	simm.s32 $0x9;
	_ =	strace $0x80000048  }
0xb7: {  	_ =	swait.ge [sflag:s29], $0x1  }
0xb8: {  	[sflag:s29] =	ssyncadd.s32 $0xFFFFFFFF  }
0xb9: {  	_ =	strace $0x90000048  }
0xba: {  	_ =	sfence  }
0xbb: {  	s30 =	sld [smem:$0x0];
	_ =	sdelay $0x2  }
0xbc: {  	s31 =	sshll.u32 s1, $0xD;
	s1 =	sshrl.u32 s1, $0x2  }
0xbd: {  	s3 =	sand.u32 $0x4000, s31;
	s1 =	sadd.s32 s1, s30  }
0xbe: {  	s0 =	sor.u32 s3, s0;
	s1 =	sshll.u32 s1, $0x11  }
0xbf: {  	s0 =	sor.u32 s1, s0  }
0xc0: {  	s0 =	sadd.s32 $0x8F2B, s0  }
0xc1: {  	[sflag:s0] =	ssyncadd.remote.s32 $0x1  }
0xc2: {  	_ =	sfence.sel $0xFFFF  }
0xc3: {  	[dreg:$0x0] =	wrdreg $0xFFFFFFFF;
	(pc) =	sbr.abs _section_cstart, $3  }
0xc4: {  	[dreg:$0x1] =	wrdreg $0xFFFFFFFF  }
0xc5: {  	_ =	task.clear_ibuf [dreg:s9], $0x2FFFF;
	_ =	strace $0x9FFFFFFF  }
0xc6: {  	(tm) =	ssettm $0x7FFFFFFF  }
0xc7: {  	_ =	shalt  }
tec
execute0_lowered:
.L_overlay_start_1:
0x0: {  	(tag) =	ssettag $0x1  }
0x1: {  	s1 =	rddreg [dreg:$0x0]  }
0x2: {  	s0 =	rddreg [dreg:$0x1]  }
0x3: {  	s2 =	rddreg [dreg:$0x2]  }
0x4: {  	s8 =	rddreg [dreg:$0x3];
	s3 =	srdreg.scid  }
0x5: {  	s5 =	simm.s32 $0x0;
	s4 =	stileid.u32;
	s28 =	simm.s32 $0xCA00  }
0x6: {  	s29 =	simm.s32 $0xD200;
	s30 =	simm.s32 $0xDA00;
	s31 =	simm.s32 $0xE200  }
0x7: {  	s15 =	simm.s32 $0xFA00;
	s18 =	simm.s32 $0x1;
	s19 =	simm.s32 $0x2  }
0x8: {  	s20 =	simm.s32 $0x8200;
	s21 =	simm.s32 $0x4;
	s22 =	simm.s32 $0x5  }
0x9: {  	s3 =	sand.u32 $0x1, s3;
	[smem:$0x7FF] =	sst s5;
	s4 =	sshll.u32 s4, $0xA  }
0xa: {  	s10 =	sadd.s32 $0x100, s2;
	s11 =	sadd.s32 $0x200, s2;
	s12 =	sadd.s32 $0x300, s2  }
0xb: {  	s26 =	smov.u32 s8;
	s6 =	sshll.u32 s3, $0x9;
	s3 =	ssub.s32 $0x2, s3  }
0xc: {  	_ =	strace $0x80000047;
	s6 =	sor.u32 s6, s4;
	s23 =	sshrl.u32 s3, $0x1  }
0xd: {  	s4 =	sshrl.u32 s6, $0x3;
	s7 =	sshll.u32 s6, $0x7;
	s3 =	ssub.s32 s3, s23  }
.Ltmp0:
0xe: {  	s23 =	simm.s32 $0x14200;
	s9 =	sadd.s32 s1, s7;
	(pc) =	sbr.rel .LBB2_1-.Ltmp0, $4  }
0xf: {  	s0 =	sadd.s32 s4, s0;
	s25 =	smax.u32 s3, $0x1;
	[dreg:$0x5] =	wrdreg s9  }
0x10: {  	v2 =	vlaneseq.u32;
	s13 =	sadd.s32 s8, s7;
	s24 =	sadd.s32 $0x800, s9;
	[dreg:$0x8] =	wrdreg s25  }
0x11: {  	vm0 =	vmmov $0xffff;
	v1 =	vshrl.u32 v2, $0x3;
	s3 =	simm.s32 $0xF200;
	s0 =	sadd.s32 $0x400, s0;
	[dreg:$0x6] =	wrdreg s24  }
0x12: {  	v0 =	vand.u32 $0x7, v2;
	v2 =	vor.u32 $0x8, v2;
	v1 =	vmul.u32 $0x8, v1;
	s8 =	simm.s32 $0x0;
	[dreg:$0x7] =	wrdreg s0;
	s0 =	simm.s32 $0xEA00  }
.LBB2_68:
0x13: {  	s4 =	simm.s32 $0x3  }
0x14: {  	_ =	swait.ge [sflag:s4], $0x4000  }
0x15: {  	[sflag:s4] =	ssyncset.done $0x0  }
0x16: {  	s7 =	simm.s32 $0x6;
	[sflag:s4] =	ssyncadd.s32 $0xFFFFC000  }
0x17: {  	_ =	swait.ge [sflag:s7], $0x4000  }
0x18: {  	s8 =	rddreg [dreg:$0x9]  }
0x19: {  	s25 =	rddreg [dreg:$0x8];
	s8 =	sadd.s32 $0x1, s8  }
0x1a: {  	p0 =	sne.s32 s8, s25  }
.Ltmp1:
0x1b: {  	_ = 	snop;
	(pc) =	sbr.rel @!p0 .LBB2_69-.Ltmp1, $3  }
0x1c: {  	_ =	sdelay $0x1  }
0x1d: {  	[sflag:s7] =	ssyncset.done $0x0  }
0x1e: {  	[sflag:s7] =	ssyncadd.s32 $0xFFFFC000  }
.LBB2_1:
0x1f: {  	[dreg:$0x9] =	wrdreg s8  }
0x20: {  	s4 =	rddreg [dreg:$0x5];
	s7 =	simm.s32 $0x4200  }
0x21: {  	[tilespmem:s7], [sflag:$0x2] =	stream.linear.gather [hbm4b:s4+s5], $0x4000, $0x38;
	[tilespmem:$0x18200] =	vst v63  }
0x22: {  	s14 =	rddreg [dreg:$0x6];
	s16 =	simm.s32 $0x10200  }
0x23: {  	[tilespmem:s16], [sflag:$0x5] =	stream.linear.gather [hbm4b:s14+s5], $0x4000, $0x38;
	[tilespmem:$0x18200] =	vst v63  }
0x24: {  	s17 =	rddreg [dreg:$0x7];
	s24 =	simm.s32 $0x7  }
0x25: {  	[tilespmem:s5], [sflag:$0x7] =	stream.linear.gather [hbm4b:s17+s5], $0x200, $0x38;
	[tilespmem:$0x18200] =	vst v63  }
0x26: {  	_ =	swait.ge [sflag:s24], $0x200  }
0x27: {  	[sflag:s24] =	ssyncset.done $0x0  }
0x28: {  	[sflag:s24] =	ssyncadd.s32 $0xFFFFFE00  }
0x29: {  	v3 =	vld [tilespmem:$0x0];
	_ =	sdelay $0x4  }
0x2a: {  	v4 =	vshll.u32 v3, $0x3  }
0x2b: {  	v3 =	vand.u32 $0x7, v3;
	v4 =	vand.u32 $0xFFFFFFC0, v4  }
0x2c: {  	v3 =	vor.u32 v3, v4  }
0x2d: {  	v4 =	vperm.xlane v3, v0;
	_ =	sdelay $0x1  }
0x2e: {  	v4 =	vadd.s32 v1, v4;
	_ =	sdelay $0x3  }
0x2f: {  	s25 =	simm.s32 $0x200  }
0x30: {  	[tilespmem:s25], [sflag:$0x1] =	stream.indirect_vreg.gather [hbm4b:s2+s5], $0x80, v4, vm0, $0xb8;
	[tilespmem:$0x18200] =	vst v63  }
0x31: {  	s7 =	simm.s32 $0xA00;
	v3 =	vperm.xlane v3, v2  }
0x32: {  	[tilespmem:s7], [sflag:$0x1] =	stream.indirect_vreg.gather [hbm4b:s10+s5], $0x80, v4, vm0, $0xb8;
	[tilespmem:$0x18200] =	vst v63  }
0x33: {  	s8 =	simm.s32 $0x1200;
	v3 =	vadd.s32 v1, v3  }
0x34: {  	[tilespmem:s8], [sflag:$0x1] =	stream.indirect_vreg.gather [hbm4b:s11+s5], $0x80, v4, vm0, $0xb8;
	[tilespmem:$0x18200] =	vst v63  }
0x35: {  	s9 =	simm.s32 $0x1A00  }
0x36: {  	[tilespmem:s9], [sflag:$0x1] =	stream.indirect_vreg.gather [hbm4b:s12+s5], $0x80, v4, vm0, $0xb8;
	[tilespmem:$0x18200] =	vst v63  }
0x37: {  	s14 =	simm.s32 $0x2200  }
0x38: {  	[tilespmem:s14], [sflag:$0x1] =	stream.indirect_vreg.gather [hbm4b:s2+s5], $0x80, v3, vm0, $0xb8;
	[tilespmem:$0x18200] =	vst v63  }
0x39: {  	s16 =	simm.s32 $0x2A00  }
0x3a: {  	[tilespmem:s16], [sflag:$0x1] =	stream.indirect_vreg.gather [hbm4b:s10+s5], $0x80, v3, vm0, $0xb8;
	[tilespmem:$0x18200] =	vst v63  }
0x3b: {  	s17 =	simm.s32 $0x3200  }
0x3c: {  	[tilespmem:s17], [sflag:$0x1] =	stream.indirect_vreg.gather [hbm4b:s11+s5], $0x80, v3, vm0, $0xb8;
	[tilespmem:$0x18200] =	vst v63  }
0x3d: {  	s24 =	simm.s32 $0x3A00  }
0x3e: {  	[tilespmem:s24], [sflag:$0x1] =	stream.indirect_vreg.gather [hbm4b:s12+s5], $0x80, v3, vm0, $0xb8;
	[tilespmem:$0x18200] =	vst v63  }
0x3f: {  	v3 =	vld [tilespmem:$0x10];
	_ =	sdelay $0x4  }
0x40: {  	v63 =	vshll.u32 v3, $0x3  }
0x41: {  	v3 =	vand.u32 $0x7, v3;
	v4 =	vand.u32 $0xFFFFFFC0, v63  }
0x42: {  	v3 =	vor.u32 v3, v4  }
0x43: {  	v4 =	vperm.xlane v3, v0;
	_ =	sdelay $0x1  }
0x44: {  	v4 =	vadd.s32 v1, v4;
	_ =	sdelay $0x3  }
0x45: {  	s25 =	simm.s32 $0xC200  }
0x46: {  	[tilespmem:s25], [sflag:$0x4] =	stream.indirect_vreg.gather [hbm4b:s2+s5], $0x80, v4, vm0, $0xb8;
	[tilespmem:$0x18200] =	vst v63  }
0x47: {  	v3 =	vperm.xlane v3, v2  }
0x48: {  	[tilespmem:s28], [sflag:$0x4] =	stream.indirect_vreg.gather [hbm4b:s10+s5], $0x80, v4, vm0, $0xb8;
	[tilespmem:$0x18200] =	vst v63  }
0x49: {  	v3 =	vadd.s32 v1, v3  }
0x4a: {  	[tilespmem:s29], [sflag:$0x4] =	stream.indirect_vreg.gather [hbm4b:s11+s5], $0x80, v4, vm0, $0xb8;
	[tilespmem:$0x18200] =	vst v63  }
0x4b: {  	_ = 	snop  }
0x4c: {  	[tilespmem:s30], [sflag:$0x4] =	stream.indirect_vreg.gather [hbm4b:s12+s5], $0x80, v4, vm0, $0xb8;
	[tilespmem:$0x18200] =	vst v63  }
0x4d: {  	_ = 	snop  }
0x4e: {  	[tilespmem:s31], [sflag:$0x4] =	stream.indirect_vreg.gather [hbm4b:s2+s5], $0x80, v3, vm0, $0xb8;
	[tilespmem:$0x18200] =	vst v63  }
0x4f: {  	_ = 	snop  }
0x50: {  	[tilespmem:s0], [sflag:$0x4] =	stream.indirect_vreg.gather [hbm4b:s10+s5], $0x80, v3, vm0, $0xb8;
	[tilespmem:$0x18200] =	vst v63  }
0x51: {  	_ = 	snop  }
0x52: {  	[tilespmem:s3], [sflag:$0x4] =	stream.indirect_vreg.gather [hbm4b:s11+s5], $0x80, v3, vm0, $0xb8;
	[tilespmem:$0x18200] =	vst v63  }
0x53: {  	s9 =	simm.s32 $0x0  }
0x54: {  	[tilespmem:s15], [sflag:$0x4] =	stream.indirect_vreg.gather [hbm4b:s12+s5], $0x80, v3, vm0, $0xb8;
	[tilespmem:$0x18200] =	vst v63  }
.LBB2_2:
0x55: {  	_ =	swait.ge [sflag:s18], $0x4000  }
0x56: {  	[sflag:s18] =	ssyncset.done $0x0  }
0x57: {  	[sflag:s18] =	ssyncadd.s32 $0xFFFFC000  }
0x58: {  	_ =	swait.ge [sflag:s19], $0x4000  }
0x59: {  	p0 =	seq.s32 s9, $0x0;
	[sflag:s19] =	ssyncset.done $0x0  }
0x5a: {  	s4 =	simm.s32 @!p0 $0x3;
	[sflag:s19] =	ssyncadd.s32 $0xFFFFC000  }
0x5b: {  	_ =	swait.ge @!p0 [sflag:s4], $0x4000  }
0x5c: {  	[sflag:s4] =	ssyncset.done @!p0 $0x0  }
0x5d: {  	s25 =	simm.s32 $0x240;
	[sflag:s4] =	ssyncadd.s32 @!p0 $0xFFFFC000  }
0x5e: {  	s8 =	simm.s32 $0x4240;
	v4 =	vld [tilespmem:s25+$0x30]  }
0x5f: {  	v5 =	vld [tilespmem:s8+$0x30]  }
0x60: {  	v3 =	vld [tilespmem:s8+$0xFFFFFFC0]  }
0x61: {  	v6 =	vld [tilespmem:s25+$0xFFFFFFD0]  }
0x62: {  	v7 =	vld [tilespmem:s8+$0xFFFFFFD0]  }
0x63: {  	v8 =	vld [tilespmem:s25+$0xFFFFFFE0]  }
0x64: {  	v9 =	vld [tilespmem:s8+$0xFFFFFFE0]  }
0x65: {  	v10 =	vld [tilespmem:s25+$0xFFFFFFF0]  }
0x66: {  	v11 =	vld [tilespmem:s8+$0xFFFFFFF0]  }
0x67: {  	v12 =	vld [tilespmem:s25+$0x0]  }
0x68: {  	v13 =	vld [tilespmem:s8+$0x0];
	v5 =	vadd.f32 v5, v4  }
0x69: {  	s16 =	simm.s32 $0x8240;
	v7 =	vadd.f32 v7, v6;
	v4 =	vld [tilespmem:s25+$0x10]  }
0x6a: {  	v8 =	vadd.f32 v9, v8;
	v6 =	vld [tilespmem:s8+$0x10];
	[tilespmem:s16+$0x30] =	vst v5  }
0x6b: {  	v9 =	vadd.f32 v11, v10;
	[tilespmem:s16+$0xFFFFFFD0] =	vst v7;
	v5 =	vld [tilespmem:s25+$0x20]  }
0x6c: {  	s14 =	sshll.u32 s9, $0x5;
	s17 =	simm.s32 $0x0;
	s7 =	simm.s32 $0x82F0;
	[tilespmem:s16+$0xFFFFFFE0] =	vst v8;
	v7 =	vld [tilespmem:s8+$0x20]  }
0x6d: {  	s24 =	simm.s32 $0x42F0;
	s4 =	simm.s32 $0x2F0;
	v8 =	vld [tilespmem:s25+$0xFFFFFFC0];
	[tilespmem:s16+$0xFFFFFFF0] =	vst v9;
	v9 =	vadd.f32 v13, v12;
	s25 =	simm.s32 $0x640  }
.LBB2_3:
0x6e: {  	v10 =	vld [tilespmem:s25+$0x30];
	s8 =	sadd.s32 $0x400, s8  }
0x6f: {  	s17 =	sadd.s32 $0x80, s17;
	v11 =	vld [tilespmem:s8+$0x30];
	[tilespmem:s16+$0x0] =	vst v9;
	v4 =	vadd.f32 v6, v4  }
0x70: {  	p1 =	slt.u32 s17, $0x380;
	v6 =	vld [tilespmem:s8+$0xFFFFFFC0]  }
0x71: {  	v9 =	vld [tilespmem:s25+$0xFFFFFFD0];
	[tilespmem:s16+$0x10] =	vst v4;
	v4 =	vadd.f32 v7, v5  }
0x72: {  	v5 =	vld [tilespmem:s8+$0xFFFFFFD0];
	v12 =	vadd.f32 v3, v8  }
0x73: {  	v7 =	vld [tilespmem:s25+$0xFFFFFFE0];
	[tilespmem:s16+$0x20] =	vst v4  }
0x74: {  	v4 =	vld [tilespmem:s8+$0xFFFFFFE0];
	v8 =	vadd.f32 v11, v10;
	[tilespmem:s16+$0xFFFFFFC0] =	vst v12  }
0x75: {  	s16 =	sadd.s32 $0x400, s16;
	v10 =	vld [tilespmem:s25+$0xFFFFFFF0];
	v3 =	vmov v6  }
0x76: {  	v11 =	vld [tilespmem:s8+$0xFFFFFFF0];
	[tilespmem:s16+$0x30] =	vst v8  }
0x77: {  	v5 =	vadd.f32 v5, v9;
	v9 =	vld [tilespmem:s25+$0x0]  }
0x78: {  	v12 =	vld [tilespmem:s8+$0x0]  }
.Ltmp2:
0x79: {  	[tilespmem:s16+$0xFFFFFFD0] =	vst v5;
	v5 =	vadd.f32 v4, v7;
	v4 =	vld [tilespmem:s25+$0x10];
	(pc) =	sbr.rel @p1 .LBB2_3-.Ltmp2, $4  }
0x7a: {  	v6 =	vld [tilespmem:s8+$0x10]  }
0x7b: {  	[tilespmem:s16+$0xFFFFFFE0] =	vst v5;
	v10 =	vadd.f32 v11, v10;
	v5 =	vld [tilespmem:s25+$0x20]  }
0x7c: {  	v7 =	vld [tilespmem:s8+$0x20]  }
0x7d: {  	v8 =	vld [tilespmem:s25+$0xFFFFFFC0];
	[tilespmem:s16+$0xFFFFFFF0] =	vst v10;
	v9 =	vadd.f32 v12, v9;
	s25 =	sadd.s32 $0x400, s25  }
0x7e: {  	_ =	sdelay $0x1  }
0x7f: {  	v4 =	vadd.f32 v6, v4  }
0x80: {  	[tilespmem:s16+$0x0] =	vst v9;
	v5 =	vadd.f32 v7, v5  }
0x81: {  	[tilespmem:s16+$0x10] =	vst v4;
	v3 =	vadd.f32 v3, v8  }
0x82: {  	[tilespmem:s16+$0x20] =	vst v5  }
0x83: {  	[tilespmem:s16+$0xFFFFFFC0] =	vst v3  }
0x84: {  	v4 =	vld [tilespmem:s4+$0x0]  }
0x85: {  	v5 =	vld [tilespmem:s24+$0x0]  }
0x86: {  	v3 =	vld [tilespmem:s24+$0xFFFFFF90]  }
0x87: {  	v6 =	vld [tilespmem:s4+$0xFFFFFFA0]  }
0x88: {  	v7 =	vld [tilespmem:s24+$0xFFFFFFA0]  }
0x89: {  	v8 =	vld [tilespmem:s4+$0xFFFFFFB0]  }
0x8a: {  	v9 =	vld [tilespmem:s24+$0xFFFFFFB0]  }
0x8b: {  	v10 =	vld [tilespmem:s4+$0xFFFFFFC0]  }
0x8c: {  	v11 =	vld [tilespmem:s24+$0xFFFFFFC0]  }
0x8d: {  	v12 =	vld [tilespmem:s4+$0xFFFFFFD0]  }
0x8e: {  	v13 =	vld [tilespmem:s24+$0xFFFFFFD0];
	v5 =	vadd.f32 v5, v4  }
0x8f: {  	v7 =	vadd.f32 v7, v6;
	v4 =	vld [tilespmem:s4+$0xFFFFFFE0]  }
0x90: {  	v8 =	vadd.f32 v9, v8;
	v6 =	vld [tilespmem:s24+$0xFFFFFFE0];
	[tilespmem:s7+$0x0] =	vst v5  }
0x91: {  	v9 =	vadd.f32 v11, v10;
	[tilespmem:s7+$0xFFFFFFA0] =	vst v7;
	v5 =	vld [tilespmem:s4+$0xFFFFFFF0]  }
0x92: {  	s8 =	simm.s32 $0x370;
	s17 =	simm.s32 $0x8370;
	[tilespmem:s7+$0xFFFFFFB0] =	vst v8;
	v7 =	vld [tilespmem:s24+$0xFFFFFFF0]  }
0x93: {  	s25 =	simm.s32 $0x4370;
	s16 =	simm.s32 $0x0;
	v8 =	vld [tilespmem:s4+$0xFFFFFF90];
	[tilespmem:s7+$0xFFFFFFC0] =	vst v9;
	v9 =	vadd.f32 v13, v12;
	s4 =	simm.s32 $0x6F0  }
.LBB2_5:
0x94: {  	v10 =	vld [tilespmem:s4+$0x0];
	s24 =	sadd.s32 $0x400, s24  }
0x95: {  	s16 =	sadd.s32 $0x80, s16;
	v11 =	vld [tilespmem:s24+$0x0];
	[tilespmem:s7+$0xFFFFFFD0] =	vst v9;
	v4 =	vadd.f32 v6, v4  }
0x96: {  	p1 =	slt.u32 s16, $0x380;
	v6 =	vld [tilespmem:s24+$0xFFFFFF90]  }
0x97: {  	v9 =	vld [tilespmem:s4+$0xFFFFFFA0];
	[tilespmem:s7+$0xFFFFFFE0] =	vst v4;
	v4 =	vadd.f32 v7, v5  }
0x98: {  	v5 =	vld [tilespmem:s24+$0xFFFFFFA0];
	v12 =	vadd.f32 v3, v8  }
0x99: {  	v7 =	vld [tilespmem:s4+$0xFFFFFFB0];
	[tilespmem:s7+$0xFFFFFFF0] =	vst v4  }
0x9a: {  	v4 =	vld [tilespmem:s24+$0xFFFFFFB0];
	v8 =	vadd.f32 v11, v10;
	[tilespmem:s7+$0xFFFFFF90] =	vst v12  }
0x9b: {  	s7 =	sadd.s32 $0x400, s7;
	v10 =	vld [tilespmem:s4+$0xFFFFFFC0];
	v3 =	vmov v6  }
0x9c: {  	v11 =	vld [tilespmem:s24+$0xFFFFFFC0];
	[tilespmem:s7+$0x0] =	vst v8  }
0x9d: {  	v5 =	vadd.f32 v5, v9;
	v9 =	vld [tilespmem:s4+$0xFFFFFFD0]  }
0x9e: {  	v12 =	vld [tilespmem:s24+$0xFFFFFFD0]  }
.Ltmp3:
0x9f: {  	[tilespmem:s7+$0xFFFFFFA0] =	vst v5;
	v5 =	vadd.f32 v4, v7;
	v4 =	vld [tilespmem:s4+$0xFFFFFFE0];
	(pc) =	sbr.rel @p1 .LBB2_5-.Ltmp3, $4  }
0xa0: {  	v6 =	vld [tilespmem:s24+$0xFFFFFFE0]  }
0xa1: {  	[tilespmem:s7+$0xFFFFFFB0] =	vst v5;
	v10 =	vadd.f32 v11, v10;
	v5 =	vld [tilespmem:s4+$0xFFFFFFF0]  }
0xa2: {  	v7 =	vld [tilespmem:s24+$0xFFFFFFF0]  }
0xa3: {  	v8 =	vld [tilespmem:s4+$0xFFFFFF90];
	[tilespmem:s7+$0xFFFFFFC0] =	vst v10;
	v9 =	vadd.f32 v12, v9;
	s4 =	sadd.s32 $0x400, s4  }
0xa4: {  	_ =	sdelay $0x1  }
0xa5: {  	v4 =	vadd.f32 v6, v4  }
0xa6: {  	[tilespmem:s7+$0xFFFFFFD0] =	vst v9;
	v5 =	vadd.f32 v7, v5  }
0xa7: {  	[tilespmem:s7+$0xFFFFFFE0] =	vst v4;
	v3 =	vadd.f32 v3, v8  }
0xa8: {  	[tilespmem:s7+$0xFFFFFFF0] =	vst v5  }
0xa9: {  	[tilespmem:s7+$0xFFFFFF90] =	vst v3  }
0xaa: {  	v4 =	vld [tilespmem:s8+$0x0]  }
0xab: {  	v5 =	vld [tilespmem:s25+$0x0]  }
0xac: {  	v3 =	vld [tilespmem:s25+$0xFFFFFF90]  }
0xad: {  	v6 =	vld [tilespmem:s8+$0xFFFFFFA0]  }
0xae: {  	v7 =	vld [tilespmem:s25+$0xFFFFFFA0]  }
0xaf: {  	v8 =	vld [tilespmem:s8+$0xFFFFFFB0]  }
0xb0: {  	v9 =	vld [tilespmem:s25+$0xFFFFFFB0]  }
0xb1: {  	v10 =	vld [tilespmem:s8+$0xFFFFFFC0]  }
0xb2: {  	v11 =	vld [tilespmem:s25+$0xFFFFFFC0]  }
0xb3: {  	v12 =	vld [tilespmem:s8+$0xFFFFFFD0]  }
0xb4: {  	v13 =	vld [tilespmem:s25+$0xFFFFFFD0];
	v5 =	vadd.f32 v5, v4  }
0xb5: {  	v7 =	vadd.f32 v7, v6;
	v4 =	vld [tilespmem:s8+$0xFFFFFFE0]  }
0xb6: {  	v8 =	vadd.f32 v9, v8;
	v6 =	vld [tilespmem:s25+$0xFFFFFFE0];
	[tilespmem:s17+$0x0] =	vst v5  }
0xb7: {  	v9 =	vadd.f32 v11, v10;
	[tilespmem:s17+$0xFFFFFFA0] =	vst v7;
	v5 =	vld [tilespmem:s8+$0xFFFFFFF0]  }
0xb8: {  	s16 =	simm.s32 $0x0;
	s24 =	simm.s32 $0x43F0;
	[tilespmem:s17+$0xFFFFFFB0] =	vst v8;
	v7 =	vld [tilespmem:s25+$0xFFFFFFF0]  }
0xb9: {  	s4 =	simm.s32 $0x3F0;
	s7 =	simm.s32 $0x83F0;
	v8 =	vld [tilespmem:s8+$0xFFFFFF90];
	[tilespmem:s17+$0xFFFFFFC0] =	vst v9;
	v9 =	vadd.f32 v13, v12;
	s8 =	simm.s32 $0x770  }
.LBB2_7:
0xba: {  	v10 =	vld [tilespmem:s8+$0x0];
	s25 =	sadd.s32 $0x400, s25  }
0xbb: {  	s16 =	sadd.s32 $0x80, s16;
	v11 =	vld [tilespmem:s25+$0x0];
	[tilespmem:s17+$0xFFFFFFD0] =	vst v9;
	v4 =	vadd.f32 v6, v4  }
0xbc: {  	p1 =	slt.u32 s16, $0x380;
	v6 =	vld [tilespmem:s25+$0xFFFFFF90]  }
0xbd: {  	v9 =	vld [tilespmem:s8+$0xFFFFFFA0];
	[tilespmem:s17+$0xFFFFFFE0] =	vst v4;
	v4 =	vadd.f32 v7, v5  }
0xbe: {  	v5 =	vld [tilespmem:s25+$0xFFFFFFA0];
	v12 =	vadd.f32 v3, v8  }
0xbf: {  	v7 =	vld [tilespmem:s8+$0xFFFFFFB0];
	[tilespmem:s17+$0xFFFFFFF0] =	vst v4  }
0xc0: {  	v4 =	vld [tilespmem:s25+$0xFFFFFFB0];
	v8 =	vadd.f32 v11, v10;
	[tilespmem:s17+$0xFFFFFF90] =	vst v12  }
0xc1: {  	s17 =	sadd.s32 $0x400, s17;
	v10 =	vld [tilespmem:s8+$0xFFFFFFC0];
	v3 =	vmov v6  }
0xc2: {  	v11 =	vld [tilespmem:s25+$0xFFFFFFC0];
	[tilespmem:s17+$0x0] =	vst v8  }
0xc3: {  	v5 =	vadd.f32 v5, v9;
	v9 =	vld [tilespmem:s8+$0xFFFFFFD0]  }
0xc4: {  	v12 =	vld [tilespmem:s25+$0xFFFFFFD0]  }
.Ltmp4:
0xc5: {  	[tilespmem:s17+$0xFFFFFFA0] =	vst v5;
	v5 =	vadd.f32 v4, v7;
	v4 =	vld [tilespmem:s8+$0xFFFFFFE0];
	(pc) =	sbr.rel @p1 .LBB2_7-.Ltmp4, $4  }
0xc6: {  	v6 =	vld [tilespmem:s25+$0xFFFFFFE0]  }
0xc7: {  	[tilespmem:s17+$0xFFFFFFB0] =	vst v5;
	v10 =	vadd.f32 v11, v10;
	v5 =	vld [tilespmem:s8+$0xFFFFFFF0]  }
0xc8: {  	v7 =	vld [tilespmem:s25+$0xFFFFFFF0]  }
0xc9: {  	v8 =	vld [tilespmem:s8+$0xFFFFFF90];
	[tilespmem:s17+$0xFFFFFFC0] =	vst v10;
	v9 =	vadd.f32 v12, v9;
	s8 =	sadd.s32 $0x400, s8  }
0xca: {  	_ =	sdelay $0x1  }
0xcb: {  	v4 =	vadd.f32 v6, v4  }
0xcc: {  	[tilespmem:s17+$0xFFFFFFD0] =	vst v9;
	v5 =	vadd.f32 v7, v5  }
0xcd: {  	[tilespmem:s17+$0xFFFFFFE0] =	vst v4;
	v3 =	vadd.f32 v3, v8  }
0xce: {  	[tilespmem:s17+$0xFFFFFFF0] =	vst v5  }
0xcf: {  	[tilespmem:s17+$0xFFFFFF90] =	vst v3  }
0xd0: {  	v4 =	vld [tilespmem:s4+$0x0]  }
0xd1: {  	v5 =	vld [tilespmem:s24+$0x0]  }
0xd2: {  	v3 =	vld [tilespmem:s24+$0xFFFFFF90]  }
0xd3: {  	v6 =	vld [tilespmem:s4+$0xFFFFFFA0]  }
0xd4: {  	v7 =	vld [tilespmem:s24+$0xFFFFFFA0]  }
0xd5: {  	v8 =	vld [tilespmem:s4+$0xFFFFFFB0]  }
0xd6: {  	v9 =	vld [tilespmem:s24+$0xFFFFFFB0]  }
0xd7: {  	v10 =	vld [tilespmem:s4+$0xFFFFFFC0]  }
0xd8: {  	v11 =	vld [tilespmem:s24+$0xFFFFFFC0]  }
0xd9: {  	v12 =	vld [tilespmem:s4+$0xFFFFFFD0]  }
0xda: {  	v13 =	vld [tilespmem:s24+$0xFFFFFFD0];
	v5 =	vadd.f32 v5, v4  }
0xdb: {  	v7 =	vadd.f32 v7, v6;
	v4 =	vld [tilespmem:s4+$0xFFFFFFE0]  }
0xdc: {  	v8 =	vadd.f32 v9, v8;
	v6 =	vld [tilespmem:s24+$0xFFFFFFE0];
	[tilespmem:s7+$0x0] =	vst v5  }
0xdd: {  	v9 =	vadd.f32 v11, v10;
	[tilespmem:s7+$0xFFFFFFA0] =	vst v7;
	v5 =	vld [tilespmem:s4+$0xFFFFFFF0]  }
0xde: {  	s16 =	simm.s32 $0x0;
	s8 =	simm.s32 $0x470;
	[tilespmem:s7+$0xFFFFFFB0] =	vst v8;
	v7 =	vld [tilespmem:s24+$0xFFFFFFF0]  }
0xdf: {  	s25 =	simm.s32 $0x4470;
	s17 =	simm.s32 $0x8470;
	v8 =	vld [tilespmem:s4+$0xFFFFFF90];
	[tilespmem:s7+$0xFFFFFFC0] =	vst v9;
	v9 =	vadd.f32 v13, v12;
	s4 =	simm.s32 $0x7F0  }
.LBB2_9:
0xe0: {  	v10 =	vld [tilespmem:s4+$0x0];
	s24 =	sadd.s32 $0x400, s24  }
0xe1: {  	s16 =	sadd.s32 $0x80, s16;
	v11 =	vld [tilespmem:s24+$0x0];
	[tilespmem:s7+$0xFFFFFFD0] =	vst v9;
	v4 =	vadd.f32 v6, v4  }
0xe2: {  	p1 =	slt.u32 s16, $0x380;
	v6 =	vld [tilespmem:s24+$0xFFFFFF90]  }
0xe3: {  	v9 =	vld [tilespmem:s4+$0xFFFFFFA0];
	[tilespmem:s7+$0xFFFFFFE0] =	vst v4;
	v4 =	vadd.f32 v7, v5  }
0xe4: {  	v5 =	vld [tilespmem:s24+$0xFFFFFFA0];
	v12 =	vadd.f32 v3, v8  }
0xe5: {  	v7 =	vld [tilespmem:s4+$0xFFFFFFB0];
	[tilespmem:s7+$0xFFFFFFF0] =	vst v4  }
0xe6: {  	v4 =	vld [tilespmem:s24+$0xFFFFFFB0];
	v8 =	vadd.f32 v11, v10;
	[tilespmem:s7+$0xFFFFFF90] =	vst v12  }
0xe7: {  	s7 =	sadd.s32 $0x400, s7;
	v10 =	vld [tilespmem:s4+$0xFFFFFFC0];
	v3 =	vmov v6  }
0xe8: {  	v11 =	vld [tilespmem:s24+$0xFFFFFFC0];
	[tilespmem:s7+$0x0] =	vst v8  }
0xe9: {  	v5 =	vadd.f32 v5, v9;
	v9 =	vld [tilespmem:s4+$0xFFFFFFD0]  }
0xea: {  	v12 =	vld [tilespmem:s24+$0xFFFFFFD0]  }
.Ltmp5:
0xeb: {  	[tilespmem:s7+$0xFFFFFFA0] =	vst v5;
	v5 =	vadd.f32 v4, v7;
	v4 =	vld [tilespmem:s4+$0xFFFFFFE0];
	(pc) =	sbr.rel @p1 .LBB2_9-.Ltmp5, $4  }
0xec: {  	v6 =	vld [tilespmem:s24+$0xFFFFFFE0]  }
0xed: {  	[tilespmem:s7+$0xFFFFFFB0] =	vst v5;
	v10 =	vadd.f32 v11, v10;
	v5 =	vld [tilespmem:s4+$0xFFFFFFF0]  }
0xee: {  	v7 =	vld [tilespmem:s24+$0xFFFFFFF0]  }
0xef: {  	v8 =	vld [tilespmem:s4+$0xFFFFFF90];
	[tilespmem:s7+$0xFFFFFFC0] =	vst v10;
	v9 =	vadd.f32 v12, v9;
	s4 =	sadd.s32 $0x400, s4  }
0xf0: {  	_ =	sdelay $0x1  }
0xf1: {  	v4 =	vadd.f32 v6, v4  }
0xf2: {  	[tilespmem:s7+$0xFFFFFFD0] =	vst v9;
	v5 =	vadd.f32 v7, v5  }
0xf3: {  	[tilespmem:s7+$0xFFFFFFE0] =	vst v4;
	v3 =	vadd.f32 v3, v8  }
0xf4: {  	[tilespmem:s7+$0xFFFFFFF0] =	vst v5  }
0xf5: {  	[tilespmem:s7+$0xFFFFFF90] =	vst v3  }
0xf6: {  	v4 =	vld [tilespmem:s8+$0x0]  }
0xf7: {  	v5 =	vld [tilespmem:s25+$0x0]  }
0xf8: {  	v3 =	vld [tilespmem:s25+$0xFFFFFF90]  }
0xf9: {  	v6 =	vld [tilespmem:s8+$0xFFFFFFA0]  }
0xfa: {  	v7 =	vld [tilespmem:s25+$0xFFFFFFA0]  }
0xfb: {  	v8 =	vld [tilespmem:s8+$0xFFFFFFB0]  }
0xfc: {  	v9 =	vld [tilespmem:s25+$0xFFFFFFB0]  }
0xfd: {  	v10 =	vld [tilespmem:s8+$0xFFFFFFC0]  }
0xfe: {  	v11 =	vld [tilespmem:s25+$0xFFFFFFC0]  }
0xff: {  	v12 =	vld [tilespmem:s8+$0xFFFFFFD0]  }
0x100: {  	v13 =	vld [tilespmem:s25+$0xFFFFFFD0];
	v5 =	vadd.f32 v5, v4  }
0x101: {  	v7 =	vadd.f32 v7, v6;
	v4 =	vld [tilespmem:s8+$0xFFFFFFE0]  }
0x102: {  	v8 =	vadd.f32 v9, v8;
	v6 =	vld [tilespmem:s25+$0xFFFFFFE0];
	[tilespmem:s17+$0x0] =	vst v5  }
0x103: {  	v9 =	vadd.f32 v11, v10;
	[tilespmem:s17+$0xFFFFFFA0] =	vst v7;
	v5 =	vld [tilespmem:s8+$0xFFFFFFF0]  }
0x104: {  	s16 =	simm.s32 $0x0;
	s24 =	simm.s32 $0x44F0;
	[tilespmem:s17+$0xFFFFFFB0] =	vst v8;
	v7 =	vld [tilespmem:s25+$0xFFFFFFF0]  }
0x105: {  	s4 =	simm.s32 $0x4F0;
	s7 =	simm.s32 $0x84F0;
	v8 =	vld [tilespmem:s8+$0xFFFFFF90];
	[tilespmem:s17+$0xFFFFFFC0] =	vst v9;
	v9 =	vadd.f32 v13, v12;
	s8 =	simm.s32 $0x870  }
.LBB2_11:
0x106: {  	v10 =	vld [tilespmem:s8+$0x0];
	s25 =	sadd.s32 $0x400, s25  }
0x107: {  	s16 =	sadd.s32 $0x80, s16;
	v11 =	vld [tilespmem:s25+$0x0];
	[tilespmem:s17+$0xFFFFFFD0] =	vst v9;
	v4 =	vadd.f32 v6, v4  }
0x108: {  	p1 =	slt.u32 s16, $0x380;
	v6 =	vld [tilespmem:s25+$0xFFFFFF90]  }
0x109: {  	v9 =	vld [tilespmem:s8+$0xFFFFFFA0];
	[tilespmem:s17+$0xFFFFFFE0] =	vst v4;
	v4 =	vadd.f32 v7, v5  }
0x10a: {  	v5 =	vld [tilespmem:s25+$0xFFFFFFA0];
	v12 =	vadd.f32 v3, v8  }
0x10b: {  	v7 =	vld [tilespmem:s8+$0xFFFFFFB0];
	[tilespmem:s17+$0xFFFFFFF0] =	vst v4  }
0x10c: {  	v4 =	vld [tilespmem:s25+$0xFFFFFFB0];
	v8 =	vadd.f32 v11, v10;
	[tilespmem:s17+$0xFFFFFF90] =	vst v12  }
0x10d: {  	s17 =	sadd.s32 $0x400, s17;
	v10 =	vld [tilespmem:s8+$0xFFFFFFC0];
	v3 =	vmov v6  }
0x10e: {  	v11 =	vld [tilespmem:s25+$0xFFFFFFC0];
	[tilespmem:s17+$0x0] =	vst v8  }
0x10f: {  	v5 =	vadd.f32 v5, v9;
	v9 =	vld [tilespmem:s8+$0xFFFFFFD0]  }
0x110: {  	v12 =	vld [tilespmem:s25+$0xFFFFFFD0]  }
.Ltmp6:
0x111: {  	[tilespmem:s17+$0xFFFFFFA0] =	vst v5;
	v5 =	vadd.f32 v4, v7;
	v4 =	vld [tilespmem:s8+$0xFFFFFFE0];
	(pc) =	sbr.rel @p1 .LBB2_11-.Ltmp6, $4  }
0x112: {  	v6 =	vld [tilespmem:s25+$0xFFFFFFE0]  }
0x113: {  	[tilespmem:s17+$0xFFFFFFB0] =	vst v5;
	v10 =	vadd.f32 v11, v10;
	v5 =	vld [tilespmem:s8+$0xFFFFFFF0]  }
0x114: {  	v7 =	vld [tilespmem:s25+$0xFFFFFFF0]  }
0x115: {  	v8 =	vld [tilespmem:s8+$0xFFFFFF90];
	[tilespmem:s17+$0xFFFFFFC0] =	vst v10;
	v9 =	vadd.f32 v12, v9;
	s8 =	sadd.s32 $0x400, s8  }
0x116: {  	_ =	sdelay $0x1  }
0x117: {  	v4 =	vadd.f32 v6, v4  }
0x118: {  	[tilespmem:s17+$0xFFFFFFD0] =	vst v9;
	v5 =	vadd.f32 v7, v5  }
0x119: {  	[tilespmem:s17+$0xFFFFFFE0] =	vst v4;
	v3 =	vadd.f32 v3, v8  }
0x11a: {  	[tilespmem:s17+$0xFFFFFFF0] =	vst v5  }
0x11b: {  	[tilespmem:s17+$0xFFFFFF90] =	vst v3  }
0x11c: {  	v4 =	vld [tilespmem:s4+$0x0]  }
0x11d: {  	v5 =	vld [tilespmem:s24+$0x0]  }
0x11e: {  	v3 =	vld [tilespmem:s24+$0xFFFFFF90]  }
0x11f: {  	v6 =	vld [tilespmem:s4+$0xFFFFFFA0]  }
0x120: {  	v7 =	vld [tilespmem:s24+$0xFFFFFFA0]  }
0x121: {  	v8 =	vld [tilespmem:s4+$0xFFFFFFB0]  }
0x122: {  	v9 =	vld [tilespmem:s24+$0xFFFFFFB0]  }
0x123: {  	v10 =	vld [tilespmem:s4+$0xFFFFFFC0]  }
0x124: {  	v11 =	vld [tilespmem:s24+$0xFFFFFFC0]  }
0x125: {  	v12 =	vld [tilespmem:s4+$0xFFFFFFD0]  }
0x126: {  	v13 =	vld [tilespmem:s24+$0xFFFFFFD0];
	v5 =	vadd.f32 v5, v4  }
0x127: {  	v7 =	vadd.f32 v7, v6;
	v4 =	vld [tilespmem:s4+$0xFFFFFFE0]  }
0x128: {  	v8 =	vadd.f32 v9, v8;
	v6 =	vld [tilespmem:s24+$0xFFFFFFE0];
	[tilespmem:s7+$0x0] =	vst v5  }
0x129: {  	v9 =	vadd.f32 v11, v10;
	[tilespmem:s7+$0xFFFFFFA0] =	vst v7;
	v5 =	vld [tilespmem:s4+$0xFFFFFFF0]  }
0x12a: {  	s16 =	simm.s32 $0x0;
	s8 =	simm.s32 $0x570;
	[tilespmem:s7+$0xFFFFFFB0] =	vst v8;
	v7 =	vld [tilespmem:s24+$0xFFFFFFF0]  }
0x12b: {  	s25 =	simm.s32 $0x4570;
	s17 =	simm.s32 $0x8570;
	v8 =	vld [tilespmem:s4+$0xFFFFFF90];
	[tilespmem:s7+$0xFFFFFFC0] =	vst v9;
	v9 =	vadd.f32 v13, v12;
	s4 =	simm.s32 $0x8F0  }
.LBB2_13:
0x12c: {  	v10 =	vld [tilespmem:s4+$0x0];
	s24 =	sadd.s32 $0x400, s24  }
0x12d: {  	s16 =	sadd.s32 $0x80, s16;
	v11 =	vld [tilespmem:s24+$0x0];
	[tilespmem:s7+$0xFFFFFFD0] =	vst v9;
	v4 =	vadd.f32 v6, v4  }
0x12e: {  	p1 =	slt.u32 s16, $0x380;
	v6 =	vld [tilespmem:s24+$0xFFFFFF90]  }
0x12f: {  	v9 =	vld [tilespmem:s4+$0xFFFFFFA0];
	[tilespmem:s7+$0xFFFFFFE0] =	vst v4;
	v4 =	vadd.f32 v7, v5  }
0x130: {  	v5 =	vld [tilespmem:s24+$0xFFFFFFA0];
	v12 =	vadd.f32 v3, v8  }
0x131: {  	v7 =	vld [tilespmem:s4+$0xFFFFFFB0];
	[tilespmem:s7+$0xFFFFFFF0] =	vst v4  }
0x132: {  	v4 =	vld [tilespmem:s24+$0xFFFFFFB0];
	v8 =	vadd.f32 v11, v10;
	[tilespmem:s7+$0xFFFFFF90] =	vst v12  }
0x133: {  	s7 =	sadd.s32 $0x400, s7;
	v10 =	vld [tilespmem:s4+$0xFFFFFFC0];
	v3 =	vmov v6  }
0x134: {  	v11 =	vld [tilespmem:s24+$0xFFFFFFC0];
	[tilespmem:s7+$0x0] =	vst v8  }
0x135: {  	v5 =	vadd.f32 v5, v9;
	v9 =	vld [tilespmem:s4+$0xFFFFFFD0]  }
0x136: {  	v12 =	vld [tilespmem:s24+$0xFFFFFFD0]  }
.Ltmp7:
0x137: {  	[tilespmem:s7+$0xFFFFFFA0] =	vst v5;
	v5 =	vadd.f32 v4, v7;
	v4 =	vld [tilespmem:s4+$0xFFFFFFE0];
	(pc) =	sbr.rel @p1 .LBB2_13-.Ltmp7, $4  }
0x138: {  	v6 =	vld [tilespmem:s24+$0xFFFFFFE0]  }
0x139: {  	[tilespmem:s7+$0xFFFFFFB0] =	vst v5;
	v10 =	vadd.f32 v11, v10;
	v5 =	vld [tilespmem:s4+$0xFFFFFFF0]  }
0x13a: {  	v7 =	vld [tilespmem:s24+$0xFFFFFFF0]  }
0x13b: {  	v8 =	vld [tilespmem:s4+$0xFFFFFF90];
	[tilespmem:s7+$0xFFFFFFC0] =	vst v10;
	v9 =	vadd.f32 v12, v9;
	s4 =	sadd.s32 $0x400, s4  }
0x13c: {  	_ =	sdelay $0x1  }
0x13d: {  	v4 =	vadd.f32 v6, v4  }
0x13e: {  	[tilespmem:s7+$0xFFFFFFD0] =	vst v9;
	v5 =	vadd.f32 v7, v5  }
0x13f: {  	[tilespmem:s7+$0xFFFFFFE0] =	vst v4;
	v3 =	vadd.f32 v3, v8  }
0x140: {  	[tilespmem:s7+$0xFFFFFFF0] =	vst v5  }
0x141: {  	[tilespmem:s7+$0xFFFFFF90] =	vst v3  }
0x142: {  	v4 =	vld [tilespmem:s8+$0x0]  }
0x143: {  	v5 =	vld [tilespmem:s25+$0x0]  }
0x144: {  	v3 =	vld [tilespmem:s25+$0xFFFFFF90]  }
0x145: {  	v6 =	vld [tilespmem:s8+$0xFFFFFFA0]  }
0x146: {  	v7 =	vld [tilespmem:s25+$0xFFFFFFA0]  }
0x147: {  	v8 =	vld [tilespmem:s8+$0xFFFFFFB0]  }
0x148: {  	v9 =	vld [tilespmem:s25+$0xFFFFFFB0]  }
0x149: {  	v10 =	vld [tilespmem:s8+$0xFFFFFFC0]  }
0x14a: {  	v11 =	vld [tilespmem:s25+$0xFFFFFFC0]  }
0x14b: {  	v12 =	vld [tilespmem:s8+$0xFFFFFFD0]  }
0x14c: {  	v13 =	vld [tilespmem:s25+$0xFFFFFFD0];
	v5 =	vadd.f32 v5, v4  }
0x14d: {  	v7 =	vadd.f32 v7, v6;
	v4 =	vld [tilespmem:s8+$0xFFFFFFE0]  }
0x14e: {  	v8 =	vadd.f32 v9, v8;
	v6 =	vld [tilespmem:s25+$0xFFFFFFE0];
	[tilespmem:s17+$0x0] =	vst v5  }
0x14f: {  	v9 =	vadd.f32 v11, v10;
	[tilespmem:s17+$0xFFFFFFA0] =	vst v7;
	v5 =	vld [tilespmem:s8+$0xFFFFFFF0]  }
0x150: {  	s16 =	simm.s32 $0x0;
	s24 =	simm.s32 $0x45F0;
	[tilespmem:s17+$0xFFFFFFB0] =	vst v8;
	v7 =	vld [tilespmem:s25+$0xFFFFFFF0]  }
0x151: {  	s4 =	simm.s32 $0x5F0;
	s7 =	simm.s32 $0x85F0;
	v8 =	vld [tilespmem:s8+$0xFFFFFF90];
	[tilespmem:s17+$0xFFFFFFC0] =	vst v9;
	v9 =	vadd.f32 v13, v12;
	s8 =	simm.s32 $0x970  }
.LBB2_15:
0x152: {  	v10 =	vld [tilespmem:s8+$0x0];
	s25 =	sadd.s32 $0x400, s25  }
0x153: {  	s16 =	sadd.s32 $0x80, s16;
	v11 =	vld [tilespmem:s25+$0x0];
	[tilespmem:s17+$0xFFFFFFD0] =	vst v9;
	v4 =	vadd.f32 v6, v4  }
0x154: {  	p1 =	slt.u32 s16, $0x380;
	v6 =	vld [tilespmem:s25+$0xFFFFFF90]  }
0x155: {  	v9 =	vld [tilespmem:s8+$0xFFFFFFA0];
	[tilespmem:s17+$0xFFFFFFE0] =	vst v4;
	v4 =	vadd.f32 v7, v5  }
0x156: {  	v5 =	vld [tilespmem:s25+$0xFFFFFFA0];
	v12 =	vadd.f32 v3, v8  }
0x157: {  	v7 =	vld [tilespmem:s8+$0xFFFFFFB0];
	[tilespmem:s17+$0xFFFFFFF0] =	vst v4  }
0x158: {  	v4 =	vld [tilespmem:s25+$0xFFFFFFB0];
	v8 =	vadd.f32 v11, v10;
	[tilespmem:s17+$0xFFFFFF90] =	vst v12  }
0x159: {  	s17 =	sadd.s32 $0x400, s17;
	v10 =	vld [tilespmem:s8+$0xFFFFFFC0];
	v3 =	vmov v6  }
0x15a: {  	v11 =	vld [tilespmem:s25+$0xFFFFFFC0];
	[tilespmem:s17+$0x0] =	vst v8  }
0x15b: {  	v5 =	vadd.f32 v5, v9;
	v9 =	vld [tilespmem:s8+$0xFFFFFFD0]  }
0x15c: {  	v12 =	vld [tilespmem:s25+$0xFFFFFFD0]  }
.Ltmp8:
0x15d: {  	[tilespmem:s17+$0xFFFFFFA0] =	vst v5;
	v5 =	vadd.f32 v4, v7;
	v4 =	vld [tilespmem:s8+$0xFFFFFFE0];
	(pc) =	sbr.rel @p1 .LBB2_15-.Ltmp8, $4  }
0x15e: {  	v6 =	vld [tilespmem:s25+$0xFFFFFFE0]  }
0x15f: {  	[tilespmem:s17+$0xFFFFFFB0] =	vst v5;
	v10 =	vadd.f32 v11, v10;
	v5 =	vld [tilespmem:s8+$0xFFFFFFF0]  }
0x160: {  	v7 =	vld [tilespmem:s25+$0xFFFFFFF0]  }
0x161: {  	v8 =	vld [tilespmem:s8+$0xFFFFFF90];
	[tilespmem:s17+$0xFFFFFFC0] =	vst v10;
	v9 =	vadd.f32 v12, v9;
	s8 =	sadd.s32 $0x400, s8  }
0x162: {  	_ =	sdelay $0x1  }
0x163: {  	v4 =	vadd.f32 v6, v4  }
0x164: {  	[tilespmem:s17+$0xFFFFFFD0] =	vst v9;
	v5 =	vadd.f32 v7, v5  }
0x165: {  	[tilespmem:s17+$0xFFFFFFE0] =	vst v4;
	v3 =	vadd.f32 v3, v8  }
0x166: {  	[tilespmem:s17+$0xFFFFFFF0] =	vst v5  }
0x167: {  	[tilespmem:s17+$0xFFFFFF90] =	vst v3  }
0x168: {  	v4 =	vld [tilespmem:s4+$0x0]  }
0x169: {  	v5 =	vld [tilespmem:s24+$0x0]  }
0x16a: {  	v3 =	vld [tilespmem:s24+$0xFFFFFF90]  }
0x16b: {  	v6 =	vld [tilespmem:s4+$0xFFFFFFA0]  }
0x16c: {  	v7 =	vld [tilespmem:s24+$0xFFFFFFA0]  }
0x16d: {  	v8 =	vld [tilespmem:s4+$0xFFFFFFB0]  }
0x16e: {  	v9 =	vld [tilespmem:s24+$0xFFFFFFB0]  }
0x16f: {  	v10 =	vld [tilespmem:s4+$0xFFFFFFC0]  }
0x170: {  	v11 =	vld [tilespmem:s24+$0xFFFFFFC0]  }
0x171: {  	v12 =	vld [tilespmem:s4+$0xFFFFFFD0]  }
0x172: {  	v13 =	vld [tilespmem:s24+$0xFFFFFFD0];
	v5 =	vadd.f32 v5, v4  }
0x173: {  	v7 =	vadd.f32 v7, v6;
	v4 =	vld [tilespmem:s4+$0xFFFFFFE0]  }
0x174: {  	v8 =	vadd.f32 v9, v8;
	v6 =	vld [tilespmem:s24+$0xFFFFFFE0];
	[tilespmem:s7+$0x0] =	vst v5  }
0x175: {  	v9 =	vadd.f32 v11, v10;
	[tilespmem:s7+$0xFFFFFFA0] =	vst v7;
	v5 =	vld [tilespmem:s4+$0xFFFFFFF0]  }
0x176: {  	s25 =	simm.s32 $0x0;
	s16 =	simm.s32 $0x2270;
	[tilespmem:s7+$0xFFFFFFB0] =	vst v8;
	v7 =	vld [tilespmem:s24+$0xFFFFFFF0]  }
0x177: {  	s8 =	simm.s32 $0x6270;
	s17 =	simm.s32 $0xA270;
	v8 =	vld [tilespmem:s4+$0xFFFFFF90];
	[tilespmem:s7+$0xFFFFFFC0] =	vst v9;
	v9 =	vadd.f32 v13, v12;
	s4 =	simm.s32 $0x9F0  }
.LBB2_17:
0x178: {  	v10 =	vld [tilespmem:s4+$0x0];
	s24 =	sadd.s32 $0x400, s24  }
0x179: {  	s25 =	sadd.s32 $0x80, s25;
	v11 =	vld [tilespmem:s24+$0x0];
	[tilespmem:s7+$0xFFFFFFD0] =	vst v9;
	v4 =	vadd.f32 v6, v4  }
0x17a: {  	p1 =	slt.u32 s25, $0x380;
	v6 =	vld [tilespmem:s24+$0xFFFFFF90]  }
0x17b: {  	v9 =	vld [tilespmem:s4+$0xFFFFFFA0];
	[tilespmem:s7+$0xFFFFFFE0] =	vst v4;
	v4 =	vadd.f32 v7, v5  }
0x17c: {  	v5 =	vld [tilespmem:s24+$0xFFFFFFA0];
	v12 =	vadd.f32 v3, v8  }
0x17d: {  	v7 =	vld [tilespmem:s4+$0xFFFFFFB0];
	[tilespmem:s7+$0xFFFFFFF0] =	vst v4  }
0x17e: {  	v4 =	vld [tilespmem:s24+$0xFFFFFFB0];
	v8 =	vadd.f32 v11, v10;
	[tilespmem:s7+$0xFFFFFF90] =	vst v12  }
0x17f: {  	s7 =	sadd.s32 $0x400, s7;
	v10 =	vld [tilespmem:s4+$0xFFFFFFC0];
	v3 =	vmov v6  }
0x180: {  	v11 =	vld [tilespmem:s24+$0xFFFFFFC0];
	[tilespmem:s7+$0x0] =	vst v8  }
0x181: {  	v5 =	vadd.f32 v5, v9;
	v9 =	vld [tilespmem:s4+$0xFFFFFFD0]  }
0x182: {  	v12 =	vld [tilespmem:s24+$0xFFFFFFD0]  }
.Ltmp9:
0x183: {  	[tilespmem:s7+$0xFFFFFFA0] =	vst v5;
	v5 =	vadd.f32 v4, v7;
	v4 =	vld [tilespmem:s4+$0xFFFFFFE0];
	(pc) =	sbr.rel @p1 .LBB2_17-.Ltmp9, $4  }
0x184: {  	v6 =	vld [tilespmem:s24+$0xFFFFFFE0]  }
0x185: {  	[tilespmem:s7+$0xFFFFFFB0] =	vst v5;
	v10 =	vadd.f32 v11, v10;
	v5 =	vld [tilespmem:s4+$0xFFFFFFF0]  }
0x186: {  	v7 =	vld [tilespmem:s24+$0xFFFFFFF0]  }
0x187: {  	v8 =	vld [tilespmem:s4+$0xFFFFFF90];
	[tilespmem:s7+$0xFFFFFFC0] =	vst v10;
	v9 =	vadd.f32 v12, v9;
	s4 =	sadd.s32 $0x400, s4  }
0x188: {  	_ =	sdelay $0x1  }
0x189: {  	v4 =	vadd.f32 v6, v4  }
0x18a: {  	[tilespmem:s7+$0xFFFFFFD0] =	vst v9;
	v5 =	vadd.f32 v7, v5  }
0x18b: {  	[tilespmem:s7+$0xFFFFFFE0] =	vst v4;
	v3 =	vadd.f32 v3, v8  }
0x18c: {  	[tilespmem:s7+$0xFFFFFFF0] =	vst v5  }
0x18d: {  	[tilespmem:s7+$0xFFFFFF90] =	vst v3  }
0x18e: {  	v4 =	vld [tilespmem:s16+$0x0]  }
0x18f: {  	v5 =	vld [tilespmem:s8+$0x0]  }
0x190: {  	v3 =	vld [tilespmem:s8+$0xFFFFFF90]  }
0x191: {  	v6 =	vld [tilespmem:s16+$0xFFFFFFA0]  }
0x192: {  	v7 =	vld [tilespmem:s8+$0xFFFFFFA0]  }
0x193: {  	v8 =	vld [tilespmem:s16+$0xFFFFFFB0]  }
0x194: {  	v9 =	vld [tilespmem:s8+$0xFFFFFFB0]  }
0x195: {  	v10 =	vld [tilespmem:s16+$0xFFFFFFC0]  }
0x196: {  	v11 =	vld [tilespmem:s8+$0xFFFFFFC0]  }
0x197: {  	v12 =	vld [tilespmem:s16+$0xFFFFFFD0]  }
0x198: {  	v13 =	vld [tilespmem:s8+$0xFFFFFFD0];
	v5 =	vadd.f32 v5, v4  }
0x199: {  	v7 =	vadd.f32 v7, v6;
	v4 =	vld [tilespmem:s16+$0xFFFFFFE0]  }
0x19a: {  	v8 =	vadd.f32 v9, v8;
	v6 =	vld [tilespmem:s8+$0xFFFFFFE0];
	[tilespmem:s17+$0x0] =	vst v5  }
0x19b: {  	v9 =	vadd.f32 v11, v10;
	[tilespmem:s17+$0xFFFFFFA0] =	vst v7;
	v5 =	vld [tilespmem:s16+$0xFFFFFFF0]  }
0x19c: {  	s4 =	simm.s32 $0x22F0;
	s25 =	simm.s32 $0x62F0;
	[tilespmem:s17+$0xFFFFFFB0] =	vst v8;
	v7 =	vld [tilespmem:s8+$0xFFFFFFF0]  }
0x19d: {  	s24 =	simm.s32 $0xA2F0;
	s7 =	simm.s32 $0x0;
	v8 =	vld [tilespmem:s16+$0xFFFFFF90];
	[tilespmem:s17+$0xFFFFFFC0] =	vst v9;
	v9 =	vadd.f32 v13, v12;
	s16 =	simm.s32 $0x2670  }
.LBB2_19:
0x19e: {  	v10 =	vld [tilespmem:s16+$0x0];
	s8 =	sadd.s32 $0x400, s8  }
0x19f: {  	s7 =	sadd.s32 $0x80, s7;
	v11 =	vld [tilespmem:s8+$0x0];
	[tilespmem:s17+$0xFFFFFFD0] =	vst v9;
	v4 =	vadd.f32 v6, v4  }
0x1a0: {  	p1 =	slt.u32 s7, $0x380;
	v6 =	vld [tilespmem:s8+$0xFFFFFF90]  }
0x1a1: {  	v9 =	vld [tilespmem:s16+$0xFFFFFFA0];
	[tilespmem:s17+$0xFFFFFFE0] =	vst v4;
	v4 =	vadd.f32 v7, v5  }
0x1a2: {  	v5 =	vld [tilespmem:s8+$0xFFFFFFA0];
	v12 =	vadd.f32 v3, v8  }
0x1a3: {  	v7 =	vld [tilespmem:s16+$0xFFFFFFB0];
	[tilespmem:s17+$0xFFFFFFF0] =	vst v4  }
0x1a4: {  	v4 =	vld [tilespmem:s8+$0xFFFFFFB0];
	v8 =	vadd.f32 v11, v10;
	[tilespmem:s17+$0xFFFFFF90] =	vst v12  }
0x1a5: {  	s17 =	sadd.s32 $0x400, s17;
	v10 =	vld [tilespmem:s16+$0xFFFFFFC0];
	v3 =	vmov v6  }
0x1a6: {  	v11 =	vld [tilespmem:s8+$0xFFFFFFC0];
	[tilespmem:s17+$0x0] =	vst v8  }
0x1a7: {  	v5 =	vadd.f32 v5, v9;
	v9 =	vld [tilespmem:s16+$0xFFFFFFD0]  }
0x1a8: {  	v12 =	vld [tilespmem:s8+$0xFFFFFFD0]  }
.Ltmp10:
0x1a9: {  	[tilespmem:s17+$0xFFFFFFA0] =	vst v5;
	v5 =	vadd.f32 v4, v7;
	v4 =	vld [tilespmem:s16+$0xFFFFFFE0];
	(pc) =	sbr.rel @p1 .LBB2_19-.Ltmp10, $4  }
0x1aa: {  	v6 =	vld [tilespmem:s8+$0xFFFFFFE0]  }
0x1ab: {  	[tilespmem:s17+$0xFFFFFFB0] =	vst v5;
	v10 =	vadd.f32 v11, v10;
	v5 =	vld [tilespmem:s16+$0xFFFFFFF0]  }
0x1ac: {  	v7 =	vld [tilespmem:s8+$0xFFFFFFF0]  }
0x1ad: {  	v8 =	vld [tilespmem:s16+$0xFFFFFF90];
	[tilespmem:s17+$0xFFFFFFC0] =	vst v10;
	v9 =	vadd.f32 v12, v9;
	s16 =	sadd.s32 $0x400, s16  }
0x1ae: {  	_ =	sdelay $0x1  }
0x1af: {  	v4 =	vadd.f32 v6, v4  }
0x1b0: {  	[tilespmem:s17+$0xFFFFFFD0] =	vst v9;
	v5 =	vadd.f32 v7, v5  }
0x1b1: {  	[tilespmem:s17+$0xFFFFFFE0] =	vst v4;
	v3 =	vadd.f32 v3, v8  }
0x1b2: {  	[tilespmem:s17+$0xFFFFFFF0] =	vst v5  }
0x1b3: {  	[tilespmem:s17+$0xFFFFFF90] =	vst v3  }
0x1b4: {  	v4 =	vld [tilespmem:s4+$0x0]  }
0x1b5: {  	v5 =	vld [tilespmem:s25+$0x0]  }
0x1b6: {  	v3 =	vld [tilespmem:s25+$0xFFFFFF90]  }
0x1b7: {  	v6 =	vld [tilespmem:s4+$0xFFFFFFA0]  }
0x1b8: {  	v7 =	vld [tilespmem:s25+$0xFFFFFFA0]  }
0x1b9: {  	v8 =	vld [tilespmem:s4+$0xFFFFFFB0]  }
0x1ba: {  	v9 =	vld [tilespmem:s25+$0xFFFFFFB0]  }
0x1bb: {  	v10 =	vld [tilespmem:s4+$0xFFFFFFC0]  }
0x1bc: {  	v11 =	vld [tilespmem:s25+$0xFFFFFFC0]  }
0x1bd: {  	v12 =	vld [tilespmem:s4+$0xFFFFFFD0]  }
0x1be: {  	v13 =	vld [tilespmem:s25+$0xFFFFFFD0];
	v5 =	vadd.f32 v5, v4  }
0x1bf: {  	v7 =	vadd.f32 v7, v6;
	v4 =	vld [tilespmem:s4+$0xFFFFFFE0]  }
0x1c0: {  	v8 =	vadd.f32 v9, v8;
	v6 =	vld [tilespmem:s25+$0xFFFFFFE0];
	[tilespmem:s24+$0x0] =	vst v5  }
0x1c1: {  	v9 =	vadd.f32 v11, v10;
	[tilespmem:s24+$0xFFFFFFA0] =	vst v7;
	v5 =	vld [tilespmem:s4+$0xFFFFFFF0]  }
0x1c2: {  	s7 =	simm.s32 $0xA370;
	s16 =	simm.s32 $0x2370;
	[tilespmem:s24+$0xFFFFFFB0] =	vst v8;
	v7 =	vld [tilespmem:s25+$0xFFFFFFF0]  }
0x1c3: {  	s8 =	simm.s32 $0x6370;
	s17 =	simm.s32 $0x0;
	v8 =	vld [tilespmem:s4+$0xFFFFFF90];
	[tilespmem:s24+$0xFFFFFFC0] =	vst v9;
	v9 =	vadd.f32 v13, v12;
	s4 =	simm.s32 $0x26F0  }
.LBB2_21:
0x1c4: {  	v10 =	vld [tilespmem:s4+$0x0];
	s25 =	sadd.s32 $0x400, s25  }
0x1c5: {  	s17 =	sadd.s32 $0x80, s17;
	v11 =	vld [tilespmem:s25+$0x0];
	[tilespmem:s24+$0xFFFFFFD0] =	vst v9;
	v4 =	vadd.f32 v6, v4  }
0x1c6: {  	p1 =	slt.u32 s17, $0x380;
	v6 =	vld [tilespmem:s25+$0xFFFFFF90]  }
0x1c7: {  	v9 =	vld [tilespmem:s4+$0xFFFFFFA0];
	[tilespmem:s24+$0xFFFFFFE0] =	vst v4;
	v4 =	vadd.f32 v7, v5  }
0x1c8: {  	v5 =	vld [tilespmem:s25+$0xFFFFFFA0];
	v12 =	vadd.f32 v3, v8  }
0x1c9: {  	v7 =	vld [tilespmem:s4+$0xFFFFFFB0];
	[tilespmem:s24+$0xFFFFFFF0] =	vst v4  }
0x1ca: {  	v4 =	vld [tilespmem:s25+$0xFFFFFFB0];
	v8 =	vadd.f32 v11, v10;
	[tilespmem:s24+$0xFFFFFF90] =	vst v12  }
0x1cb: {  	s24 =	sadd.s32 $0x400, s24;
	v10 =	vld [tilespmem:s4+$0xFFFFFFC0];
	v3 =	vmov v6  }
0x1cc: {  	v11 =	vld [tilespmem:s25+$0xFFFFFFC0];
	[tilespmem:s24+$0x0] =	vst v8  }
0x1cd: {  	v5 =	vadd.f32 v5, v9;
	v9 =	vld [tilespmem:s4+$0xFFFFFFD0]  }
0x1ce: {  	v12 =	vld [tilespmem:s25+$0xFFFFFFD0]  }
.Ltmp11:
0x1cf: {  	[tilespmem:s24+$0xFFFFFFA0] =	vst v5;
	v5 =	vadd.f32 v4, v7;
	v4 =	vld [tilespmem:s4+$0xFFFFFFE0];
	(pc) =	sbr.rel @p1 .LBB2_21-.Ltmp11, $4  }
0x1d0: {  	v6 =	vld [tilespmem:s25+$0xFFFFFFE0]  }
0x1d1: {  	[tilespmem:s24+$0xFFFFFFB0] =	vst v5;
	v10 =	vadd.f32 v11, v10;
	v5 =	vld [tilespmem:s4+$0xFFFFFFF0]  }
0x1d2: {  	v7 =	vld [tilespmem:s25+$0xFFFFFFF0]  }
0x1d3: {  	v8 =	vld [tilespmem:s4+$0xFFFFFF90];
	[tilespmem:s24+$0xFFFFFFC0] =	vst v10;
	v9 =	vadd.f32 v12, v9;
	s4 =	sadd.s32 $0x400, s4  }
0x1d4: {  	_ =	sdelay $0x1  }
0x1d5: {  	v4 =	vadd.f32 v6, v4  }
0x1d6: {  	[tilespmem:s24+$0xFFFFFFD0] =	vst v9;
	v5 =	vadd.f32 v7, v5  }
0x1d7: {  	[tilespmem:s24+$0xFFFFFFE0] =	vst v4;
	v3 =	vadd.f32 v3, v8  }
0x1d8: {  	[tilespmem:s24+$0xFFFFFFF0] =	vst v5  }
0x1d9: {  	[tilespmem:s24+$0xFFFFFF90] =	vst v3  }
0x1da: {  	v4 =	vld [tilespmem:s16+$0x0]  }
0x1db: {  	v5 =	vld [tilespmem:s8+$0x0]  }
0x1dc: {  	v3 =	vld [tilespmem:s8+$0xFFFFFF90]  }
0x1dd: {  	v6 =	vld [tilespmem:s16+$0xFFFFFFA0]  }
0x1de: {  	v7 =	vld [tilespmem:s8+$0xFFFFFFA0]  }
0x1df: {  	v8 =	vld [tilespmem:s16+$0xFFFFFFB0]  }
0x1e0: {  	v9 =	vld [tilespmem:s8+$0xFFFFFFB0]  }
0x1e1: {  	v10 =	vld [tilespmem:s16+$0xFFFFFFC0]  }
0x1e2: {  	v11 =	vld [tilespmem:s8+$0xFFFFFFC0]  }
0x1e3: {  	v12 =	vld [tilespmem:s16+$0xFFFFFFD0]  }
0x1e4: {  	v13 =	vld [tilespmem:s8+$0xFFFFFFD0];
	v5 =	vadd.f32 v5, v4  }
0x1e5: {  	v7 =	vadd.f32 v7, v6;
	v4 =	vld [tilespmem:s16+$0xFFFFFFE0]  }
0x1e6: {  	v8 =	vadd.f32 v9, v8;
	v6 =	vld [tilespmem:s8+$0xFFFFFFE0];
	[tilespmem:s7+$0x0] =	vst v5  }
0x1e7: {  	v9 =	vadd.f32 v11, v10;
	[tilespmem:s7+$0xFFFFFFA0] =	vst v7;
	v5 =	vld [tilespmem:s16+$0xFFFFFFF0]  }
0x1e8: {  	s25 =	simm.s32 $0x0;
	s4 =	simm.s32 $0x23F0;
	[tilespmem:s7+$0xFFFFFFB0] =	vst v8;
	v7 =	vld [tilespmem:s8+$0xFFFFFFF0]  }
0x1e9: {  	s17 =	simm.s32 $0xA3F0;
	s24 =	simm.s32 $0x63F0;
	v8 =	vld [tilespmem:s16+$0xFFFFFF90];
	[tilespmem:s7+$0xFFFFFFC0] =	vst v9;
	v9 =	vadd.f32 v13, v12;
	s16 =	simm.s32 $0x2770  }
.LBB2_23:
0x1ea: {  	v10 =	vld [tilespmem:s16+$0x0];
	s8 =	sadd.s32 $0x400, s8  }
0x1eb: {  	s25 =	sadd.s32 $0x80, s25;
	v11 =	vld [tilespmem:s8+$0x0];
	[tilespmem:s7+$0xFFFFFFD0] =	vst v9;
	v4 =	vadd.f32 v6, v4  }
0x1ec: {  	p1 =	slt.u32 s25, $0x380;
	v6 =	vld [tilespmem:s8+$0xFFFFFF90]  }
0x1ed: {  	v9 =	vld [tilespmem:s16+$0xFFFFFFA0];
	[tilespmem:s7+$0xFFFFFFE0] =	vst v4;
	v4 =	vadd.f32 v7, v5  }
0x1ee: {  	v5 =	vld [tilespmem:s8+$0xFFFFFFA0];
	v12 =	vadd.f32 v3, v8  }
0x1ef: {  	v7 =	vld [tilespmem:s16+$0xFFFFFFB0];
	[tilespmem:s7+$0xFFFFFFF0] =	vst v4  }
0x1f0: {  	v4 =	vld [tilespmem:s8+$0xFFFFFFB0];
	v8 =	vadd.f32 v11, v10;
	[tilespmem:s7+$0xFFFFFF90] =	vst v12  }
0x1f1: {  	s7 =	sadd.s32 $0x400, s7;
	v10 =	vld [tilespmem:s16+$0xFFFFFFC0];
	v3 =	vmov v6  }
0x1f2: {  	v11 =	vld [tilespmem:s8+$0xFFFFFFC0];
	[tilespmem:s7+$0x0] =	vst v8  }
0x1f3: {  	v5 =	vadd.f32 v5, v9;
	v9 =	vld [tilespmem:s16+$0xFFFFFFD0]  }
0x1f4: {  	v12 =	vld [tilespmem:s8+$0xFFFFFFD0]  }
.Ltmp12:
0x1f5: {  	[tilespmem:s7+$0xFFFFFFA0] =	vst v5;
	v5 =	vadd.f32 v4, v7;
	v4 =	vld [tilespmem:s16+$0xFFFFFFE0];
	(pc) =	sbr.rel @p1 .LBB2_23-.Ltmp12, $4  }
0x1f6: {  	v6 =	vld [tilespmem:s8+$0xFFFFFFE0]  }
0x1f7: {  	[tilespmem:s7+$0xFFFFFFB0] =	vst v5;
	v10 =	vadd.f32 v11, v10;
	v5 =	vld [tilespmem:s16+$0xFFFFFFF0]  }
0x1f8: {  	v7 =	vld [tilespmem:s8+$0xFFFFFFF0]  }
0x1f9: {  	v8 =	vld [tilespmem:s16+$0xFFFFFF90];
	[tilespmem:s7+$0xFFFFFFC0] =	vst v10;
	v9 =	vadd.f32 v12, v9;
	s16 =	sadd.s32 $0x400, s16  }
0x1fa: {  	_ =	sdelay $0x1  }
0x1fb: {  	v4 =	vadd.f32 v6, v4  }
0x1fc: {  	[tilespmem:s7+$0xFFFFFFD0] =	vst v9;
	v5 =	vadd.f32 v7, v5  }
0x1fd: {  	[tilespmem:s7+$0xFFFFFFE0] =	vst v4;
	v3 =	vadd.f32 v3, v8  }
0x1fe: {  	[tilespmem:s7+$0xFFFFFFF0] =	vst v5  }
0x1ff: {  	[tilespmem:s7+$0xFFFFFF90] =	vst v3  }
0x200: {  	v4 =	vld [tilespmem:s4+$0x0]  }
0x201: {  	v5 =	vld [tilespmem:s24+$0x0]  }
0x202: {  	v3 =	vld [tilespmem:s24+$0xFFFFFF90]  }
0x203: {  	v6 =	vld [tilespmem:s4+$0xFFFFFFA0]  }
0x204: {  	v7 =	vld [tilespmem:s24+$0xFFFFFFA0]  }
0x205: {  	v8 =	vld [tilespmem:s4+$0xFFFFFFB0]  }
0x206: {  	v9 =	vld [tilespmem:s24+$0xFFFFFFB0]  }
0x207: {  	v10 =	vld [tilespmem:s4+$0xFFFFFFC0]  }
0x208: {  	v11 =	vld [tilespmem:s24+$0xFFFFFFC0]  }
0x209: {  	v12 =	vld [tilespmem:s4+$0xFFFFFFD0]  }
0x20a: {  	v13 =	vld [tilespmem:s24+$0xFFFFFFD0];
	v5 =	vadd.f32 v5, v4  }
0x20b: {  	v7 =	vadd.f32 v7, v6;
	v4 =	vld [tilespmem:s4+$0xFFFFFFE0]  }
0x20c: {  	v8 =	vadd.f32 v9, v8;
	v6 =	vld [tilespmem:s24+$0xFFFFFFE0];
	[tilespmem:s17+$0x0] =	vst v5  }
0x20d: {  	v9 =	vadd.f32 v11, v10;
	[tilespmem:s17+$0xFFFFFFA0] =	vst v7;
	v5 =	vld [tilespmem:s4+$0xFFFFFFF0]  }
0x20e: {  	s25 =	simm.s32 $0x0;
	s16 =	simm.s32 $0x2470;
	[tilespmem:s17+$0xFFFFFFB0] =	vst v8;
	v7 =	vld [tilespmem:s24+$0xFFFFFFF0]  }
0x20f: {  	s8 =	simm.s32 $0x6470;
	s7 =	simm.s32 $0xA470;
	v8 =	vld [tilespmem:s4+$0xFFFFFF90];
	[tilespmem:s17+$0xFFFFFFC0] =	vst v9;
	v9 =	vadd.f32 v13, v12;
	s4 =	simm.s32 $0x27F0  }
.LBB2_25:
0x210: {  	v10 =	vld [tilespmem:s4+$0x0];
	s24 =	sadd.s32 $0x400, s24  }
0x211: {  	s25 =	sadd.s32 $0x80, s25;
	v11 =	vld [tilespmem:s24+$0x0];
	[tilespmem:s17+$0xFFFFFFD0] =	vst v9;
	v4 =	vadd.f32 v6, v4  }
0x212: {  	p1 =	slt.u32 s25, $0x380;
	v6 =	vld [tilespmem:s24+$0xFFFFFF90]  }
0x213: {  	v9 =	vld [tilespmem:s4+$0xFFFFFFA0];
	[tilespmem:s17+$0xFFFFFFE0] =	vst v4;
	v4 =	vadd.f32 v7, v5  }
0x214: {  	v5 =	vld [tilespmem:s24+$0xFFFFFFA0];
	v12 =	vadd.f32 v3, v8  }
0x215: {  	v7 =	vld [tilespmem:s4+$0xFFFFFFB0];
	[tilespmem:s17+$0xFFFFFFF0] =	vst v4  }
0x216: {  	v4 =	vld [tilespmem:s24+$0xFFFFFFB0];
	v8 =	vadd.f32 v11, v10;
	[tilespmem:s17+$0xFFFFFF90] =	vst v12  }
0x217: {  	s17 =	sadd.s32 $0x400, s17;
	v10 =	vld [tilespmem:s4+$0xFFFFFFC0];
	v3 =	vmov v6  }
0x218: {  	v11 =	vld [tilespmem:s24+$0xFFFFFFC0];
	[tilespmem:s17+$0x0] =	vst v8  }
0x219: {  	v5 =	vadd.f32 v5, v9;
	v9 =	vld [tilespmem:s4+$0xFFFFFFD0]  }
0x21a: {  	v12 =	vld [tilespmem:s24+$0xFFFFFFD0]  }
.Ltmp13:
0x21b: {  	[tilespmem:s17+$0xFFFFFFA0] =	vst v5;
	v5 =	vadd.f32 v4, v7;
	v4 =	vld [tilespmem:s4+$0xFFFFFFE0];
	(pc) =	sbr.rel @p1 .LBB2_25-.Ltmp13, $4  }
0x21c: {  	v6 =	vld [tilespmem:s24+$0xFFFFFFE0]  }
0x21d: {  	[tilespmem:s17+$0xFFFFFFB0] =	vst v5;
	v10 =	vadd.f32 v11, v10;
	v5 =	vld [tilespmem:s4+$0xFFFFFFF0]  }
0x21e: {  	v7 =	vld [tilespmem:s24+$0xFFFFFFF0]  }
0x21f: {  	v8 =	vld [tilespmem:s4+$0xFFFFFF90];
	[tilespmem:s17+$0xFFFFFFC0] =	vst v10;
	v9 =	vadd.f32 v12, v9;
	s4 =	sadd.s32 $0x400, s4  }
0x220: {  	_ =	sdelay $0x1  }
0x221: {  	v4 =	vadd.f32 v6, v4  }
0x222: {  	[tilespmem:s17+$0xFFFFFFD0] =	vst v9;
	v5 =	vadd.f32 v7, v5  }
0x223: {  	[tilespmem:s17+$0xFFFFFFE0] =	vst v4;
	v3 =	vadd.f32 v3, v8  }
0x224: {  	[tilespmem:s17+$0xFFFFFFF0] =	vst v5  }
0x225: {  	[tilespmem:s17+$0xFFFFFF90] =	vst v3  }
0x226: {  	v4 =	vld [tilespmem:s16+$0x0]  }
0x227: {  	v5 =	vld [tilespmem:s8+$0x0]  }
0x228: {  	v3 =	vld [tilespmem:s8+$0xFFFFFF90]  }
0x229: {  	v6 =	vld [tilespmem:s16+$0xFFFFFFA0]  }
0x22a: {  	v7 =	vld [tilespmem:s8+$0xFFFFFFA0]  }
0x22b: {  	v8 =	vld [tilespmem:s16+$0xFFFFFFB0]  }
0x22c: {  	v9 =	vld [tilespmem:s8+$0xFFFFFFB0]  }
0x22d: {  	v10 =	vld [tilespmem:s16+$0xFFFFFFC0]  }
0x22e: {  	v11 =	vld [tilespmem:s8+$0xFFFFFFC0]  }
0x22f: {  	v12 =	vld [tilespmem:s16+$0xFFFFFFD0]  }
0x230: {  	v13 =	vld [tilespmem:s8+$0xFFFFFFD0];
	v5 =	vadd.f32 v5, v4  }
0x231: {  	v7 =	vadd.f32 v7, v6;
	v4 =	vld [tilespmem:s16+$0xFFFFFFE0]  }
0x232: {  	v8 =	vadd.f32 v9, v8;
	v6 =	vld [tilespmem:s8+$0xFFFFFFE0];
	[tilespmem:s7+$0x0] =	vst v5  }
0x233: {  	v9 =	vadd.f32 v11, v10;
	[tilespmem:s7+$0xFFFFFFA0] =	vst v7;
	v5 =	vld [tilespmem:s16+$0xFFFFFFF0]  }
0x234: {  	s25 =	simm.s32 $0x0;
	s4 =	simm.s32 $0x24F0;
	[tilespmem:s7+$0xFFFFFFB0] =	vst v8;
	v7 =	vld [tilespmem:s8+$0xFFFFFFF0]  }
0x235: {  	s24 =	simm.s32 $0x64F0;
	s17 =	simm.s32 $0xA4F0;
	v8 =	vld [tilespmem:s16+$0xFFFFFF90];
	[tilespmem:s7+$0xFFFFFFC0] =	vst v9;
	v9 =	vadd.f32 v13, v12;
	s16 =	simm.s32 $0x2870  }
.LBB2_27:
0x236: {  	v10 =	vld [tilespmem:s16+$0x0];
	s8 =	sadd.s32 $0x400, s8  }
0x237: {  	s25 =	sadd.s32 $0x80, s25;
	v11 =	vld [tilespmem:s8+$0x0];
	[tilespmem:s7+$0xFFFFFFD0] =	vst v9;
	v4 =	vadd.f32 v6, v4  }
0x238: {  	p1 =	slt.u32 s25, $0x380;
	v6 =	vld [tilespmem:s8+$0xFFFFFF90]  }
0x239: {  	v9 =	vld [tilespmem:s16+$0xFFFFFFA0];
	[tilespmem:s7+$0xFFFFFFE0] =	vst v4;
	v4 =	vadd.f32 v7, v5  }
0x23a: {  	v5 =	vld [tilespmem:s8+$0xFFFFFFA0];
	v12 =	vadd.f32 v3, v8  }
0x23b: {  	v7 =	vld [tilespmem:s16+$0xFFFFFFB0];
	[tilespmem:s7+$0xFFFFFFF0] =	vst v4  }
0x23c: {  	v4 =	vld [tilespmem:s8+$0xFFFFFFB0];
	v8 =	vadd.f32 v11, v10;
	[tilespmem:s7+$0xFFFFFF90] =	vst v12  }
0x23d: {  	s7 =	sadd.s32 $0x400, s7;
	v10 =	vld [tilespmem:s16+$0xFFFFFFC0];
	v3 =	vmov v6  }
0x23e: {  	v11 =	vld [tilespmem:s8+$0xFFFFFFC0];
	[tilespmem:s7+$0x0] =	vst v8  }
0x23f: {  	v5 =	vadd.f32 v5, v9;
	v9 =	vld [tilespmem:s16+$0xFFFFFFD0]  }
0x240: {  	v12 =	vld [tilespmem:s8+$0xFFFFFFD0]  }
.Ltmp14:
0x241: {  	[tilespmem:s7+$0xFFFFFFA0] =	vst v5;
	v5 =	vadd.f32 v4, v7;
	v4 =	vld [tilespmem:s16+$0xFFFFFFE0];
	(pc) =	sbr.rel @p1 .LBB2_27-.Ltmp14, $4  }
0x242: {  	v6 =	vld [tilespmem:s8+$0xFFFFFFE0]  }
0x243: {  	[tilespmem:s7+$0xFFFFFFB0] =	vst v5;
	v10 =	vadd.f32 v11, v10;
	v5 =	vld [tilespmem:s16+$0xFFFFFFF0]  }
0x244: {  	v7 =	vld [tilespmem:s8+$0xFFFFFFF0]  }
0x245: {  	v8 =	vld [tilespmem:s16+$0xFFFFFF90];
	[tilespmem:s7+$0xFFFFFFC0] =	vst v10;
	v9 =	vadd.f32 v12, v9;
	s16 =	sadd.s32 $0x400, s16  }
0x246: {  	_ =	sdelay $0x1  }
0x247: {  	v4 =	vadd.f32 v6, v4  }
0x248: {  	[tilespmem:s7+$0xFFFFFFD0] =	vst v9;
	v5 =	vadd.f32 v7, v5  }
0x249: {  	[tilespmem:s7+$0xFFFFFFE0] =	vst v4;
	v3 =	vadd.f32 v3, v8  }
0x24a: {  	[tilespmem:s7+$0xFFFFFFF0] =	vst v5  }
0x24b: {  	[tilespmem:s7+$0xFFFFFF90] =	vst v3  }
0x24c: {  	v4 =	vld [tilespmem:s4+$0x0]  }
0x24d: {  	v5 =	vld [tilespmem:s24+$0x0]  }
0x24e: {  	v3 =	vld [tilespmem:s24+$0xFFFFFF90]  }
0x24f: {  	v6 =	vld [tilespmem:s4+$0xFFFFFFA0]  }
0x250: {  	v7 =	vld [tilespmem:s24+$0xFFFFFFA0]  }
0x251: {  	v8 =	vld [tilespmem:s4+$0xFFFFFFB0]  }
0x252: {  	v9 =	vld [tilespmem:s24+$0xFFFFFFB0]  }
0x253: {  	v10 =	vld [tilespmem:s4+$0xFFFFFFC0]  }
0x254: {  	v11 =	vld [tilespmem:s24+$0xFFFFFFC0]  }
0x255: {  	v12 =	vld [tilespmem:s4+$0xFFFFFFD0]  }
0x256: {  	v13 =	vld [tilespmem:s24+$0xFFFFFFD0];
	v5 =	vadd.f32 v5, v4  }
0x257: {  	v7 =	vadd.f32 v7, v6;
	v4 =	vld [tilespmem:s4+$0xFFFFFFE0]  }
0x258: {  	v8 =	vadd.f32 v9, v8;
	v6 =	vld [tilespmem:s24+$0xFFFFFFE0];
	[tilespmem:s17+$0x0] =	vst v5  }
0x259: {  	v9 =	vadd.f32 v11, v10;
	[tilespmem:s17+$0xFFFFFFA0] =	vst v7;
	v5 =	vld [tilespmem:s4+$0xFFFFFFF0]  }
0x25a: {  	s25 =	simm.s32 $0x0;
	s16 =	simm.s32 $0x2570;
	[tilespmem:s17+$0xFFFFFFB0] =	vst v8;
	v7 =	vld [tilespmem:s24+$0xFFFFFFF0]  }
0x25b: {  	s8 =	simm.s32 $0x6570;
	s7 =	simm.s32 $0xA570;
	v8 =	vld [tilespmem:s4+$0xFFFFFF90];
	[tilespmem:s17+$0xFFFFFFC0] =	vst v9;
	v9 =	vadd.f32 v13, v12;
	s4 =	simm.s32 $0x28F0  }
.LBB2_29:
0x25c: {  	v10 =	vld [tilespmem:s4+$0x0];
	s24 =	sadd.s32 $0x400, s24  }
0x25d: {  	s25 =	sadd.s32 $0x80, s25;
	v11 =	vld [tilespmem:s24+$0x0];
	[tilespmem:s17+$0xFFFFFFD0] =	vst v9;
	v4 =	vadd.f32 v6, v4  }
0x25e: {  	p1 =	slt.u32 s25, $0x380;
	v6 =	vld [tilespmem:s24+$0xFFFFFF90]  }
0x25f: {  	v9 =	vld [tilespmem:s4+$0xFFFFFFA0];
	[tilespmem:s17+$0xFFFFFFE0] =	vst v4;
	v4 =	vadd.f32 v7, v5  }
0x260: {  	v5 =	vld [tilespmem:s24+$0xFFFFFFA0];
	v12 =	vadd.f32 v3, v8  }
0x261: {  	v7 =	vld [tilespmem:s4+$0xFFFFFFB0];
	[tilespmem:s17+$0xFFFFFFF0] =	vst v4  }
0x262: {  	v4 =	vld [tilespmem:s24+$0xFFFFFFB0];
	v8 =	vadd.f32 v11, v10;
	[tilespmem:s17+$0xFFFFFF90] =	vst v12  }
0x263: {  	s17 =	sadd.s32 $0x400, s17;
	v10 =	vld [tilespmem:s4+$0xFFFFFFC0];
	v3 =	vmov v6  }
0x264: {  	v11 =	vld [tilespmem:s24+$0xFFFFFFC0];
	[tilespmem:s17+$0x0] =	vst v8  }
0x265: {  	v5 =	vadd.f32 v5, v9;
	v9 =	vld [tilespmem:s4+$0xFFFFFFD0]  }
0x266: {  	v12 =	vld [tilespmem:s24+$0xFFFFFFD0]  }
.Ltmp15:
0x267: {  	[tilespmem:s17+$0xFFFFFFA0] =	vst v5;
	v5 =	vadd.f32 v4, v7;
	v4 =	vld [tilespmem:s4+$0xFFFFFFE0];
	(pc) =	sbr.rel @p1 .LBB2_29-.Ltmp15, $4  }
0x268: {  	v6 =	vld [tilespmem:s24+$0xFFFFFFE0]  }
0x269: {  	[tilespmem:s17+$0xFFFFFFB0] =	vst v5;
	v10 =	vadd.f32 v11, v10;
	v5 =	vld [tilespmem:s4+$0xFFFFFFF0]  }
0x26a: {  	v7 =	vld [tilespmem:s24+$0xFFFFFFF0]  }
0x26b: {  	v8 =	vld [tilespmem:s4+$0xFFFFFF90];
	[tilespmem:s17+$0xFFFFFFC0] =	vst v10;
	v9 =	vadd.f32 v12, v9;
	s4 =	sadd.s32 $0x400, s4  }
0x26c: {  	_ =	sdelay $0x1  }
0x26d: {  	v4 =	vadd.f32 v6, v4  }
0x26e: {  	[tilespmem:s17+$0xFFFFFFD0] =	vst v9;
	v5 =	vadd.f32 v7, v5  }
0x26f: {  	[tilespmem:s17+$0xFFFFFFE0] =	vst v4;
	v3 =	vadd.f32 v3, v8  }
0x270: {  	[tilespmem:s17+$0xFFFFFFF0] =	vst v5  }
0x271: {  	[tilespmem:s17+$0xFFFFFF90] =	vst v3  }
0x272: {  	v4 =	vld [tilespmem:s16+$0x0]  }
0x273: {  	v5 =	vld [tilespmem:s8+$0x0]  }
0x274: {  	v3 =	vld [tilespmem:s8+$0xFFFFFF90]  }
0x275: {  	v6 =	vld [tilespmem:s16+$0xFFFFFFA0]  }
0x276: {  	v7 =	vld [tilespmem:s8+$0xFFFFFFA0]  }
0x277: {  	v8 =	vld [tilespmem:s16+$0xFFFFFFB0]  }
0x278: {  	v9 =	vld [tilespmem:s8+$0xFFFFFFB0]  }
0x279: {  	v10 =	vld [tilespmem:s16+$0xFFFFFFC0]  }
0x27a: {  	v11 =	vld [tilespmem:s8+$0xFFFFFFC0]  }
0x27b: {  	v12 =	vld [tilespmem:s16+$0xFFFFFFD0]  }
0x27c: {  	v13 =	vld [tilespmem:s8+$0xFFFFFFD0];
	v5 =	vadd.f32 v5, v4  }
0x27d: {  	v7 =	vadd.f32 v7, v6;
	v4 =	vld [tilespmem:s16+$0xFFFFFFE0]  }
0x27e: {  	v8 =	vadd.f32 v9, v8;
	v6 =	vld [tilespmem:s8+$0xFFFFFFE0];
	[tilespmem:s7+$0x0] =	vst v5  }
0x27f: {  	v9 =	vadd.f32 v11, v10;
	[tilespmem:s7+$0xFFFFFFA0] =	vst v7;
	v5 =	vld [tilespmem:s16+$0xFFFFFFF0]  }
0x280: {  	s25 =	simm.s32 $0x0;
	s4 =	simm.s32 $0x25F0;
	[tilespmem:s7+$0xFFFFFFB0] =	vst v8;
	v7 =	vld [tilespmem:s8+$0xFFFFFFF0]  }
0x281: {  	s24 =	simm.s32 $0x65F0;
	s17 =	simm.s32 $0xA5F0;
	v8 =	vld [tilespmem:s16+$0xFFFFFF90];
	[tilespmem:s7+$0xFFFFFFC0] =	vst v9;
	v9 =	vadd.f32 v13, v12;
	s16 =	simm.s32 $0x2970  }
.LBB2_31:
0x282: {  	v10 =	vld [tilespmem:s16+$0x0];
	s8 =	sadd.s32 $0x400, s8  }
0x283: {  	s25 =	sadd.s32 $0x80, s25;
	v11 =	vld [tilespmem:s8+$0x0];
	[tilespmem:s7+$0xFFFFFFD0] =	vst v9;
	v4 =	vadd.f32 v6, v4  }
0x284: {  	p1 =	slt.u32 s25, $0x380;
	v6 =	vld [tilespmem:s8+$0xFFFFFF90]  }
0x285: {  	v9 =	vld [tilespmem:s16+$0xFFFFFFA0];
	[tilespmem:s7+$0xFFFFFFE0] =	vst v4;
	v4 =	vadd.f32 v7, v5  }
0x286: {  	v5 =	vld [tilespmem:s8+$0xFFFFFFA0];
	v12 =	vadd.f32 v3, v8  }
0x287: {  	v7 =	vld [tilespmem:s16+$0xFFFFFFB0];
	[tilespmem:s7+$0xFFFFFFF0] =	vst v4  }
0x288: {  	v4 =	vld [tilespmem:s8+$0xFFFFFFB0];
	v8 =	vadd.f32 v11, v10;
	[tilespmem:s7+$0xFFFFFF90] =	vst v12  }
0x289: {  	s7 =	sadd.s32 $0x400, s7;
	v10 =	vld [tilespmem:s16+$0xFFFFFFC0];
	v3 =	vmov v6  }
0x28a: {  	v11 =	vld [tilespmem:s8+$0xFFFFFFC0];
	[tilespmem:s7+$0x0] =	vst v8  }
0x28b: {  	v5 =	vadd.f32 v5, v9;
	v9 =	vld [tilespmem:s16+$0xFFFFFFD0]  }
0x28c: {  	v12 =	vld [tilespmem:s8+$0xFFFFFFD0]  }
.Ltmp16:
0x28d: {  	[tilespmem:s7+$0xFFFFFFA0] =	vst v5;
	v5 =	vadd.f32 v4, v7;
	v4 =	vld [tilespmem:s16+$0xFFFFFFE0];
	(pc) =	sbr.rel @p1 .LBB2_31-.Ltmp16, $4  }
0x28e: {  	v6 =	vld [tilespmem:s8+$0xFFFFFFE0]  }
0x28f: {  	[tilespmem:s7+$0xFFFFFFB0] =	vst v5;
	v10 =	vadd.f32 v11, v10;
	v5 =	vld [tilespmem:s16+$0xFFFFFFF0]  }
0x290: {  	v7 =	vld [tilespmem:s8+$0xFFFFFFF0]  }
0x291: {  	v8 =	vld [tilespmem:s16+$0xFFFFFF90];
	[tilespmem:s7+$0xFFFFFFC0] =	vst v10;
	v9 =	vadd.f32 v12, v9;
	s16 =	sadd.s32 $0x400, s16  }
0x292: {  	_ =	sdelay $0x1  }
0x293: {  	v4 =	vadd.f32 v6, v4  }
0x294: {  	[tilespmem:s7+$0xFFFFFFD0] =	vst v9;
	v5 =	vadd.f32 v7, v5  }
0x295: {  	[tilespmem:s7+$0xFFFFFFE0] =	vst v4;
	v3 =	vadd.f32 v3, v8  }
0x296: {  	[tilespmem:s7+$0xFFFFFFF0] =	vst v5  }
0x297: {  	[tilespmem:s7+$0xFFFFFF90] =	vst v3  }
0x298: {  	v4 =	vld [tilespmem:s4+$0x0]  }
0x299: {  	v5 =	vld [tilespmem:s24+$0x0]  }
0x29a: {  	v3 =	vld [tilespmem:s24+$0xFFFFFF90]  }
0x29b: {  	v6 =	vld [tilespmem:s4+$0xFFFFFFA0]  }
0x29c: {  	v7 =	vld [tilespmem:s24+$0xFFFFFFA0]  }
0x29d: {  	v8 =	vld [tilespmem:s4+$0xFFFFFFB0]  }
0x29e: {  	v9 =	vld [tilespmem:s24+$0xFFFFFFB0]  }
0x29f: {  	v10 =	vld [tilespmem:s4+$0xFFFFFFC0]  }
0x2a0: {  	v11 =	vld [tilespmem:s24+$0xFFFFFFC0]  }
0x2a1: {  	v12 =	vld [tilespmem:s4+$0xFFFFFFD0]  }
0x2a2: {  	v13 =	vld [tilespmem:s24+$0xFFFFFFD0];
	v5 =	vadd.f32 v5, v4  }
0x2a3: {  	v7 =	vadd.f32 v7, v6;
	v4 =	vld [tilespmem:s4+$0xFFFFFFE0]  }
0x2a4: {  	v8 =	vadd.f32 v9, v8;
	v6 =	vld [tilespmem:s24+$0xFFFFFFE0];
	[tilespmem:s17+$0x0] =	vst v5  }
0x2a5: {  	v9 =	vadd.f32 v11, v10;
	[tilespmem:s17+$0xFFFFFFA0] =	vst v7;
	v5 =	vld [tilespmem:s4+$0xFFFFFFF0]  }
0x2a6: {  	[tilespmem:s17+$0xFFFFFFB0] =	vst v8;
	v8 =	vld [tilespmem:s24+$0xFFFFFFF0]  }
0x2a7: {  	s7 =	simm.s32 $0x0;
	v7 =	vld [tilespmem:s4+$0xFFFFFF90];
	[tilespmem:s17+$0xFFFFFFC0] =	vst v9;
	v9 =	vadd.f32 v13, v12;
	s4 =	simm.s32 $0x29F0  }
.LBB2_33:
0x2a8: {  	v10 =	vld [tilespmem:s4+$0x0];
	s24 =	sadd.s32 $0x400, s24  }
0x2a9: {  	s7 =	sadd.s32 $0x80, s7;
	v11 =	vld [tilespmem:s24+$0x0];
	[tilespmem:s17+$0xFFFFFFD0] =	vst v9;
	v4 =	vadd.f32 v6, v4  }
0x2aa: {  	p1 =	slt.u32 s7, $0x380;
	v6 =	vld [tilespmem:s24+$0xFFFFFF90]  }
0x2ab: {  	v9 =	vld [tilespmem:s4+$0xFFFFFFA0];
	[tilespmem:s17+$0xFFFFFFE0] =	vst v4;
	v4 =	vadd.f32 v8, v5  }
0x2ac: {  	v5 =	vld [tilespmem:s24+$0xFFFFFFA0];
	v12 =	vadd.f32 v3, v7  }
0x2ad: {  	v7 =	vld [tilespmem:s4+$0xFFFFFFB0];
	[tilespmem:s17+$0xFFFFFFF0] =	vst v4  }
0x2ae: {  	v4 =	vld [tilespmem:s24+$0xFFFFFFB0];
	v8 =	vadd.f32 v11, v10;
	[tilespmem:s17+$0xFFFFFF90] =	vst v12  }
0x2af: {  	s17 =	sadd.s32 $0x400, s17;
	v10 =	vld [tilespmem:s4+$0xFFFFFFC0];
	v3 =	vmov v6  }
0x2b0: {  	v11 =	vld [tilespmem:s24+$0xFFFFFFC0];
	[tilespmem:s17+$0x0] =	vst v8  }
0x2b1: {  	v5 =	vadd.f32 v5, v9;
	v9 =	vld [tilespmem:s4+$0xFFFFFFD0]  }
0x2b2: {  	v12 =	vld [tilespmem:s24+$0xFFFFFFD0]  }
.Ltmp17:
0x2b3: {  	[tilespmem:s17+$0xFFFFFFA0] =	vst v5;
	v5 =	vadd.f32 v4, v7;
	v4 =	vld [tilespmem:s4+$0xFFFFFFE0];
	(pc) =	sbr.rel @p1 .LBB2_33-.Ltmp17, $4  }
0x2b4: {  	v6 =	vld [tilespmem:s24+$0xFFFFFFE0]  }
0x2b5: {  	[tilespmem:s17+$0xFFFFFFB0] =	vst v5;
	v10 =	vadd.f32 v11, v10;
	v5 =	vld [tilespmem:s4+$0xFFFFFFF0]  }
0x2b6: {  	v8 =	vld [tilespmem:s24+$0xFFFFFFF0]  }
0x2b7: {  	v7 =	vld [tilespmem:s4+$0xFFFFFF90];
	[tilespmem:s17+$0xFFFFFFC0] =	vst v10;
	v9 =	vadd.f32 v12, v9;
	s4 =	sadd.s32 $0x400, s4  }
0x2b8: {  	_ =	sdelay $0x1  }
0x2b9: {  	v4 =	vadd.f32 v6, v4  }
0x2ba: {  	[tilespmem:s17+$0xFFFFFFD0] =	vst v9;
	v5 =	vadd.f32 v8, v5  }
0x2bb: {  	[tilespmem:s17+$0xFFFFFFE0] =	vst v4;
	v3 =	vadd.f32 v3, v7  }
0x2bc: {  	s4 =	sshll.u32 s9, $0xC;
	[tilespmem:s17+$0xFFFFFFF0] =	vst v5  }
0x2bd: {  	p1 =	seq.s32 s9, $0xF;
	s4 =	sadd.s32 s4, s13;
	[tilespmem:s17+$0xFFFFFF90] =	vst v3  }
0x2be: {  	[hbm4b:s4+s5] =	stream.linear.scatter [tilespmem:s20], [sflag:$0x3], $0x4000, $0x38;
	[tilespmem:$0x18200] =	vst v63  }
0x2bf: {  	v3 =	vld @!p1 [tilespmem:s14+$0x20];
	_ =	sdelay $0x4  }
0x2c0: {  	v4 =	vshll.u32 @!p1 v3, $0x3  }
0x2c1: {  	v5 =	vlaneseq.u32 @!p1;
	v3 =	vand.u32 @!p1 $0x7, v3;
	v4 =	vand.u32 @!p1 $0xFFFFFFC0, v4  }
0x2c2: {  	v6 =	vshrl.u32 @!p1 v5, $0x3;
	v3 =	vor.u32 @!p1 v3, v4;
	v4 =	vand.u32 @!p1 $0x7, v5  }
0x2c3: {  	v6 =	vmul.u32 @!p1 $0x8, v6;
	v4 =	vperm.xlane @!p1 v3, v4;
	_ =	sdelay $0x1  }
0x2c4: {  	v4 =	vadd.s32 @!p1 v6, v4;
	_ =	sdelay $0x3  }
0x2c5: {  	vm1 =	vmmov @!p1 $0xffff;
	s7 =	simm.s32 @!p1 $0x200;
	s4 =	simm.s32 @!p1 $0x0  }
0x2c6: {  	v5 =	vor.u32 @!p1 $0x8, v5;
	[tilespmem:s7], [sflag:$0x1] =	stream.indirect_vreg.gather @!p1 [hbm4b:s2+s4], $0x80, v4, vm1, $0xb8;
	[tilespmem:$0x18200] =	vst v63  }
0x2c7: {  	v3 =	vperm.xlane @!p1 v3, v5;
	s7 =	simm.s32 @!p1 $0xA00  }
0x2c8: {  	[tilespmem:s7], [sflag:$0x1] =	stream.indirect_vreg.gather @!p1 [hbm4b:s10+s4], $0x80, v4, vm1, $0xb8;
	[tilespmem:$0x18200] =	vst v63  }
0x2c9: {  	v3 =	vadd.s32 @!p1 v6, v3;
	s7 =	simm.s32 @!p1 $0x1200  }
0x2ca: {  	[tilespmem:s7], [sflag:$0x1] =	stream.indirect_vreg.gather @!p1 [hbm4b:s11+s4], $0x80, v4, vm1, $0xb8;
	[tilespmem:$0x18200] =	vst v63  }
0x2cb: {  	s7 =	simm.s32 @!p1 $0x1A00  }
0x2cc: {  	[tilespmem:s7], [sflag:$0x1] =	stream.indirect_vreg.gather @!p1 [hbm4b:s12+s4], $0x80, v4, vm1, $0xb8;
	[tilespmem:$0x18200] =	vst v63  }
0x2cd: {  	s7 =	simm.s32 @!p1 $0x2200  }
0x2ce: {  	[tilespmem:s7], [sflag:$0x1] =	stream.indirect_vreg.gather @!p1 [hbm4b:s2+s4], $0x80, v3, vm1, $0xb8;
	[tilespmem:$0x18200] =	vst v63  }
0x2cf: {  	s7 =	simm.s32 @!p1 $0x2A00  }
0x2d0: {  	[tilespmem:s7], [sflag:$0x1] =	stream.indirect_vreg.gather @!p1 [hbm4b:s10+s4], $0x80, v3, vm1, $0xb8;
	[tilespmem:$0x18200] =	vst v63  }
0x2d1: {  	s7 =	simm.s32 @!p1 $0x3200  }
0x2d2: {  	[tilespmem:s7], [sflag:$0x1] =	stream.indirect_vreg.gather @!p1 [hbm4b:s11+s4], $0x80, v3, vm1, $0xb8;
	[tilespmem:$0x18200] =	vst v63  }
0x2d3: {  	s7 =	sadd.s32 @!p1 $0x20, s14  }
0x2d4: {  	s8 =	simm.s32 @!p1 $0x3A00;
	s7 =	sadd.s32 @!p1 s6, s7  }
0x2d5: {  	[tilespmem:s8], [sflag:$0x1] =	stream.indirect_vreg.gather @!p1 [hbm4b:s12+s4], $0x80, v3, vm1, $0xb8;
	[tilespmem:$0x18200] =	vst v63  }
0x2d6: {  	s7 =	sshll.u32 @!p1 s7, $0x7  }
0x2d7: {  	s8 =	simm.s32 @!p1 $0x4200;
	s7 =	sadd.s32 @!p1 s1, s7  }
0x2d8: {  	[tilespmem:s8], [sflag:$0x2] =	stream.linear.gather @!p1 [hbm4b:s7+s4], $0x4000, $0x38;
	[tilespmem:$0x18200] =	vst v63  }
0x2d9: {  	_ =	swait.ge [sflag:s21], $0x4000  }
0x2da: {  	[sflag:s21] =	ssyncset.done $0x0  }
0x2db: {  	[sflag:s21] =	ssyncadd.s32 $0xFFFFC000  }
0x2dc: {  	_ =	swait.ge [sflag:s22], $0x4000  }
0x2dd: {  	[sflag:s22] =	ssyncset.done $0x0  }
0x2de: {  	s4 =	simm.s32 @!p0 $0x6;
	[sflag:s22] =	ssyncadd.s32 $0xFFFFC000  }
0x2df: {  	_ =	swait.ge @!p0 [sflag:s4], $0x4000  }
0x2e0: {  	[sflag:s4] =	ssyncset.done @!p0 $0x0  }
0x2e1: {  	s25 =	simm.s32 $0xC240;
	[sflag:s4] =	ssyncadd.s32 @!p0 $0xFFFFC000  }
0x2e2: {  	s4 =	simm.s32 $0x10240;
	v4 =	vld [tilespmem:s25+$0x30]  }
0x2e3: {  	v5 =	vld [tilespmem:s4+$0x30]  }
0x2e4: {  	v3 =	vld [tilespmem:s4+$0xFFFFFFC0]  }
0x2e5: {  	v6 =	vld [tilespmem:s25+$0xFFFFFFD0]  }
0x2e6: {  	v7 =	vld [tilespmem:s4+$0xFFFFFFD0]  }
0x2e7: {  	v8 =	vld [tilespmem:s25+$0xFFFFFFE0]  }
0x2e8: {  	v9 =	vld [tilespmem:s4+$0xFFFFFFE0]  }
0x2e9: {  	v10 =	vld [tilespmem:s25+$0xFFFFFFF0]  }
0x2ea: {  	v11 =	vld [tilespmem:s4+$0xFFFFFFF0]  }
0x2eb: {  	v12 =	vld [tilespmem:s25+$0x0]  }
0x2ec: {  	v13 =	vld [tilespmem:s4+$0x0];
	v5 =	vadd.f32 v5, v4  }
0x2ed: {  	s8 =	simm.s32 $0x14240;
	v7 =	vadd.f32 v7, v6;
	v4 =	vld [tilespmem:s25+$0x10]  }
0x2ee: {  	v8 =	vadd.f32 v9, v8;
	v6 =	vld [tilespmem:s4+$0x10];
	[tilespmem:s8+$0x30] =	vst v5  }
0x2ef: {  	v9 =	vadd.f32 v11, v10;
	[tilespmem:s8+$0xFFFFFFD0] =	vst v7;
	v5 =	vld [tilespmem:s25+$0x20]  }
0x2f0: {  	s24 =	simm.s32 $0x102F0;
	s16 =	simm.s32 $0xC2F0;
	[tilespmem:s8+$0xFFFFFFE0] =	vst v8;
	v7 =	vld [tilespmem:s4+$0x20]  }
0x2f1: {  	s17 =	simm.s32 $0x0;
	s7 =	simm.s32 $0x142F0;
	v8 =	vld [tilespmem:s25+$0xFFFFFFC0];
	[tilespmem:s8+$0xFFFFFFF0] =	vst v9;
	v9 =	vadd.f32 v13, v12;
	s25 =	simm.s32 $0xC640  }
.LBB2_35:
0x2f2: {  	v10 =	vld [tilespmem:s25+$0x30];
	s4 =	sadd.s32 $0x400, s4  }
0x2f3: {  	s17 =	sadd.s32 $0x80, s17;
	v11 =	vld [tilespmem:s4+$0x30];
	[tilespmem:s8+$0x0] =	vst v9;
	v4 =	vadd.f32 v6, v4  }
0x2f4: {  	p0 =	slt.u32 s17, $0x380;
	v6 =	vld [tilespmem:s4+$0xFFFFFFC0]  }
0x2f5: {  	v9 =	vld [tilespmem:s25+$0xFFFFFFD0];
	[tilespmem:s8+$0x10] =	vst v4;
	v4 =	vadd.f32 v7, v5  }
0x2f6: {  	v5 =	vld [tilespmem:s4+$0xFFFFFFD0];
	v12 =	vadd.f32 v3, v8  }
0x2f7: {  	v7 =	vld [tilespmem:s25+$0xFFFFFFE0];
	[tilespmem:s8+$0x20] =	vst v4  }
0x2f8: {  	v4 =	vld [tilespmem:s4+$0xFFFFFFE0];
	v8 =	vadd.f32 v11, v10;
	[tilespmem:s8+$0xFFFFFFC0] =	vst v12  }
0x2f9: {  	s8 =	sadd.s32 $0x400, s8;
	v10 =	vld [tilespmem:s25+$0xFFFFFFF0];
	v3 =	vmov v6  }
0x2fa: {  	v11 =	vld [tilespmem:s4+$0xFFFFFFF0];
	[tilespmem:s8+$0x30] =	vst v8  }
0x2fb: {  	v5 =	vadd.f32 v5, v9;
	v9 =	vld [tilespmem:s25+$0x0]  }
0x2fc: {  	v12 =	vld [tilespmem:s4+$0x0]  }
.Ltmp18:
0x2fd: {  	[tilespmem:s8+$0xFFFFFFD0] =	vst v5;
	v5 =	vadd.f32 v4, v7;
	v4 =	vld [tilespmem:s25+$0x10];
	(pc) =	sbr.rel @p0 .LBB2_35-.Ltmp18, $4  }
0x2fe: {  	v6 =	vld [tilespmem:s4+$0x10]  }
0x2ff: {  	[tilespmem:s8+$0xFFFFFFE0] =	vst v5;
	v10 =	vadd.f32 v11, v10;
	v5 =	vld [tilespmem:s25+$0x20]  }
0x300: {  	v7 =	vld [tilespmem:s4+$0x20]  }
0x301: {  	v8 =	vld [tilespmem:s25+$0xFFFFFFC0];
	[tilespmem:s8+$0xFFFFFFF0] =	vst v10;
	v9 =	vadd.f32 v12, v9;
	s25 =	sadd.s32 $0x400, s25  }
0x302: {  	_ =	sdelay $0x1  }
0x303: {  	v4 =	vadd.f32 v6, v4  }
0x304: {  	[tilespmem:s8+$0x0] =	vst v9;
	v5 =	vadd.f32 v7, v5  }
0x305: {  	[tilespmem:s8+$0x10] =	vst v4;
	v3 =	vadd.f32 v3, v8  }
0x306: {  	[tilespmem:s8+$0x20] =	vst v5  }
0x307: {  	[tilespmem:s8+$0xFFFFFFC0] =	vst v3  }
0x308: {  	v4 =	vld [tilespmem:s16+$0x0]  }
0x309: {  	v5 =	vld [tilespmem:s24+$0x0]  }
0x30a: {  	v3 =	vld [tilespmem:s24+$0xFFFFFF90]  }
0x30b: {  	v6 =	vld [tilespmem:s16+$0xFFFFFFA0]  }
0x30c: {  	v7 =	vld [tilespmem:s24+$0xFFFFFFA0]  }
0x30d: {  	v8 =	vld [tilespmem:s16+$0xFFFFFFB0]  }
0x30e: {  	v9 =	vld [tilespmem:s24+$0xFFFFFFB0]  }
0x30f: {  	v10 =	vld [tilespmem:s16+$0xFFFFFFC0]  }
0x310: {  	v11 =	vld [tilespmem:s24+$0xFFFFFFC0]  }
0x311: {  	v12 =	vld [tilespmem:s16+$0xFFFFFFD0]  }
0x312: {  	v13 =	vld [tilespmem:s24+$0xFFFFFFD0];
	v5 =	vadd.f32 v5, v4  }
0x313: {  	v7 =	vadd.f32 v7, v6;
	v4 =	vld [tilespmem:s16+$0xFFFFFFE0]  }
0x314: {  	v8 =	vadd.f32 v9, v8;
	v6 =	vld [tilespmem:s24+$0xFFFFFFE0];
	[tilespmem:s7+$0x0] =	vst v5  }
0x315: {  	v9 =	vadd.f32 v11, v10;
	[tilespmem:s7+$0xFFFFFFA0] =	vst v7;
	v5 =	vld [tilespmem:s16+$0xFFFFFFF0]  }
0x316: {  	s25 =	simm.s32 $0x0;
	s4 =	simm.s32 $0xC370;
	[tilespmem:s7+$0xFFFFFFB0] =	vst v8;
	v7 =	vld [tilespmem:s24+$0xFFFFFFF0]  }
0x317: {  	s17 =	simm.s32 $0x14370;
	s8 =	simm.s32 $0x10370;
	v8 =	vld [tilespmem:s16+$0xFFFFFF90];
	[tilespmem:s7+$0xFFFFFFC0] =	vst v9;
	v9 =	vadd.f32 v13, v12;
	s16 =	simm.s32 $0xC6F0  }
.LBB2_37:
0x318: {  	v10 =	vld [tilespmem:s16+$0x0];
	s24 =	sadd.s32 $0x400, s24  }
0x319: {  	s25 =	sadd.s32 $0x80, s25;
	v11 =	vld [tilespmem:s24+$0x0];
	[tilespmem:s7+$0xFFFFFFD0] =	vst v9;
	v4 =	vadd.f32 v6, v4  }
0x31a: {  	p0 =	slt.u32 s25, $0x380;
	v6 =	vld [tilespmem:s24+$0xFFFFFF90]  }
0x31b: {  	v9 =	vld [tilespmem:s16+$0xFFFFFFA0];
	[tilespmem:s7+$0xFFFFFFE0] =	vst v4;
	v4 =	vadd.f32 v7, v5  }
0x31c: {  	v5 =	vld [tilespmem:s24+$0xFFFFFFA0];
	v12 =	vadd.f32 v3, v8  }
0x31d: {  	v7 =	vld [tilespmem:s16+$0xFFFFFFB0];
	[tilespmem:s7+$0xFFFFFFF0] =	vst v4  }
0x31e: {  	v4 =	vld [tilespmem:s24+$0xFFFFFFB0];
	v8 =	vadd.f32 v11, v10;
	[tilespmem:s7+$0xFFFFFF90] =	vst v12  }
0x31f: {  	s7 =	sadd.s32 $0x400, s7;
	v10 =	vld [tilespmem:s16+$0xFFFFFFC0];
	v3 =	vmov v6  }
0x320: {  	v11 =	vld [tilespmem:s24+$0xFFFFFFC0];
	[tilespmem:s7+$0x0] =	vst v8  }
0x321: {  	v5 =	vadd.f32 v5, v9;
	v9 =	vld [tilespmem:s16+$0xFFFFFFD0]  }
0x322: {  	v12 =	vld [tilespmem:s24+$0xFFFFFFD0]  }
.Ltmp19:
0x323: {  	[tilespmem:s7+$0xFFFFFFA0] =	vst v5;
	v5 =	vadd.f32 v4, v7;
	v4 =	vld [tilespmem:s16+$0xFFFFFFE0];
	(pc) =	sbr.rel @p0 .LBB2_37-.Ltmp19, $4  }
0x324: {  	v6 =	vld [tilespmem:s24+$0xFFFFFFE0]  }
0x325: {  	[tilespmem:s7+$0xFFFFFFB0] =	vst v5;
	v10 =	vadd.f32 v11, v10;
	v5 =	vld [tilespmem:s16+$0xFFFFFFF0]  }
0x326: {  	v7 =	vld [tilespmem:s24+$0xFFFFFFF0]  }
0x327: {  	v8 =	vld [tilespmem:s16+$0xFFFFFF90];
	[tilespmem:s7+$0xFFFFFFC0] =	vst v10;
	v9 =	vadd.f32 v12, v9;
	s16 =	sadd.s32 $0x400, s16  }
0x328: {  	_ =	sdelay $0x1  }
0x329: {  	v4 =	vadd.f32 v6, v4  }
0x32a: {  	[tilespmem:s7+$0xFFFFFFD0] =	vst v9;
	v5 =	vadd.f32 v7, v5  }
0x32b: {  	[tilespmem:s7+$0xFFFFFFE0] =	vst v4;
	v3 =	vadd.f32 v3, v8  }
0x32c: {  	[tilespmem:s7+$0xFFFFFFF0] =	vst v5  }
0x32d: {  	[tilespmem:s7+$0xFFFFFF90] =	vst v3  }
0x32e: {  	v4 =	vld [tilespmem:s4+$0x0]  }
0x32f: {  	v5 =	vld [tilespmem:s8+$0x0]  }
0x330: {  	v3 =	vld [tilespmem:s8+$0xFFFFFF90]  }
0x331: {  	v6 =	vld [tilespmem:s4+$0xFFFFFFA0]  }
0x332: {  	v7 =	vld [tilespmem:s8+$0xFFFFFFA0]  }
0x333: {  	v8 =	vld [tilespmem:s4+$0xFFFFFFB0]  }
0x334: {  	v9 =	vld [tilespmem:s8+$0xFFFFFFB0]  }
0x335: {  	v10 =	vld [tilespmem:s4+$0xFFFFFFC0]  }
0x336: {  	v11 =	vld [tilespmem:s8+$0xFFFFFFC0]  }
0x337: {  	v12 =	vld [tilespmem:s4+$0xFFFFFFD0]  }
0x338: {  	v13 =	vld [tilespmem:s8+$0xFFFFFFD0];
	v5 =	vadd.f32 v5, v4  }
0x339: {  	v7 =	vadd.f32 v7, v6;
	v4 =	vld [tilespmem:s4+$0xFFFFFFE0]  }
0x33a: {  	v8 =	vadd.f32 v9, v8;
	v6 =	vld [tilespmem:s8+$0xFFFFFFE0];
	[tilespmem:s17+$0x0] =	vst v5  }
0x33b: {  	v9 =	vadd.f32 v11, v10;
	[tilespmem:s17+$0xFFFFFFA0] =	vst v7;
	v5 =	vld [tilespmem:s4+$0xFFFFFFF0]  }
0x33c: {  	s25 =	simm.s32 $0x0;
	s24 =	simm.s32 $0x103F0;
	[tilespmem:s17+$0xFFFFFFB0] =	vst v8;
	v7 =	vld [tilespmem:s8+$0xFFFFFFF0]  }
0x33d: {  	s16 =	simm.s32 $0xC3F0;
	s7 =	simm.s32 $0x143F0;
	v8 =	vld [tilespmem:s4+$0xFFFFFF90];
	[tilespmem:s17+$0xFFFFFFC0] =	vst v9;
	v9 =	vadd.f32 v13, v12;
	s4 =	simm.s32 $0xC770  }
.LBB2_39:
0x33e: {  	v10 =	vld [tilespmem:s4+$0x0];
	s8 =	sadd.s32 $0x400, s8  }
0x33f: {  	s25 =	sadd.s32 $0x80, s25;
	v11 =	vld [tilespmem:s8+$0x0];
	[tilespmem:s17+$0xFFFFFFD0] =	vst v9;
	v4 =	vadd.f32 v6, v4  }
0x340: {  	p0 =	slt.u32 s25, $0x380;
	v6 =	vld [tilespmem:s8+$0xFFFFFF90]  }
0x341: {  	v9 =	vld [tilespmem:s4+$0xFFFFFFA0];
	[tilespmem:s17+$0xFFFFFFE0] =	vst v4;
	v4 =	vadd.f32 v7, v5  }
0x342: {  	v5 =	vld [tilespmem:s8+$0xFFFFFFA0];
	v12 =	vadd.f32 v3, v8  }
0x343: {  	v7 =	vld [tilespmem:s4+$0xFFFFFFB0];
	[tilespmem:s17+$0xFFFFFFF0] =	vst v4  }
0x344: {  	v4 =	vld [tilespmem:s8+$0xFFFFFFB0];
	v8 =	vadd.f32 v11, v10;
	[tilespmem:s17+$0xFFFFFF90] =	vst v12  }
0x345: {  	s17 =	sadd.s32 $0x400, s17;
	v10 =	vld [tilespmem:s4+$0xFFFFFFC0];
	v3 =	vmov v6  }
0x346: {  	v11 =	vld [tilespmem:s8+$0xFFFFFFC0];
	[tilespmem:s17+$0x0] =	vst v8  }
0x347: {  	v5 =	vadd.f32 v5, v9;
	v9 =	vld [tilespmem:s4+$0xFFFFFFD0]  }
0x348: {  	v12 =	vld [tilespmem:s8+$0xFFFFFFD0]  }
.Ltmp20:
0x349: {  	[tilespmem:s17+$0xFFFFFFA0] =	vst v5;
	v5 =	vadd.f32 v4, v7;
	v4 =	vld [tilespmem:s4+$0xFFFFFFE0];
	(pc) =	sbr.rel @p0 .LBB2_39-.Ltmp20, $4  }
0x34a: {  	v6 =	vld [tilespmem:s8+$0xFFFFFFE0]  }
0x34b: {  	[tilespmem:s17+$0xFFFFFFB0] =	vst v5;
	v10 =	vadd.f32 v11, v10;
	v5 =	vld [tilespmem:s4+$0xFFFFFFF0]  }
0x34c: {  	v7 =	vld [tilespmem:s8+$0xFFFFFFF0]  }
0x34d: {  	v8 =	vld [tilespmem:s4+$0xFFFFFF90];
	[tilespmem:s17+$0xFFFFFFC0] =	vst v10;
	v9 =	vadd.f32 v12, v9;
	s4 =	sadd.s32 $0x400, s4  }
0x34e: {  	_ =	sdelay $0x1  }
0x34f: {  	v4 =	vadd.f32 v6, v4  }
0x350: {  	[tilespmem:s17+$0xFFFFFFD0] =	vst v9;
	v5 =	vadd.f32 v7, v5  }
0x351: {  	[tilespmem:s17+$0xFFFFFFE0] =	vst v4;
	v3 =	vadd.f32 v3, v8  }
0x352: {  	[tilespmem:s17+$0xFFFFFFF0] =	vst v5  }
0x353: {  	[tilespmem:s17+$0xFFFFFF90] =	vst v3  }
0x354: {  	v4 =	vld [tilespmem:s16+$0x0]  }
0x355: {  	v5 =	vld [tilespmem:s24+$0x0]  }
0x356: {  	v3 =	vld [tilespmem:s24+$0xFFFFFF90]  }
0x357: {  	v6 =	vld [tilespmem:s16+$0xFFFFFFA0]  }
0x358: {  	v7 =	vld [tilespmem:s24+$0xFFFFFFA0]  }
0x359: {  	v8 =	vld [tilespmem:s16+$0xFFFFFFB0]  }
0x35a: {  	v9 =	vld [tilespmem:s24+$0xFFFFFFB0]  }
0x35b: {  	v10 =	vld [tilespmem:s16+$0xFFFFFFC0]  }
0x35c: {  	v11 =	vld [tilespmem:s24+$0xFFFFFFC0]  }
0x35d: {  	v12 =	vld [tilespmem:s16+$0xFFFFFFD0]  }
0x35e: {  	v13 =	vld [tilespmem:s24+$0xFFFFFFD0];
	v5 =	vadd.f32 v5, v4  }
0x35f: {  	v7 =	vadd.f32 v7, v6;
	v4 =	vld [tilespmem:s16+$0xFFFFFFE0]  }
0x360: {  	v8 =	vadd.f32 v9, v8;
	v6 =	vld [tilespmem:s24+$0xFFFFFFE0];
	[tilespmem:s7+$0x0] =	vst v5  }
0x361: {  	v9 =	vadd.f32 v11, v10;
	[tilespmem:s7+$0xFFFFFFA0] =	vst v7;
	v5 =	vld [tilespmem:s16+$0xFFFFFFF0]  }
0x362: {  	s25 =	simm.s32 $0x0;
	s4 =	simm.s32 $0xC470;
	[tilespmem:s7+$0xFFFFFFB0] =	vst v8;
	v7 =	vld [tilespmem:s24+$0xFFFFFFF0]  }
0x363: {  	s8 =	simm.s32 $0x10470;
	s17 =	simm.s32 $0x14470;
	v8 =	vld [tilespmem:s16+$0xFFFFFF90];
	[tilespmem:s7+$0xFFFFFFC0] =	vst v9;
	v9 =	vadd.f32 v13, v12;
	s16 =	simm.s32 $0xC7F0  }
.LBB2_41:
0x364: {  	v10 =	vld [tilespmem:s16+$0x0];
	s24 =	sadd.s32 $0x400, s24  }
0x365: {  	s25 =	sadd.s32 $0x80, s25;
	v11 =	vld [tilespmem:s24+$0x0];
	[tilespmem:s7+$0xFFFFFFD0] =	vst v9;
	v4 =	vadd.f32 v6, v4  }
0x366: {  	p0 =	slt.u32 s25, $0x380;
	v6 =	vld [tilespmem:s24+$0xFFFFFF90]  }
0x367: {  	v9 =	vld [tilespmem:s16+$0xFFFFFFA0];
	[tilespmem:s7+$0xFFFFFFE0] =	vst v4;
	v4 =	vadd.f32 v7, v5  }
0x368: {  	v5 =	vld [tilespmem:s24+$0xFFFFFFA0];
	v12 =	vadd.f32 v3, v8  }
0x369: {  	v7 =	vld [tilespmem:s16+$0xFFFFFFB0];
	[tilespmem:s7+$0xFFFFFFF0] =	vst v4  }
0x36a: {  	v4 =	vld [tilespmem:s24+$0xFFFFFFB0];
	v8 =	vadd.f32 v11, v10;
	[tilespmem:s7+$0xFFFFFF90] =	vst v12  }
0x36b: {  	s7 =	sadd.s32 $0x400, s7;
	v10 =	vld [tilespmem:s16+$0xFFFFFFC0];
	v3 =	vmov v6  }
0x36c: {  	v11 =	vld [tilespmem:s24+$0xFFFFFFC0];
	[tilespmem:s7+$0x0] =	vst v8  }
0x36d: {  	v5 =	vadd.f32 v5, v9;
	v9 =	vld [tilespmem:s16+$0xFFFFFFD0]  }
0x36e: {  	v12 =	vld [tilespmem:s24+$0xFFFFFFD0]  }
.Ltmp21:
0x36f: {  	[tilespmem:s7+$0xFFFFFFA0] =	vst v5;
	v5 =	vadd.f32 v4, v7;
	v4 =	vld [tilespmem:s16+$0xFFFFFFE0];
	(pc) =	sbr.rel @p0 .LBB2_41-.Ltmp21, $4  }
0x370: {  	v6 =	vld [tilespmem:s24+$0xFFFFFFE0]  }
0x371: {  	[tilespmem:s7+$0xFFFFFFB0] =	vst v5;
	v10 =	vadd.f32 v11, v10;
	v5 =	vld [tilespmem:s16+$0xFFFFFFF0]  }
0x372: {  	v7 =	vld [tilespmem:s24+$0xFFFFFFF0]  }
0x373: {  	v8 =	vld [tilespmem:s16+$0xFFFFFF90];
	[tilespmem:s7+$0xFFFFFFC0] =	vst v10;
	v9 =	vadd.f32 v12, v9;
	s16 =	sadd.s32 $0x400, s16  }
0x374: {  	_ =	sdelay $0x1  }
0x375: {  	v4 =	vadd.f32 v6, v4  }
0x376: {  	[tilespmem:s7+$0xFFFFFFD0] =	vst v9;
	v5 =	vadd.f32 v7, v5  }
0x377: {  	[tilespmem:s7+$0xFFFFFFE0] =	vst v4;
	v3 =	vadd.f32 v3, v8  }
0x378: {  	[tilespmem:s7+$0xFFFFFFF0] =	vst v5  }
0x379: {  	[tilespmem:s7+$0xFFFFFF90] =	vst v3  }
0x37a: {  	v4 =	vld [tilespmem:s4+$0x0]  }
0x37b: {  	v5 =	vld [tilespmem:s8+$0x0]  }
0x37c: {  	v3 =	vld [tilespmem:s8+$0xFFFFFF90]  }
0x37d: {  	v6 =	vld [tilespmem:s4+$0xFFFFFFA0]  }
0x37e: {  	v7 =	vld [tilespmem:s8+$0xFFFFFFA0]  }
0x37f: {  	v8 =	vld [tilespmem:s4+$0xFFFFFFB0]  }
0x380: {  	v9 =	vld [tilespmem:s8+$0xFFFFFFB0]  }
0x381: {  	v10 =	vld [tilespmem:s4+$0xFFFFFFC0]  }
0x382: {  	v11 =	vld [tilespmem:s8+$0xFFFFFFC0]  }
0x383: {  	v12 =	vld [tilespmem:s4+$0xFFFFFFD0]  }
0x384: {  	v13 =	vld [tilespmem:s8+$0xFFFFFFD0];
	v5 =	vadd.f32 v5, v4  }
0x385: {  	v7 =	vadd.f32 v7, v6;
	v4 =	vld [tilespmem:s4+$0xFFFFFFE0]  }
0x386: {  	v8 =	vadd.f32 v9, v8;
	v6 =	vld [tilespmem:s8+$0xFFFFFFE0];
	[tilespmem:s17+$0x0] =	vst v5  }
0x387: {  	v9 =	vadd.f32 v11, v10;
	[tilespmem:s17+$0xFFFFFFA0] =	vst v7;
	v5 =	vld [tilespmem:s4+$0xFFFFFFF0]  }
0x388: {  	s25 =	simm.s32 $0x0;
	s24 =	simm.s32 $0x104F0;
	[tilespmem:s17+$0xFFFFFFB0] =	vst v8;
	v7 =	vld [tilespmem:s8+$0xFFFFFFF0]  }
0x389: {  	s16 =	simm.s32 $0xC4F0;
	s7 =	simm.s32 $0x144F0;
	v8 =	vld [tilespmem:s4+$0xFFFFFF90];
	[tilespmem:s17+$0xFFFFFFC0] =	vst v9;
	v9 =	vadd.f32 v13, v12;
	s4 =	simm.s32 $0xC870  }
.LBB2_43:
0x38a: {  	v10 =	vld [tilespmem:s4+$0x0];
	s8 =	sadd.s32 $0x400, s8  }
0x38b: {  	s25 =	sadd.s32 $0x80, s25;
	v11 =	vld [tilespmem:s8+$0x0];
	[tilespmem:s17+$0xFFFFFFD0] =	vst v9;
	v4 =	vadd.f32 v6, v4  }
0x38c: {  	p0 =	slt.u32 s25, $0x380;
	v6 =	vld [tilespmem:s8+$0xFFFFFF90]  }
0x38d: {  	v9 =	vld [tilespmem:s4+$0xFFFFFFA0];
	[tilespmem:s17+$0xFFFFFFE0] =	vst v4;
	v4 =	vadd.f32 v7, v5  }
0x38e: {  	v5 =	vld [tilespmem:s8+$0xFFFFFFA0];
	v12 =	vadd.f32 v3, v8  }
0x38f: {  	v7 =	vld [tilespmem:s4+$0xFFFFFFB0];
	[tilespmem:s17+$0xFFFFFFF0] =	vst v4  }
0x390: {  	v4 =	vld [tilespmem:s8+$0xFFFFFFB0];
	v8 =	vadd.f32 v11, v10;
	[tilespmem:s17+$0xFFFFFF90] =	vst v12  }
0x391: {  	s17 =	sadd.s32 $0x400, s17;
	v10 =	vld [tilespmem:s4+$0xFFFFFFC0];
	v3 =	vmov v6  }
0x392: {  	v11 =	vld [tilespmem:s8+$0xFFFFFFC0];
	[tilespmem:s17+$0x0] =	vst v8  }
0x393: {  	v5 =	vadd.f32 v5, v9;
	v9 =	vld [tilespmem:s4+$0xFFFFFFD0]  }
0x394: {  	v12 =	vld [tilespmem:s8+$0xFFFFFFD0]  }
.Ltmp22:
0x395: {  	[tilespmem:s17+$0xFFFFFFA0] =	vst v5;
	v5 =	vadd.f32 v4, v7;
	v4 =	vld [tilespmem:s4+$0xFFFFFFE0];
	(pc) =	sbr.rel @p0 .LBB2_43-.Ltmp22, $4  }
0x396: {  	v6 =	vld [tilespmem:s8+$0xFFFFFFE0]  }
0x397: {  	[tilespmem:s17+$0xFFFFFFB0] =	vst v5;
	v10 =	vadd.f32 v11, v10;
	v5 =	vld [tilespmem:s4+$0xFFFFFFF0]  }
0x398: {  	v7 =	vld [tilespmem:s8+$0xFFFFFFF0]  }
0x399: {  	v8 =	vld [tilespmem:s4+$0xFFFFFF90];
	[tilespmem:s17+$0xFFFFFFC0] =	vst v10;
	v9 =	vadd.f32 v12, v9;
	s4 =	sadd.s32 $0x400, s4  }
0x39a: {  	_ =	sdelay $0x1  }
0x39b: {  	v4 =	vadd.f32 v6, v4  }
0x39c: {  	[tilespmem:s17+$0xFFFFFFD0] =	vst v9;
	v5 =	vadd.f32 v7, v5  }
0x39d: {  	[tilespmem:s17+$0xFFFFFFE0] =	vst v4;
	v3 =	vadd.f32 v3, v8  }
0x39e: {  	[tilespmem:s17+$0xFFFFFFF0] =	vst v5  }
0x39f: {  	[tilespmem:s17+$0xFFFFFF90] =	vst v3  }
0x3a0: {  	v4 =	vld [tilespmem:s16+$0x0]  }
0x3a1: {  	v5 =	vld [tilespmem:s24+$0x0]  }
0x3a2: {  	v3 =	vld [tilespmem:s24+$0xFFFFFF90]  }
0x3a3: {  	v6 =	vld [tilespmem:s16+$0xFFFFFFA0]  }
0x3a4: {  	v7 =	vld [tilespmem:s24+$0xFFFFFFA0]  }
0x3a5: {  	v8 =	vld [tilespmem:s16+$0xFFFFFFB0]  }
0x3a6: {  	v9 =	vld [tilespmem:s24+$0xFFFFFFB0]  }
0x3a7: {  	v10 =	vld [tilespmem:s16+$0xFFFFFFC0]  }
0x3a8: {  	v11 =	vld [tilespmem:s24+$0xFFFFFFC0]  }
0x3a9: {  	v12 =	vld [tilespmem:s16+$0xFFFFFFD0]  }
0x3aa: {  	v13 =	vld [tilespmem:s24+$0xFFFFFFD0];
	v5 =	vadd.f32 v5, v4  }
0x3ab: {  	v7 =	vadd.f32 v7, v6;
	v4 =	vld [tilespmem:s16+$0xFFFFFFE0]  }
0x3ac: {  	v8 =	vadd.f32 v9, v8;
	v6 =	vld [tilespmem:s24+$0xFFFFFFE0];
	[tilespmem:s7+$0x0] =	vst v5  }
0x3ad: {  	v9 =	vadd.f32 v11, v10;
	[tilespmem:s7+$0xFFFFFFA0] =	vst v7;
	v5 =	vld [tilespmem:s16+$0xFFFFFFF0]  }
0x3ae: {  	s25 =	simm.s32 $0x0;
	s4 =	simm.s32 $0xC570;
	[tilespmem:s7+$0xFFFFFFB0] =	vst v8;
	v7 =	vld [tilespmem:s24+$0xFFFFFFF0]  }
0x3af: {  	s8 =	simm.s32 $0x10570;
	s17 =	simm.s32 $0x14570;
	v8 =	vld [tilespmem:s16+$0xFFFFFF90];
	[tilespmem:s7+$0xFFFFFFC0] =	vst v9;
	v9 =	vadd.f32 v13, v12;
	s16 =	simm.s32 $0xC8F0  }
.LBB2_45:
0x3b0: {  	v10 =	vld [tilespmem:s16+$0x0];
	s24 =	sadd.s32 $0x400, s24  }
0x3b1: {  	s25 =	sadd.s32 $0x80, s25;
	v11 =	vld [tilespmem:s24+$0x0];
	[tilespmem:s7+$0xFFFFFFD0] =	vst v9;
	v4 =	vadd.f32 v6, v4  }
0x3b2: {  	p0 =	slt.u32 s25, $0x380;
	v6 =	vld [tilespmem:s24+$0xFFFFFF90]  }
0x3b3: {  	v9 =	vld [tilespmem:s16+$0xFFFFFFA0];
	[tilespmem:s7+$0xFFFFFFE0] =	vst v4;
	v4 =	vadd.f32 v7, v5  }
0x3b4: {  	v5 =	vld [tilespmem:s24+$0xFFFFFFA0];
	v12 =	vadd.f32 v3, v8  }
0x3b5: {  	v7 =	vld [tilespmem:s16+$0xFFFFFFB0];
	[tilespmem:s7+$0xFFFFFFF0] =	vst v4  }
0x3b6: {  	v4 =	vld [tilespmem:s24+$0xFFFFFFB0];
	v8 =	vadd.f32 v11, v10;
	[tilespmem:s7+$0xFFFFFF90] =	vst v12  }
0x3b7: {  	s7 =	sadd.s32 $0x400, s7;
	v10 =	vld [tilespmem:s16+$0xFFFFFFC0];
	v3 =	vmov v6  }
0x3b8: {  	v11 =	vld [tilespmem:s24+$0xFFFFFFC0];
	[tilespmem:s7+$0x0] =	vst v8  }
0x3b9: {  	v5 =	vadd.f32 v5, v9;
	v9 =	vld [tilespmem:s16+$0xFFFFFFD0]  }
0x3ba: {  	v12 =	vld [tilespmem:s24+$0xFFFFFFD0]  }
.Ltmp23:
0x3bb: {  	[tilespmem:s7+$0xFFFFFFA0] =	vst v5;
	v5 =	vadd.f32 v4, v7;
	v4 =	vld [tilespmem:s16+$0xFFFFFFE0];
	(pc) =	sbr.rel @p0 .LBB2_45-.Ltmp23, $4  }
0x3bc: {  	v6 =	vld [tilespmem:s24+$0xFFFFFFE0]  }
0x3bd: {  	[tilespmem:s7+$0xFFFFFFB0] =	vst v5;
	v10 =	vadd.f32 v11, v10;
	v5 =	vld [tilespmem:s16+$0xFFFFFFF0]  }
0x3be: {  	v7 =	vld [tilespmem:s24+$0xFFFFFFF0]  }
0x3bf: {  	v8 =	vld [tilespmem:s16+$0xFFFFFF90];
	[tilespmem:s7+$0xFFFFFFC0] =	vst v10;
	v9 =	vadd.f32 v12, v9;
	s16 =	sadd.s32 $0x400, s16  }
0x3c0: {  	_ =	sdelay $0x1  }
0x3c1: {  	v4 =	vadd.f32 v6, v4  }
0x3c2: {  	[tilespmem:s7+$0xFFFFFFD0] =	vst v9;
	v5 =	vadd.f32 v7, v5  }
0x3c3: {  	[tilespmem:s7+$0xFFFFFFE0] =	vst v4;
	v3 =	vadd.f32 v3, v8  }
0x3c4: {  	[tilespmem:s7+$0xFFFFFFF0] =	vst v5  }
0x3c5: {  	[tilespmem:s7+$0xFFFFFF90] =	vst v3  }
0x3c6: {  	v4 =	vld [tilespmem:s4+$0x0]  }
0x3c7: {  	v5 =	vld [tilespmem:s8+$0x0]  }
0x3c8: {  	v3 =	vld [tilespmem:s8+$0xFFFFFF90]  }
0x3c9: {  	v6 =	vld [tilespmem:s4+$0xFFFFFFA0]  }
0x3ca: {  	v7 =	vld [tilespmem:s8+$0xFFFFFFA0]  }
0x3cb: {  	v8 =	vld [tilespmem:s4+$0xFFFFFFB0]  }
0x3cc: {  	v9 =	vld [tilespmem:s8+$0xFFFFFFB0]  }
0x3cd: {  	v10 =	vld [tilespmem:s4+$0xFFFFFFC0]  }
0x3ce: {  	v11 =	vld [tilespmem:s8+$0xFFFFFFC0]  }
0x3cf: {  	v12 =	vld [tilespmem:s4+$0xFFFFFFD0]  }
0x3d0: {  	v13 =	vld [tilespmem:s8+$0xFFFFFFD0];
	v5 =	vadd.f32 v5, v4  }
0x3d1: {  	v7 =	vadd.f32 v7, v6;
	v4 =	vld [tilespmem:s4+$0xFFFFFFE0]  }
0x3d2: {  	v8 =	vadd.f32 v9, v8;
	v6 =	vld [tilespmem:s8+$0xFFFFFFE0];
	[tilespmem:s17+$0x0] =	vst v5  }
0x3d3: {  	v9 =	vadd.f32 v11, v10;
	[tilespmem:s17+$0xFFFFFFA0] =	vst v7;
	v5 =	vld [tilespmem:s4+$0xFFFFFFF0]  }
0x3d4: {  	s16 =	simm.s32 $0x0;
	s24 =	simm.s32 $0x105F0;
	[tilespmem:s17+$0xFFFFFFB0] =	vst v8;
	v7 =	vld [tilespmem:s8+$0xFFFFFFF0]  }
0x3d5: {  	s25 =	simm.s32 $0xC5F0;
	s7 =	simm.s32 $0x145F0;
	v8 =	vld [tilespmem:s4+$0xFFFFFF90];
	[tilespmem:s17+$0xFFFFFFC0] =	vst v9;
	v9 =	vadd.f32 v13, v12;
	s4 =	simm.s32 $0xC970  }
.LBB2_47:
0x3d6: {  	v10 =	vld [tilespmem:s4+$0x0];
	s8 =	sadd.s32 $0x400, s8  }
0x3d7: {  	s16 =	sadd.s32 $0x80, s16;
	v11 =	vld [tilespmem:s8+$0x0];
	[tilespmem:s17+$0xFFFFFFD0] =	vst v9;
	v4 =	vadd.f32 v6, v4  }
0x3d8: {  	p0 =	slt.u32 s16, $0x380;
	v6 =	vld [tilespmem:s8+$0xFFFFFF90]  }
0x3d9: {  	v9 =	vld [tilespmem:s4+$0xFFFFFFA0];
	[tilespmem:s17+$0xFFFFFFE0] =	vst v4;
	v4 =	vadd.f32 v7, v5  }
0x3da: {  	v5 =	vld [tilespmem:s8+$0xFFFFFFA0];
	v12 =	vadd.f32 v3, v8  }
0x3db: {  	v7 =	vld [tilespmem:s4+$0xFFFFFFB0];
	[tilespmem:s17+$0xFFFFFFF0] =	vst v4  }
0x3dc: {  	v4 =	vld [tilespmem:s8+$0xFFFFFFB0];
	v8 =	vadd.f32 v11, v10;
	[tilespmem:s17+$0xFFFFFF90] =	vst v12  }
0x3dd: {  	s17 =	sadd.s32 $0x400, s17;
	v10 =	vld [tilespmem:s4+$0xFFFFFFC0];
	v3 =	vmov v6  }
0x3de: {  	v11 =	vld [tilespmem:s8+$0xFFFFFFC0];
	[tilespmem:s17+$0x0] =	vst v8  }
0x3df: {  	v5 =	vadd.f32 v5, v9;
	v9 =	vld [tilespmem:s4+$0xFFFFFFD0]  }
0x3e0: {  	v12 =	vld [tilespmem:s8+$0xFFFFFFD0]  }
.Ltmp24:
0x3e1: {  	[tilespmem:s17+$0xFFFFFFA0] =	vst v5;
	v5 =	vadd.f32 v4, v7;
	v4 =	vld [tilespmem:s4+$0xFFFFFFE0];
	(pc) =	sbr.rel @p0 .LBB2_47-.Ltmp24, $4  }
0x3e2: {  	v6 =	vld [tilespmem:s8+$0xFFFFFFE0]  }
0x3e3: {  	[tilespmem:s17+$0xFFFFFFB0] =	vst v5;
	v10 =	vadd.f32 v11, v10;
	v5 =	vld [tilespmem:s4+$0xFFFFFFF0]  }
0x3e4: {  	v7 =	vld [tilespmem:s8+$0xFFFFFFF0]  }
0x3e5: {  	v8 =	vld [tilespmem:s4+$0xFFFFFF90];
	[tilespmem:s17+$0xFFFFFFC0] =	vst v10;
	v9 =	vadd.f32 v12, v9;
	s4 =	sadd.s32 $0x400, s4  }
0x3e6: {  	_ =	sdelay $0x1  }
0x3e7: {  	v4 =	vadd.f32 v6, v4  }
0x3e8: {  	[tilespmem:s17+$0xFFFFFFD0] =	vst v9;
	v5 =	vadd.f32 v7, v5  }
0x3e9: {  	[tilespmem:s17+$0xFFFFFFE0] =	vst v4;
	v3 =	vadd.f32 v3, v8  }
0x3ea: {  	[tilespmem:s17+$0xFFFFFFF0] =	vst v5  }
0x3eb: {  	[tilespmem:s17+$0xFFFFFF90] =	vst v3  }
0x3ec: {  	v4 =	vld [tilespmem:s25+$0x0]  }
0x3ed: {  	v5 =	vld [tilespmem:s24+$0x0]  }
0x3ee: {  	v3 =	vld [tilespmem:s24+$0xFFFFFF90]  }
0x3ef: {  	v6 =	vld [tilespmem:s25+$0xFFFFFFA0]  }
0x3f0: {  	v7 =	vld [tilespmem:s24+$0xFFFFFFA0]  }
0x3f1: {  	v8 =	vld [tilespmem:s25+$0xFFFFFFB0]  }
0x3f2: {  	v9 =	vld [tilespmem:s24+$0xFFFFFFB0]  }
0x3f3: {  	v10 =	vld [tilespmem:s25+$0xFFFFFFC0]  }
0x3f4: {  	v11 =	vld [tilespmem:s24+$0xFFFFFFC0]  }
0x3f5: {  	v12 =	vld [tilespmem:s25+$0xFFFFFFD0]  }
0x3f6: {  	v13 =	vld [tilespmem:s24+$0xFFFFFFD0];
	v5 =	vadd.f32 v5, v4  }
0x3f7: {  	v7 =	vadd.f32 v7, v6;
	v4 =	vld [tilespmem:s25+$0xFFFFFFE0]  }
0x3f8: {  	v8 =	vadd.f32 v9, v8;
	v6 =	vld [tilespmem:s24+$0xFFFFFFE0];
	[tilespmem:s7+$0x0] =	vst v5  }
0x3f9: {  	v9 =	vadd.f32 v11, v10;
	[tilespmem:s7+$0xFFFFFFA0] =	vst v7;
	v5 =	vld [tilespmem:s25+$0xFFFFFFF0]  }
0x3fa: {  	s4 =	simm.s32 $0x0;
	s16 =	simm.s32 $0xE270;
	[tilespmem:s7+$0xFFFFFFB0] =	vst v8;
	v7 =	vld [tilespmem:s24+$0xFFFFFFF0]  }
0x3fb: {  	s8 =	simm.s32 $0x12270;
	s17 =	simm.s32 $0x16270;
	v8 =	vld [tilespmem:s25+$0xFFFFFF90];
	[tilespmem:s7+$0xFFFFFFC0] =	vst v9;
	v9 =	vadd.f32 v13, v12;
	s25 =	simm.s32 $0xC9F0  }
.LBB2_49:
0x3fc: {  	v10 =	vld [tilespmem:s25+$0x0];
	s24 =	sadd.s32 $0x400, s24  }
0x3fd: {  	s4 =	sadd.s32 $0x80, s4;
	v11 =	vld [tilespmem:s24+$0x0];
	[tilespmem:s7+$0xFFFFFFD0] =	vst v9;
	v4 =	vadd.f32 v6, v4  }
0x3fe: {  	p0 =	slt.u32 s4, $0x380;
	v6 =	vld [tilespmem:s24+$0xFFFFFF90]  }
0x3ff: {  	v9 =	vld [tilespmem:s25+$0xFFFFFFA0];
	[tilespmem:s7+$0xFFFFFFE0] =	vst v4;
	v4 =	vadd.f32 v7, v5  }
0x400: {  	v5 =	vld [tilespmem:s24+$0xFFFFFFA0];
	v12 =	vadd.f32 v3, v8  }
0x401: {  	v7 =	vld [tilespmem:s25+$0xFFFFFFB0];
	[tilespmem:s7+$0xFFFFFFF0] =	vst v4  }
0x402: {  	v4 =	vld [tilespmem:s24+$0xFFFFFFB0];
	v8 =	vadd.f32 v11, v10;
	[tilespmem:s7+$0xFFFFFF90] =	vst v12  }
0x403: {  	s7 =	sadd.s32 $0x400, s7;
	v10 =	vld [tilespmem:s25+$0xFFFFFFC0];
	v3 =	vmov v6  }
0x404: {  	v11 =	vld [tilespmem:s24+$0xFFFFFFC0];
	[tilespmem:s7+$0x0] =	vst v8  }
0x405: {  	v5 =	vadd.f32 v5, v9;
	v9 =	vld [tilespmem:s25+$0xFFFFFFD0]  }
0x406: {  	v12 =	vld [tilespmem:s24+$0xFFFFFFD0]  }
.Ltmp25:
0x407: {  	[tilespmem:s7+$0xFFFFFFA0] =	vst v5;
	v5 =	vadd.f32 v4, v7;
	v4 =	vld [tilespmem:s25+$0xFFFFFFE0];
	(pc) =	sbr.rel @p0 .LBB2_49-.Ltmp25, $4  }
0x408: {  	v6 =	vld [tilespmem:s24+$0xFFFFFFE0]  }
0x409: {  	[tilespmem:s7+$0xFFFFFFB0] =	vst v5;
	v10 =	vadd.f32 v11, v10;
	v5 =	vld [tilespmem:s25+$0xFFFFFFF0]  }
0x40a: {  	v7 =	vld [tilespmem:s24+$0xFFFFFFF0]  }
0x40b: {  	v8 =	vld [tilespmem:s25+$0xFFFFFF90];
	[tilespmem:s7+$0xFFFFFFC0] =	vst v10;
	v9 =	vadd.f32 v12, v9;
	s25 =	sadd.s32 $0x400, s25  }
0x40c: {  	_ =	sdelay $0x1  }
0x40d: {  	v4 =	vadd.f32 v6, v4  }
0x40e: {  	[tilespmem:s7+$0xFFFFFFD0] =	vst v9;
	v5 =	vadd.f32 v7, v5  }
0x40f: {  	[tilespmem:s7+$0xFFFFFFE0] =	vst v4;
	v3 =	vadd.f32 v3, v8  }
0x410: {  	[tilespmem:s7+$0xFFFFFFF0] =	vst v5  }
0x411: {  	[tilespmem:s7+$0xFFFFFF90] =	vst v3  }
0x412: {  	v4 =	vld [tilespmem:s16+$0x0]  }
0x413: {  	v5 =	vld [tilespmem:s8+$0x0]  }
0x414: {  	v3 =	vld [tilespmem:s8+$0xFFFFFF90]  }
0x415: {  	v6 =	vld [tilespmem:s16+$0xFFFFFFA0]  }
0x416: {  	v7 =	vld [tilespmem:s8+$0xFFFFFFA0]  }
0x417: {  	v8 =	vld [tilespmem:s16+$0xFFFFFFB0]  }
0x418: {  	v9 =	vld [tilespmem:s8+$0xFFFFFFB0]  }
0x419: {  	v10 =	vld [tilespmem:s16+$0xFFFFFFC0]  }
0x41a: {  	v11 =	vld [tilespmem:s8+$0xFFFFFFC0]  }
0x41b: {  	v12 =	vld [tilespmem:s16+$0xFFFFFFD0]  }
0x41c: {  	v13 =	vld [tilespmem:s8+$0xFFFFFFD0];
	v5 =	vadd.f32 v5, v4  }
0x41d: {  	v7 =	vadd.f32 v7, v6;
	v4 =	vld [tilespmem:s16+$0xFFFFFFE0]  }
0x41e: {  	v8 =	vadd.f32 v9, v8;
	v6 =	vld [tilespmem:s8+$0xFFFFFFE0];
	[tilespmem:s17+$0x0] =	vst v5  }
0x41f: {  	v9 =	vadd.f32 v11, v10;
	[tilespmem:s17+$0xFFFFFFA0] =	vst v7;
	v5 =	vld [tilespmem:s16+$0xFFFFFFF0]  }
0x420: {  	s4 =	simm.s32 $0xE2F0;
	s25 =	simm.s32 $0x122F0;
	[tilespmem:s17+$0xFFFFFFB0] =	vst v8;
	v7 =	vld [tilespmem:s8+$0xFFFFFFF0]  }
0x421: {  	s24 =	simm.s32 $0x162F0;
	s7 =	simm.s32 $0x0;
	v8 =	vld [tilespmem:s16+$0xFFFFFF90];
	[tilespmem:s17+$0xFFFFFFC0] =	vst v9;
	v9 =	vadd.f32 v13, v12;
	s16 =	simm.s32 $0xE670  }
.LBB2_51:
0x422: {  	v10 =	vld [tilespmem:s16+$0x0];
	s8 =	sadd.s32 $0x400, s8  }
0x423: {  	s7 =	sadd.s32 $0x80, s7;
	v11 =	vld [tilespmem:s8+$0x0];
	[tilespmem:s17+$0xFFFFFFD0] =	vst v9;
	v4 =	vadd.f32 v6, v4  }
0x424: {  	p0 =	slt.u32 s7, $0x380;
	v6 =	vld [tilespmem:s8+$0xFFFFFF90]  }
0x425: {  	v9 =	vld [tilespmem:s16+$0xFFFFFFA0];
	[tilespmem:s17+$0xFFFFFFE0] =	vst v4;
	v4 =	vadd.f32 v7, v5  }
0x426: {  	v5 =	vld [tilespmem:s8+$0xFFFFFFA0];
	v12 =	vadd.f32 v3, v8  }
0x427: {  	v7 =	vld [tilespmem:s16+$0xFFFFFFB0];
	[tilespmem:s17+$0xFFFFFFF0] =	vst v4  }
0x428: {  	v4 =	vld [tilespmem:s8+$0xFFFFFFB0];
	v8 =	vadd.f32 v11, v10;
	[tilespmem:s17+$0xFFFFFF90] =	vst v12  }
0x429: {  	s17 =	sadd.s32 $0x400, s17;
	v10 =	vld [tilespmem:s16+$0xFFFFFFC0];
	v3 =	vmov v6  }
0x42a: {  	v11 =	vld [tilespmem:s8+$0xFFFFFFC0];
	[tilespmem:s17+$0x0] =	vst v8  }
0x42b: {  	v5 =	vadd.f32 v5, v9;
	v9 =	vld [tilespmem:s16+$0xFFFFFFD0]  }
0x42c: {  	v12 =	vld [tilespmem:s8+$0xFFFFFFD0]  }
.Ltmp26:
0x42d: {  	[tilespmem:s17+$0xFFFFFFA0] =	vst v5;
	v5 =	vadd.f32 v4, v7;
	v4 =	vld [tilespmem:s16+$0xFFFFFFE0];
	(pc) =	sbr.rel @p0 .LBB2_51-.Ltmp26, $4  }
0x42e: {  	v6 =	vld [tilespmem:s8+$0xFFFFFFE0]  }
0x42f: {  	[tilespmem:s17+$0xFFFFFFB0] =	vst v5;
	v10 =	vadd.f32 v11, v10;
	v5 =	vld [tilespmem:s16+$0xFFFFFFF0]  }
0x430: {  	v7 =	vld [tilespmem:s8+$0xFFFFFFF0]  }
0x431: {  	v8 =	vld [tilespmem:s16+$0xFFFFFF90];
	[tilespmem:s17+$0xFFFFFFC0] =	vst v10;
	v9 =	vadd.f32 v12, v9;
	s16 =	sadd.s32 $0x400, s16  }
0x432: {  	_ =	sdelay $0x1  }
0x433: {  	v4 =	vadd.f32 v6, v4  }
0x434: {  	[tilespmem:s17+$0xFFFFFFD0] =	vst v9;
	v5 =	vadd.f32 v7, v5  }
0x435: {  	[tilespmem:s17+$0xFFFFFFE0] =	vst v4;
	v3 =	vadd.f32 v3, v8  }
0x436: {  	[tilespmem:s17+$0xFFFFFFF0] =	vst v5  }
0x437: {  	[tilespmem:s17+$0xFFFFFF90] =	vst v3  }
0x438: {  	v4 =	vld [tilespmem:s4+$0x0]  }
0x439: {  	v5 =	vld [tilespmem:s25+$0x0]  }
0x43a: {  	v3 =	vld [tilespmem:s25+$0xFFFFFF90]  }
0x43b: {  	v6 =	vld [tilespmem:s4+$0xFFFFFFA0]  }
0x43c: {  	v7 =	vld [tilespmem:s25+$0xFFFFFFA0]  }
0x43d: {  	v8 =	vld [tilespmem:s4+$0xFFFFFFB0]  }
0x43e: {  	v9 =	vld [tilespmem:s25+$0xFFFFFFB0]  }
0x43f: {  	v10 =	vld [tilespmem:s4+$0xFFFFFFC0]  }
0x440: {  	v11 =	vld [tilespmem:s25+$0xFFFFFFC0]  }
0x441: {  	v12 =	vld [tilespmem:s4+$0xFFFFFFD0]  }
0x442: {  	v13 =	vld [tilespmem:s25+$0xFFFFFFD0];
	v5 =	vadd.f32 v5, v4  }
0x443: {  	v7 =	vadd.f32 v7, v6;
	v4 =	vld [tilespmem:s4+$0xFFFFFFE0]  }
0x444: {  	v8 =	vadd.f32 v9, v8;
	v6 =	vld [tilespmem:s25+$0xFFFFFFE0];
	[tilespmem:s24+$0x0] =	vst v5  }
0x445: {  	v9 =	vadd.f32 v11, v10;
	[tilespmem:s24+$0xFFFFFFA0] =	vst v7;
	v5 =	vld [tilespmem:s4+$0xFFFFFFF0]  }
0x446: {  	s7 =	simm.s32 $0x16370;
	s16 =	simm.s32 $0xE370;
	[tilespmem:s24+$0xFFFFFFB0] =	vst v8;
	v7 =	vld [tilespmem:s25+$0xFFFFFFF0]  }
0x447: {  	s8 =	simm.s32 $0x12370;
	s17 =	simm.s32 $0x0;
	v8 =	vld [tilespmem:s4+$0xFFFFFF90];
	[tilespmem:s24+$0xFFFFFFC0] =	vst v9;
	v9 =	vadd.f32 v13, v12;
	s4 =	simm.s32 $0xE6F0  }
.LBB2_53:
0x448: {  	v10 =	vld [tilespmem:s4+$0x0];
	s25 =	sadd.s32 $0x400, s25  }
0x449: {  	s17 =	sadd.s32 $0x80, s17;
	v11 =	vld [tilespmem:s25+$0x0];
	[tilespmem:s24+$0xFFFFFFD0] =	vst v9;
	v4 =	vadd.f32 v6, v4  }
0x44a: {  	p0 =	slt.u32 s17, $0x380;
	v6 =	vld [tilespmem:s25+$0xFFFFFF90]  }
0x44b: {  	v9 =	vld [tilespmem:s4+$0xFFFFFFA0];
	[tilespmem:s24+$0xFFFFFFE0] =	vst v4;
	v4 =	vadd.f32 v7, v5  }
0x44c: {  	v5 =	vld [tilespmem:s25+$0xFFFFFFA0];
	v12 =	vadd.f32 v3, v8  }
0x44d: {  	v7 =	vld [tilespmem:s4+$0xFFFFFFB0];
	[tilespmem:s24+$0xFFFFFFF0] =	vst v4  }
0x44e: {  	v4 =	vld [tilespmem:s25+$0xFFFFFFB0];
	v8 =	vadd.f32 v11, v10;
	[tilespmem:s24+$0xFFFFFF90] =	vst v12  }
0x44f: {  	s24 =	sadd.s32 $0x400, s24;
	v10 =	vld [tilespmem:s4+$0xFFFFFFC0];
	v3 =	vmov v6  }
0x450: {  	v11 =	vld [tilespmem:s25+$0xFFFFFFC0];
	[tilespmem:s24+$0x0] =	vst v8  }
0x451: {  	v5 =	vadd.f32 v5, v9;
	v9 =	vld [tilespmem:s4+$0xFFFFFFD0]  }
0x452: {  	v12 =	vld [tilespmem:s25+$0xFFFFFFD0]  }
.Ltmp27:
0x453: {  	[tilespmem:s24+$0xFFFFFFA0] =	vst v5;
	v5 =	vadd.f32 v4, v7;
	v4 =	vld [tilespmem:s4+$0xFFFFFFE0];
	(pc) =	sbr.rel @p0 .LBB2_53-.Ltmp27, $4  }
0x454: {  	v6 =	vld [tilespmem:s25+$0xFFFFFFE0]  }
0x455: {  	[tilespmem:s24+$0xFFFFFFB0] =	vst v5;
	v10 =	vadd.f32 v11, v10;
	v5 =	vld [tilespmem:s4+$0xFFFFFFF0]  }
0x456: {  	v7 =	vld [tilespmem:s25+$0xFFFFFFF0]  }
0x457: {  	v8 =	vld [tilespmem:s4+$0xFFFFFF90];
	[tilespmem:s24+$0xFFFFFFC0] =	vst v10;
	v9 =	vadd.f32 v12, v9;
	s4 =	sadd.s32 $0x400, s4  }
0x458: {  	_ =	sdelay $0x1  }
0x459: {  	v4 =	vadd.f32 v6, v4  }
0x45a: {  	[tilespmem:s24+$0xFFFFFFD0] =	vst v9;
	v5 =	vadd.f32 v7, v5  }
0x45b: {  	[tilespmem:s24+$0xFFFFFFE0] =	vst v4;
	v3 =	vadd.f32 v3, v8  }
0x45c: {  	[tilespmem:s24+$0xFFFFFFF0] =	vst v5  }
0x45d: {  	[tilespmem:s24+$0xFFFFFF90] =	vst v3  }
0x45e: {  	v4 =	vld [tilespmem:s16+$0x0]  }
0x45f: {  	v5 =	vld [tilespmem:s8+$0x0]  }
0x460: {  	v3 =	vld [tilespmem:s8+$0xFFFFFF90]  }
0x461: {  	v6 =	vld [tilespmem:s16+$0xFFFFFFA0]  }
0x462: {  	v7 =	vld [tilespmem:s8+$0xFFFFFFA0]  }
0x463: {  	v8 =	vld [tilespmem:s16+$0xFFFFFFB0]  }
0x464: {  	v9 =	vld [tilespmem:s8+$0xFFFFFFB0]  }
0x465: {  	v10 =	vld [tilespmem:s16+$0xFFFFFFC0]  }
0x466: {  	v11 =	vld [tilespmem:s8+$0xFFFFFFC0]  }
0x467: {  	v12 =	vld [tilespmem:s16+$0xFFFFFFD0]  }
0x468: {  	v13 =	vld [tilespmem:s8+$0xFFFFFFD0];
	v5 =	vadd.f32 v5, v4  }
0x469: {  	v7 =	vadd.f32 v7, v6;
	v4 =	vld [tilespmem:s16+$0xFFFFFFE0]  }
0x46a: {  	v8 =	vadd.f32 v9, v8;
	v6 =	vld [tilespmem:s8+$0xFFFFFFE0];
	[tilespmem:s7+$0x0] =	vst v5  }
0x46b: {  	v9 =	vadd.f32 v11, v10;
	[tilespmem:s7+$0xFFFFFFA0] =	vst v7;
	v5 =	vld [tilespmem:s16+$0xFFFFFFF0]  }
0x46c: {  	s25 =	simm.s32 $0x0;
	s4 =	simm.s32 $0xE3F0;
	[tilespmem:s7+$0xFFFFFFB0] =	vst v8;
	v7 =	vld [tilespmem:s8+$0xFFFFFFF0]  }
0x46d: {  	s17 =	simm.s32 $0x163F0;
	s24 =	simm.s32 $0x123F0;
	v8 =	vld [tilespmem:s16+$0xFFFFFF90];
	[tilespmem:s7+$0xFFFFFFC0] =	vst v9;
	v9 =	vadd.f32 v13, v12;
	s16 =	simm.s32 $0xE770  }
.LBB2_55:
0x46e: {  	v10 =	vld [tilespmem:s16+$0x0];
	s8 =	sadd.s32 $0x400, s8  }
0x46f: {  	s25 =	sadd.s32 $0x80, s25;
	v11 =	vld [tilespmem:s8+$0x0];
	[tilespmem:s7+$0xFFFFFFD0] =	vst v9;
	v4 =	vadd.f32 v6, v4  }
0x470: {  	p0 =	slt.u32 s25, $0x380;
	v6 =	vld [tilespmem:s8+$0xFFFFFF90]  }
0x471: {  	v9 =	vld [tilespmem:s16+$0xFFFFFFA0];
	[tilespmem:s7+$0xFFFFFFE0] =	vst v4;
	v4 =	vadd.f32 v7, v5  }
0x472: {  	v5 =	vld [tilespmem:s8+$0xFFFFFFA0];
	v12 =	vadd.f32 v3, v8  }
0x473: {  	v7 =	vld [tilespmem:s16+$0xFFFFFFB0];
	[tilespmem:s7+$0xFFFFFFF0] =	vst v4  }
0x474: {  	v4 =	vld [tilespmem:s8+$0xFFFFFFB0];
	v8 =	vadd.f32 v11, v10;
	[tilespmem:s7+$0xFFFFFF90] =	vst v12  }
0x475: {  	s7 =	sadd.s32 $0x400, s7;
	v10 =	vld [tilespmem:s16+$0xFFFFFFC0];
	v3 =	vmov v6  }
0x476: {  	v11 =	vld [tilespmem:s8+$0xFFFFFFC0];
	[tilespmem:s7+$0x0] =	vst v8  }
0x477: {  	v5 =	vadd.f32 v5, v9;
	v9 =	vld [tilespmem:s16+$0xFFFFFFD0]  }
0x478: {  	v12 =	vld [tilespmem:s8+$0xFFFFFFD0]  }
.Ltmp28:
0x479: {  	[tilespmem:s7+$0xFFFFFFA0] =	vst v5;
	v5 =	vadd.f32 v4, v7;
	v4 =	vld [tilespmem:s16+$0xFFFFFFE0];
	(pc) =	sbr.rel @p0 .LBB2_55-.Ltmp28, $4  }
0x47a: {  	v6 =	vld [tilespmem:s8+$0xFFFFFFE0]  }
0x47b: {  	[tilespmem:s7+$0xFFFFFFB0] =	vst v5;
	v10 =	vadd.f32 v11, v10;
	v5 =	vld [tilespmem:s16+$0xFFFFFFF0]  }
0x47c: {  	v7 =	vld [tilespmem:s8+$0xFFFFFFF0]  }
0x47d: {  	v8 =	vld [tilespmem:s16+$0xFFFFFF90];
	[tilespmem:s7+$0xFFFFFFC0] =	vst v10;
	v9 =	vadd.f32 v12, v9;
	s16 =	sadd.s32 $0x400, s16  }
0x47e: {  	_ =	sdelay $0x1  }
0x47f: {  	v4 =	vadd.f32 v6, v4  }
0x480: {  	[tilespmem:s7+$0xFFFFFFD0] =	vst v9;
	v5 =	vadd.f32 v7, v5  }
0x481: {  	[tilespmem:s7+$0xFFFFFFE0] =	vst v4;
	v3 =	vadd.f32 v3, v8  }
0x482: {  	[tilespmem:s7+$0xFFFFFFF0] =	vst v5  }
0x483: {  	[tilespmem:s7+$0xFFFFFF90] =	vst v3  }
0x484: {  	v4 =	vld [tilespmem:s4+$0x0]  }
0x485: {  	v5 =	vld [tilespmem:s24+$0x0]  }
0x486: {  	v3 =	vld [tilespmem:s24+$0xFFFFFF90]  }
0x487: {  	v6 =	vld [tilespmem:s4+$0xFFFFFFA0]  }
0x488: {  	v7 =	vld [tilespmem:s24+$0xFFFFFFA0]  }
0x489: {  	v8 =	vld [tilespmem:s4+$0xFFFFFFB0]  }
0x48a: {  	v9 =	vld [tilespmem:s24+$0xFFFFFFB0]  }
0x48b: {  	v10 =	vld [tilespmem:s4+$0xFFFFFFC0]  }
0x48c: {  	v11 =	vld [tilespmem:s24+$0xFFFFFFC0]  }
0x48d: {  	v12 =	vld [tilespmem:s4+$0xFFFFFFD0]  }
0x48e: {  	v13 =	vld [tilespmem:s24+$0xFFFFFFD0];
	v5 =	vadd.f32 v5, v4  }
0x48f: {  	v7 =	vadd.f32 v7, v6;
	v4 =	vld [tilespmem:s4+$0xFFFFFFE0]  }
0x490: {  	v8 =	vadd.f32 v9, v8;
	v6 =	vld [tilespmem:s24+$0xFFFFFFE0];
	[tilespmem:s17+$0x0] =	vst v5  }
0x491: {  	v9 =	vadd.f32 v11, v10;
	[tilespmem:s17+$0xFFFFFFA0] =	vst v7;
	v5 =	vld [tilespmem:s4+$0xFFFFFFF0]  }
0x492: {  	s25 =	simm.s32 $0x0;
	s16 =	simm.s32 $0xE470;
	[tilespmem:s17+$0xFFFFFFB0] =	vst v8;
	v7 =	vld [tilespmem:s24+$0xFFFFFFF0]  }
0x493: {  	s8 =	simm.s32 $0x12470;
	s7 =	simm.s32 $0x16470;
	v8 =	vld [tilespmem:s4+$0xFFFFFF90];
	[tilespmem:s17+$0xFFFFFFC0] =	vst v9;
	v9 =	vadd.f32 v13, v12;
	s4 =	simm.s32 $0xE7F0  }
.LBB2_57:
0x494: {  	v10 =	vld [tilespmem:s4+$0x0];
	s24 =	sadd.s32 $0x400, s24  }
0x495: {  	s25 =	sadd.s32 $0x80, s25;
	v11 =	vld [tilespmem:s24+$0x0];
	[tilespmem:s17+$0xFFFFFFD0] =	vst v9;
	v4 =	vadd.f32 v6, v4  }
0x496: {  	p0 =	slt.u32 s25, $0x380;
	v6 =	vld [tilespmem:s24+$0xFFFFFF90]  }
0x497: {  	v9 =	vld [tilespmem:s4+$0xFFFFFFA0];
	[tilespmem:s17+$0xFFFFFFE0] =	vst v4;
	v4 =	vadd.f32 v7, v5  }
0x498: {  	v5 =	vld [tilespmem:s24+$0xFFFFFFA0];
	v12 =	vadd.f32 v3, v8  }
0x499: {  	v7 =	vld [tilespmem:s4+$0xFFFFFFB0];
	[tilespmem:s17+$0xFFFFFFF0] =	vst v4  }
0x49a: {  	v4 =	vld [tilespmem:s24+$0xFFFFFFB0];
	v8 =	vadd.f32 v11, v10;
	[tilespmem:s17+$0xFFFFFF90] =	vst v12  }
0x49b: {  	s17 =	sadd.s32 $0x400, s17;
	v10 =	vld [tilespmem:s4+$0xFFFFFFC0];
	v3 =	vmov v6  }
0x49c: {  	v11 =	vld [tilespmem:s24+$0xFFFFFFC0];
	[tilespmem:s17+$0x0] =	vst v8  }
0x49d: {  	v5 =	vadd.f32 v5, v9;
	v9 =	vld [tilespmem:s4+$0xFFFFFFD0]  }
0x49e: {  	v12 =	vld [tilespmem:s24+$0xFFFFFFD0]  }
.Ltmp29:
0x49f: {  	[tilespmem:s17+$0xFFFFFFA0] =	vst v5;
	v5 =	vadd.f32 v4, v7;
	v4 =	vld [tilespmem:s4+$0xFFFFFFE0];
	(pc) =	sbr.rel @p0 .LBB2_57-.Ltmp29, $4  }
0x4a0: {  	v6 =	vld [tilespmem:s24+$0xFFFFFFE0]  }
0x4a1: {  	[tilespmem:s17+$0xFFFFFFB0] =	vst v5;
	v10 =	vadd.f32 v11, v10;
	v5 =	vld [tilespmem:s4+$0xFFFFFFF0]  }
0x4a2: {  	v7 =	vld [tilespmem:s24+$0xFFFFFFF0]  }
0x4a3: {  	v8 =	vld [tilespmem:s4+$0xFFFFFF90];
	[tilespmem:s17+$0xFFFFFFC0] =	vst v10;
	v9 =	vadd.f32 v12, v9;
	s4 =	sadd.s32 $0x400, s4  }
0x4a4: {  	_ =	sdelay $0x1  }
0x4a5: {  	v4 =	vadd.f32 v6, v4  }
0x4a6: {  	[tilespmem:s17+$0xFFFFFFD0] =	vst v9;
	v5 =	vadd.f32 v7, v5  }
0x4a7: {  	[tilespmem:s17+$0xFFFFFFE0] =	vst v4;
	v3 =	vadd.f32 v3, v8  }
0x4a8: {  	[tilespmem:s17+$0xFFFFFFF0] =	vst v5  }
0x4a9: {  	[tilespmem:s17+$0xFFFFFF90] =	vst v3  }
0x4aa: {  	v4 =	vld [tilespmem:s16+$0x0]  }
0x4ab: {  	v5 =	vld [tilespmem:s8+$0x0]  }
0x4ac: {  	v3 =	vld [tilespmem:s8+$0xFFFFFF90]  }
0x4ad: {  	v6 =	vld [tilespmem:s16+$0xFFFFFFA0]  }
0x4ae: {  	v7 =	vld [tilespmem:s8+$0xFFFFFFA0]  }
0x4af: {  	v8 =	vld [tilespmem:s16+$0xFFFFFFB0]  }
0x4b0: {  	v9 =	vld [tilespmem:s8+$0xFFFFFFB0]  }
0x4b1: {  	v10 =	vld [tilespmem:s16+$0xFFFFFFC0]  }
0x4b2: {  	v11 =	vld [tilespmem:s8+$0xFFFFFFC0]  }
0x4b3: {  	v12 =	vld [tilespmem:s16+$0xFFFFFFD0]  }
0x4b4: {  	v13 =	vld [tilespmem:s8+$0xFFFFFFD0];
	v5 =	vadd.f32 v5, v4  }
0x4b5: {  	v7 =	vadd.f32 v7, v6;
	v4 =	vld [tilespmem:s16+$0xFFFFFFE0]  }
0x4b6: {  	v8 =	vadd.f32 v9, v8;
	v6 =	vld [tilespmem:s8+$0xFFFFFFE0];
	[tilespmem:s7+$0x0] =	vst v5  }
0x4b7: {  	v9 =	vadd.f32 v11, v10;
	[tilespmem:s7+$0xFFFFFFA0] =	vst v7;
	v5 =	vld [tilespmem:s16+$0xFFFFFFF0]  }
0x4b8: {  	s25 =	simm.s32 $0x0;
	s4 =	simm.s32 $0xE4F0;
	[tilespmem:s7+$0xFFFFFFB0] =	vst v8;
	v7 =	vld [tilespmem:s8+$0xFFFFFFF0]  }
0x4b9: {  	s24 =	simm.s32 $0x124F0;
	s17 =	simm.s32 $0x164F0;
	v8 =	vld [tilespmem:s16+$0xFFFFFF90];
	[tilespmem:s7+$0xFFFFFFC0] =	vst v9;
	v9 =	vadd.f32 v13, v12;
	s16 =	simm.s32 $0xE870  }
.LBB2_59:
0x4ba: {  	v10 =	vld [tilespmem:s16+$0x0];
	s8 =	sadd.s32 $0x400, s8  }
0x4bb: {  	s25 =	sadd.s32 $0x80, s25;
	v11 =	vld [tilespmem:s8+$0x0];
	[tilespmem:s7+$0xFFFFFFD0] =	vst v9;
	v4 =	vadd.f32 v6, v4  }
0x4bc: {  	p0 =	slt.u32 s25, $0x380;
	v6 =	vld [tilespmem:s8+$0xFFFFFF90]  }
0x4bd: {  	v9 =	vld [tilespmem:s16+$0xFFFFFFA0];
	[tilespmem:s7+$0xFFFFFFE0] =	vst v4;
	v4 =	vadd.f32 v7, v5  }
0x4be: {  	v5 =	vld [tilespmem:s8+$0xFFFFFFA0];
	v12 =	vadd.f32 v3, v8  }
0x4bf: {  	v7 =	vld [tilespmem:s16+$0xFFFFFFB0];
	[tilespmem:s7+$0xFFFFFFF0] =	vst v4  }
0x4c0: {  	v4 =	vld [tilespmem:s8+$0xFFFFFFB0];
	v8 =	vadd.f32 v11, v10;
	[tilespmem:s7+$0xFFFFFF90] =	vst v12  }
0x4c1: {  	s7 =	sadd.s32 $0x400, s7;
	v10 =	vld [tilespmem:s16+$0xFFFFFFC0];
	v3 =	vmov v6  }
0x4c2: {  	v11 =	vld [tilespmem:s8+$0xFFFFFFC0];
	[tilespmem:s7+$0x0] =	vst v8  }
0x4c3: {  	v5 =	vadd.f32 v5, v9;
	v9 =	vld [tilespmem:s16+$0xFFFFFFD0]  }
0x4c4: {  	v12 =	vld [tilespmem:s8+$0xFFFFFFD0]  }
.Ltmp30:
0x4c5: {  	[tilespmem:s7+$0xFFFFFFA0] =	vst v5;
	v5 =	vadd.f32 v4, v7;
	v4 =	vld [tilespmem:s16+$0xFFFFFFE0];
	(pc) =	sbr.rel @p0 .LBB2_59-.Ltmp30, $4  }
0x4c6: {  	v6 =	vld [tilespmem:s8+$0xFFFFFFE0]  }
0x4c7: {  	[tilespmem:s7+$0xFFFFFFB0] =	vst v5;
	v10 =	vadd.f32 v11, v10;
	v5 =	vld [tilespmem:s16+$0xFFFFFFF0]  }
0x4c8: {  	v7 =	vld [tilespmem:s8+$0xFFFFFFF0]  }
0x4c9: {  	v8 =	vld [tilespmem:s16+$0xFFFFFF90];
	[tilespmem:s7+$0xFFFFFFC0] =	vst v10;
	v9 =	vadd.f32 v12, v9;
	s16 =	sadd.s32 $0x400, s16  }
0x4ca: {  	_ =	sdelay $0x1  }
0x4cb: {  	v4 =	vadd.f32 v6, v4  }
0x4cc: {  	[tilespmem:s7+$0xFFFFFFD0] =	vst v9;
	v5 =	vadd.f32 v7, v5  }
0x4cd: {  	[tilespmem:s7+$0xFFFFFFE0] =	vst v4;
	v3 =	vadd.f32 v3, v8  }
0x4ce: {  	[tilespmem:s7+$0xFFFFFFF0] =	vst v5  }
0x4cf: {  	[tilespmem:s7+$0xFFFFFF90] =	vst v3  }
0x4d0: {  	v4 =	vld [tilespmem:s4+$0x0]  }
0x4d1: {  	v5 =	vld [tilespmem:s24+$0x0]  }
0x4d2: {  	v3 =	vld [tilespmem:s24+$0xFFFFFF90]  }
0x4d3: {  	v6 =	vld [tilespmem:s4+$0xFFFFFFA0]  }
0x4d4: {  	v7 =	vld [tilespmem:s24+$0xFFFFFFA0]  }
0x4d5: {  	v8 =	vld [tilespmem:s4+$0xFFFFFFB0]  }
0x4d6: {  	v9 =	vld [tilespmem:s24+$0xFFFFFFB0]  }
0x4d7: {  	v10 =	vld [tilespmem:s4+$0xFFFFFFC0]  }
0x4d8: {  	v11 =	vld [tilespmem:s24+$0xFFFFFFC0]  }
0x4d9: {  	v12 =	vld [tilespmem:s4+$0xFFFFFFD0]  }
0x4da: {  	v13 =	vld [tilespmem:s24+$0xFFFFFFD0];
	v5 =	vadd.f32 v5, v4  }
0x4db: {  	v7 =	vadd.f32 v7, v6;
	v4 =	vld [tilespmem:s4+$0xFFFFFFE0]  }
0x4dc: {  	v8 =	vadd.f32 v9, v8;
	v6 =	vld [tilespmem:s24+$0xFFFFFFE0];
	[tilespmem:s17+$0x0] =	vst v5  }
0x4dd: {  	v9 =	vadd.f32 v11, v10;
	[tilespmem:s17+$0xFFFFFFA0] =	vst v7;
	v5 =	vld [tilespmem:s4+$0xFFFFFFF0]  }
0x4de: {  	s25 =	simm.s32 $0x0;
	s16 =	simm.s32 $0xE570;
	[tilespmem:s17+$0xFFFFFFB0] =	vst v8;
	v7 =	vld [tilespmem:s24+$0xFFFFFFF0]  }
0x4df: {  	s8 =	simm.s32 $0x12570;
	s7 =	simm.s32 $0x16570;
	v8 =	vld [tilespmem:s4+$0xFFFFFF90];
	[tilespmem:s17+$0xFFFFFFC0] =	vst v9;
	v9 =	vadd.f32 v13, v12;
	s4 =	simm.s32 $0xE8F0  }
.LBB2_61:
0x4e0: {  	v10 =	vld [tilespmem:s4+$0x0];
	s24 =	sadd.s32 $0x400, s24  }
0x4e1: {  	s25 =	sadd.s32 $0x80, s25;
	v11 =	vld [tilespmem:s24+$0x0];
	[tilespmem:s17+$0xFFFFFFD0] =	vst v9;
	v4 =	vadd.f32 v6, v4  }
0x4e2: {  	p0 =	slt.u32 s25, $0x380;
	v6 =	vld [tilespmem:s24+$0xFFFFFF90]  }
0x4e3: {  	v9 =	vld [tilespmem:s4+$0xFFFFFFA0];
	[tilespmem:s17+$0xFFFFFFE0] =	vst v4;
	v4 =	vadd.f32 v7, v5  }
0x4e4: {  	v5 =	vld [tilespmem:s24+$0xFFFFFFA0];
	v12 =	vadd.f32 v3, v8  }
0x4e5: {  	v7 =	vld [tilespmem:s4+$0xFFFFFFB0];
	[tilespmem:s17+$0xFFFFFFF0] =	vst v4  }
0x4e6: {  	v4 =	vld [tilespmem:s24+$0xFFFFFFB0];
	v8 =	vadd.f32 v11, v10;
	[tilespmem:s17+$0xFFFFFF90] =	vst v12  }
0x4e7: {  	s17 =	sadd.s32 $0x400, s17;
	v10 =	vld [tilespmem:s4+$0xFFFFFFC0];
	v3 =	vmov v6  }
0x4e8: {  	v11 =	vld [tilespmem:s24+$0xFFFFFFC0];
	[tilespmem:s17+$0x0] =	vst v8  }
0x4e9: {  	v5 =	vadd.f32 v5, v9;
	v9 =	vld [tilespmem:s4+$0xFFFFFFD0]  }
0x4ea: {  	v12 =	vld [tilespmem:s24+$0xFFFFFFD0]  }
.Ltmp31:
0x4eb: {  	[tilespmem:s17+$0xFFFFFFA0] =	vst v5;
	v5 =	vadd.f32 v4, v7;
	v4 =	vld [tilespmem:s4+$0xFFFFFFE0];
	(pc) =	sbr.rel @p0 .LBB2_61-.Ltmp31, $4  }
0x4ec: {  	v6 =	vld [tilespmem:s24+$0xFFFFFFE0]  }
0x4ed: {  	[tilespmem:s17+$0xFFFFFFB0] =	vst v5;
	v10 =	vadd.f32 v11, v10;
	v5 =	vld [tilespmem:s4+$0xFFFFFFF0]  }
0x4ee: {  	v7 =	vld [tilespmem:s24+$0xFFFFFFF0]  }
0x4ef: {  	v8 =	vld [tilespmem:s4+$0xFFFFFF90];
	[tilespmem:s17+$0xFFFFFFC0] =	vst v10;
	v9 =	vadd.f32 v12, v9;
	s4 =	sadd.s32 $0x400, s4  }
0x4f0: {  	_ =	sdelay $0x1  }
0x4f1: {  	v4 =	vadd.f32 v6, v4  }
0x4f2: {  	[tilespmem:s17+$0xFFFFFFD0] =	vst v9;
	v5 =	vadd.f32 v7, v5  }
0x4f3: {  	[tilespmem:s17+$0xFFFFFFE0] =	vst v4;
	v3 =	vadd.f32 v3, v8  }
0x4f4: {  	[tilespmem:s17+$0xFFFFFFF0] =	vst v5  }
0x4f5: {  	[tilespmem:s17+$0xFFFFFF90] =	vst v3  }
0x4f6: {  	v4 =	vld [tilespmem:s16+$0x0]  }
0x4f7: {  	v5 =	vld [tilespmem:s8+$0x0]  }
0x4f8: {  	v3 =	vld [tilespmem:s8+$0xFFFFFF90]  }
0x4f9: {  	v6 =	vld [tilespmem:s16+$0xFFFFFFA0]  }
0x4fa: {  	v7 =	vld [tilespmem:s8+$0xFFFFFFA0]  }
0x4fb: {  	v8 =	vld [tilespmem:s16+$0xFFFFFFB0]  }
0x4fc: {  	v9 =	vld [tilespmem:s8+$0xFFFFFFB0]  }
0x4fd: {  	v10 =	vld [tilespmem:s16+$0xFFFFFFC0]  }
0x4fe: {  	v11 =	vld [tilespmem:s8+$0xFFFFFFC0]  }
0x4ff: {  	v12 =	vld [tilespmem:s16+$0xFFFFFFD0]  }
0x500: {  	v13 =	vld [tilespmem:s8+$0xFFFFFFD0];
	v5 =	vadd.f32 v5, v4  }
0x501: {  	v7 =	vadd.f32 v7, v6;
	v4 =	vld [tilespmem:s16+$0xFFFFFFE0]  }
0x502: {  	v8 =	vadd.f32 v9, v8;
	v6 =	vld [tilespmem:s8+$0xFFFFFFE0];
	[tilespmem:s7+$0x0] =	vst v5  }
0x503: {  	v9 =	vadd.f32 v11, v10;
	[tilespmem:s7+$0xFFFFFFA0] =	vst v7;
	v5 =	vld [tilespmem:s16+$0xFFFFFFF0]  }
0x504: {  	s25 =	simm.s32 $0x0;
	s4 =	simm.s32 $0xE5F0;
	[tilespmem:s7+$0xFFFFFFB0] =	vst v8;
	v7 =	vld [tilespmem:s8+$0xFFFFFFF0]  }
0x505: {  	s24 =	simm.s32 $0x125F0;
	s17 =	simm.s32 $0x165F0;
	v8 =	vld [tilespmem:s16+$0xFFFFFF90];
	[tilespmem:s7+$0xFFFFFFC0] =	vst v9;
	v9 =	vadd.f32 v13, v12;
	s16 =	simm.s32 $0xE970  }
.LBB2_63:
0x506: {  	v10 =	vld [tilespmem:s16+$0x0];
	s8 =	sadd.s32 $0x400, s8  }
0x507: {  	s25 =	sadd.s32 $0x80, s25;
	v11 =	vld [tilespmem:s8+$0x0];
	[tilespmem:s7+$0xFFFFFFD0] =	vst v9;
	v4 =	vadd.f32 v6, v4  }
0x508: {  	p0 =	slt.u32 s25, $0x380;
	v6 =	vld [tilespmem:s8+$0xFFFFFF90]  }
0x509: {  	v9 =	vld [tilespmem:s16+$0xFFFFFFA0];
	[tilespmem:s7+$0xFFFFFFE0] =	vst v4;
	v4 =	vadd.f32 v7, v5  }
0x50a: {  	v5 =	vld [tilespmem:s8+$0xFFFFFFA0];
	v12 =	vadd.f32 v3, v8  }
0x50b: {  	v7 =	vld [tilespmem:s16+$0xFFFFFFB0];
	[tilespmem:s7+$0xFFFFFFF0] =	vst v4  }
0x50c: {  	v4 =	vld [tilespmem:s8+$0xFFFFFFB0];
	v8 =	vadd.f32 v11, v10;
	[tilespmem:s7+$0xFFFFFF90] =	vst v12  }
0x50d: {  	s7 =	sadd.s32 $0x400, s7;
	v10 =	vld [tilespmem:s16+$0xFFFFFFC0];
	v3 =	vmov v6  }
0x50e: {  	v11 =	vld [tilespmem:s8+$0xFFFFFFC0];
	[tilespmem:s7+$0x0] =	vst v8  }
0x50f: {  	v5 =	vadd.f32 v5, v9;
	v9 =	vld [tilespmem:s16+$0xFFFFFFD0]  }
0x510: {  	v12 =	vld [tilespmem:s8+$0xFFFFFFD0]  }
.Ltmp32:
0x511: {  	[tilespmem:s7+$0xFFFFFFA0] =	vst v5;
	v5 =	vadd.f32 v4, v7;
	v4 =	vld [tilespmem:s16+$0xFFFFFFE0];
	(pc) =	sbr.rel @p0 .LBB2_63-.Ltmp32, $4  }
0x512: {  	v6 =	vld [tilespmem:s8+$0xFFFFFFE0]  }
0x513: {  	[tilespmem:s7+$0xFFFFFFB0] =	vst v5;
	v10 =	vadd.f32 v11, v10;
	v5 =	vld [tilespmem:s16+$0xFFFFFFF0]  }
0x514: {  	v7 =	vld [tilespmem:s8+$0xFFFFFFF0]  }
0x515: {  	v8 =	vld [tilespmem:s16+$0xFFFFFF90];
	[tilespmem:s7+$0xFFFFFFC0] =	vst v10;
	v9 =	vadd.f32 v12, v9;
	s16 =	sadd.s32 $0x400, s16  }
0x516: {  	_ =	sdelay $0x1  }
0x517: {  	v4 =	vadd.f32 v6, v4  }
0x518: {  	[tilespmem:s7+$0xFFFFFFD0] =	vst v9;
	v5 =	vadd.f32 v7, v5  }
0x519: {  	[tilespmem:s7+$0xFFFFFFE0] =	vst v4;
	v3 =	vadd.f32 v3, v8  }
0x51a: {  	[tilespmem:s7+$0xFFFFFFF0] =	vst v5  }
0x51b: {  	[tilespmem:s7+$0xFFFFFF90] =	vst v3  }
0x51c: {  	v4 =	vld [tilespmem:s4+$0x0]  }
0x51d: {  	v5 =	vld [tilespmem:s24+$0x0]  }
0x51e: {  	v3 =	vld [tilespmem:s24+$0xFFFFFF90]  }
0x51f: {  	v6 =	vld [tilespmem:s4+$0xFFFFFFA0]  }
0x520: {  	v7 =	vld [tilespmem:s24+$0xFFFFFFA0]  }
0x521: {  	v8 =	vld [tilespmem:s4+$0xFFFFFFB0]  }
0x522: {  	v9 =	vld [tilespmem:s24+$0xFFFFFFB0]  }
0x523: {  	v10 =	vld [tilespmem:s4+$0xFFFFFFC0]  }
0x524: {  	v11 =	vld [tilespmem:s24+$0xFFFFFFC0]  }
0x525: {  	v12 =	vld [tilespmem:s4+$0xFFFFFFD0]  }
0x526: {  	v13 =	vld [tilespmem:s24+$0xFFFFFFD0];
	v5 =	vadd.f32 v5, v4  }
0x527: {  	v7 =	vadd.f32 v7, v6;
	v4 =	vld [tilespmem:s4+$0xFFFFFFE0]  }
0x528: {  	v8 =	vadd.f32 v9, v8;
	v6 =	vld [tilespmem:s24+$0xFFFFFFE0];
	[tilespmem:s17+$0x0] =	vst v5  }
0x529: {  	v9 =	vadd.f32 v11, v10;
	[tilespmem:s17+$0xFFFFFFA0] =	vst v7;
	v5 =	vld [tilespmem:s4+$0xFFFFFFF0]  }
0x52a: {  	[tilespmem:s17+$0xFFFFFFB0] =	vst v8;
	v8 =	vld [tilespmem:s24+$0xFFFFFFF0]  }
0x52b: {  	s7 =	simm.s32 $0x0;
	v7 =	vld [tilespmem:s4+$0xFFFFFF90];
	[tilespmem:s17+$0xFFFFFFC0] =	vst v9;
	v9 =	vadd.f32 v13, v12;
	s4 =	simm.s32 $0xE9F0  }
.LBB2_65:
0x52c: {  	v10 =	vld [tilespmem:s4+$0x0];
	s24 =	sadd.s32 $0x400, s24  }
0x52d: {  	s7 =	sadd.s32 $0x80, s7;
	v11 =	vld [tilespmem:s24+$0x0];
	[tilespmem:s17+$0xFFFFFFD0] =	vst v9;
	v4 =	vadd.f32 v6, v4  }
0x52e: {  	p0 =	slt.u32 s7, $0x380;
	v6 =	vld [tilespmem:s24+$0xFFFFFF90]  }
0x52f: {  	v9 =	vld [tilespmem:s4+$0xFFFFFFA0];
	[tilespmem:s17+$0xFFFFFFE0] =	vst v4;
	v4 =	vadd.f32 v8, v5  }
0x530: {  	v5 =	vld [tilespmem:s24+$0xFFFFFFA0];
	v12 =	vadd.f32 v3, v7  }
0x531: {  	v7 =	vld [tilespmem:s4+$0xFFFFFFB0];
	[tilespmem:s17+$0xFFFFFFF0] =	vst v4  }
0x532: {  	v4 =	vld [tilespmem:s24+$0xFFFFFFB0];
	v8 =	vadd.f32 v11, v10;
	[tilespmem:s17+$0xFFFFFF90] =	vst v12  }
0x533: {  	s17 =	sadd.s32 $0x400, s17;
	v10 =	vld [tilespmem:s4+$0xFFFFFFC0];
	v3 =	vmov v6  }
0x534: {  	v11 =	vld [tilespmem:s24+$0xFFFFFFC0];
	[tilespmem:s17+$0x0] =	vst v8  }
0x535: {  	v5 =	vadd.f32 v5, v9;
	v9 =	vld [tilespmem:s4+$0xFFFFFFD0]  }
0x536: {  	v12 =	vld [tilespmem:s24+$0xFFFFFFD0]  }
.Ltmp33:
0x537: {  	[tilespmem:s17+$0xFFFFFFA0] =	vst v5;
	v5 =	vadd.f32 v4, v7;
	v4 =	vld [tilespmem:s4+$0xFFFFFFE0];
	(pc) =	sbr.rel @p0 .LBB2_65-.Ltmp33, $4  }
0x538: {  	v6 =	vld [tilespmem:s24+$0xFFFFFFE0]  }
0x539: {  	[tilespmem:s17+$0xFFFFFFB0] =	vst v5;
	v10 =	vadd.f32 v11, v10;
	v5 =	vld [tilespmem:s4+$0xFFFFFFF0]  }
0x53a: {  	v8 =	vld [tilespmem:s24+$0xFFFFFFF0]  }
0x53b: {  	v7 =	vld [tilespmem:s4+$0xFFFFFF90];
	[tilespmem:s17+$0xFFFFFFC0] =	vst v10;
	v9 =	vadd.f32 v12, v9;
	s4 =	sadd.s32 $0x400, s4  }
0x53c: {  	_ =	sdelay $0x1  }
0x53d: {  	v4 =	vadd.f32 v6, v4  }
.Ltmp34:
0x53e: {  	s4 =	sadd.s32 s14, s6;
	[tilespmem:s17+$0xFFFFFFD0] =	vst v9;
	v5 =	vadd.f32 v8, v5;
	(pc) =	sbr.rel @p1 .LBB2_68-.Ltmp34, $4  }
0x53f: {  	s4 =	sshll.u32 s4, $0x7;
	[tilespmem:s17+$0xFFFFFFE0] =	vst v4;
	v3 =	vadd.f32 v3, v7  }
0x540: {  	s4 =	sadd.s32 s26, s4;
	[tilespmem:s17+$0xFFFFFFF0] =	vst v5  }
0x541: {  	s4 =	sadd.s32 $0x800, s4;
	[tilespmem:s17+$0xFFFFFF90] =	vst v3  }
0x542: {  	[hbm4b:s4+s5] =	stream.linear.scatter [tilespmem:s23], [sflag:$0x6], $0x4000, $0x38;
	[tilespmem:$0x18200] =	vst v63  }
0x543: {  	v3 =	vld [tilespmem:s14+$0x30];
	_ =	sdelay $0x4  }
0x544: {  	v4 =	vshll.u32 v3, $0x3  }
0x545: {  	v3 =	vand.u32 $0x7, v3;
	v4 =	vand.u32 $0xFFFFFFC0, v4  }
0x546: {  	v3 =	vor.u32 v3, v4  }
0x547: {  	v4 =	vperm.xlane v3, v0;
	_ =	sdelay $0x1  }
0x548: {  	v4 =	vadd.s32 v1, v4;
	_ =	sdelay $0x3  }
0x549: {  	s4 =	simm.s32 $0xC200  }
0x54a: {  	[tilespmem:s4], [sflag:$0x4] =	stream.indirect_vreg.gather [hbm4b:s2+s5], $0x80, v4, vm0, $0xb8;
	[tilespmem:$0x18200] =	vst v63  }
0x54b: {  	v3 =	vperm.xlane v3, v2  }
0x54c: {  	[tilespmem:s28], [sflag:$0x4] =	stream.indirect_vreg.gather [hbm4b:s10+s5], $0x80, v4, vm0, $0xb8;
	[tilespmem:$0x18200] =	vst v63  }
0x54d: {  	v3 =	vadd.s32 v1, v3  }
0x54e: {  	[tilespmem:s29], [sflag:$0x4] =	stream.indirect_vreg.gather [hbm4b:s11+s5], $0x80, v4, vm0, $0xb8;
	[tilespmem:$0x18200] =	vst v63  }
0x54f: {  	_ = 	snop  }
0x550: {  	[tilespmem:s30], [sflag:$0x4] =	stream.indirect_vreg.gather [hbm4b:s12+s5], $0x80, v4, vm0, $0xb8;
	[tilespmem:$0x18200] =	vst v63  }
0x551: {  	_ = 	snop  }
0x552: {  	[tilespmem:s31], [sflag:$0x4] =	stream.indirect_vreg.gather [hbm4b:s2+s5], $0x80, v3, vm0, $0xb8;
	[tilespmem:$0x18200] =	vst v63  }
0x553: {  	_ = 	snop  }
0x554: {  	[tilespmem:s0], [sflag:$0x4] =	stream.indirect_vreg.gather [hbm4b:s10+s5], $0x80, v3, vm0, $0xb8;
	[tilespmem:$0x18200] =	vst v63  }
0x555: {  	s25 =	sadd.s32 $0x30, s14  }
0x556: {  	[tilespmem:s3], [sflag:$0x4] =	stream.indirect_vreg.gather [hbm4b:s11+s5], $0x80, v3, vm0, $0xb8;
	[tilespmem:$0x18200] =	vst v63  }
.Ltmp35:
0x557: {  	s4 =	sadd.s32 s6, s25;
	(pc) =	sbr.rel .LBB2_2-.Ltmp35, $4  }
0x558: {  	s4 =	sshll.u32 s4, $0x7  }
0x559: {  	[tilespmem:s15], [sflag:$0x4] =	stream.indirect_vreg.gather [hbm4b:s12+s5], $0x80, v3, vm0, $0xb8;
	[tilespmem:$0x18200] =	vst v63  }
0x55a: {  	s7 =	simm.s32 $0x10200;
	s9 =	sadd.s32 $0x1, s9;
	s4 =	sadd.s32 s1, s4  }
0x55b: {  	[tilespmem:s7], [sflag:$0x5] =	stream.linear.gather [hbm4b:s4+s5], $0x4000, $0x38;
	[tilespmem:$0x18200] =	vst v63  }
.LBB2_69:
0x55c: {  	_ =	sfence.sel $0x180000  }
0x55d: {  	[bflag:$0x0] =	sbarrier.arrive $0xFFFF  }
0x55e: {  	_ =	strace $0x90000047  }
0x55f: {  	s0 =	stileid.u32;
	[bflag:$0x2] =	sbarrier.arrive $0xFFFF  }
0x560: {  	p0 =	sne.s32 s0, $0x0;
	s0 =	rddreg [dreg:$0x4]  }
0x561: {  	s0 =	sadd.s32 @!p0 $0x100000, s0  }
0x562: {  	[sflag:s0] =	ssyncadd.tile.s32 @!p0 $0x1;
	_ =	shalt  }
.Lfunc_end2:
_tile_overlayer_lowered:
.L_overlay_start_2:
0x563: {  	(tag) =	ssettag $0x2  }
0x564: {  	s0 =	rddreg [dreg:$0x0];
	s2 =	stileid.u32  }
0x565: {  	s1 =	rddreg [dreg:$0x1];
	p0 =	sne.s32 s2, $0x0  }
0x566: {  	s3 =	rddreg [dreg:$0x2];
	[bflag:$0x3] =	sbarrier.arrive $0xFFFF;
	s2 =	simm.s32 @!p0 $0x1C07  }
0x567: {  	[timem:s3], [sflag:s2] =	dma.local @!p0 [hbm:s0], s1  }
0x568: {  	s0 =	simm.s32 @!p0 $0x7  }
0x569: {  	_ =	swait.ge @!p0 [sflag:s0], s1  }
0x56a: {  	s1 =	ssub.s32 @!p0 $0x0, s1;
	[sflag:s0] =	ssyncset.done @!p0 $0x0  }
0x56b: {  	[sflag:s0] =	ssyncadd.s32 @!p0 s1  }
0x56c: {  	[bflag:$0x3] =	sbarrier.arrive $0xFFFF  }
0x56d: {  	_ =	shalt  }

</sc_bundles>
